<compile_context>
chip_gen: v7x
topology: tpu7x:2x2x1
jax: 0.10.2.dev20260603
libtpu: 0.0.44.dev20260713+nightly
codegen_flags: <defaults>
</compile_context>

<pallas_src>
import functools

import jax
import jax.numpy as jnp
from jax import lax
from jax.experimental import pallas as pl
from jax.experimental.pallas import tpu as pltpu
from jax.experimental.pallas import tpu_sc as plsc

N = 10000
E = 320000
D = 128
NC, NS = 2, 16
NW = NC * NS
EPW = E // NW
CH = 80
EPP = 10080
NCHUNK = EPP // CH
NPAD = 10112
RPT = NPAD // NS
TRASH = 10016
NBUF = 3


def _mesh():
    return plsc.VectorSubcoreMesh(
        core_axis_name="c", subcore_axis_name="s",
        num_cores=NC, num_subcores=NS)


@functools.partial(
    pl.kernel,
    out_type=jax.ShapeDtypeStruct((NC * 2 * NPAD,), jnp.float32),
    mesh=_mesh(),
    scratch_types=[
        pltpu.VMEM((NCHUNK, CH), jnp.int32),
        pltpu.VMEM((NCHUNK, CH), jnp.int32),
        pltpu.VMEM((CH,), jnp.float32),
        pltpu.VMEM((RPT,), jnp.float32),
        pltpu.VMEM_SHARED((NPAD,), jnp.float32),
        pltpu.VMEM_SHARED((NPAD,), jnp.float32),
        pltpu.SemaphoreType.DMA((4,)),
    ],
)
def _deg_kernel(src_hbm, dst_hbm, degp_hbm, sidx, didx, ones_v, zrow,
                odeg_sh, ideg_sh, ssem):
    c = lax.axis_index("c")
    s = lax.axis_index("s")
    wid = s * NC + c

    def fill(i, carry):
        ones_v[pl.ds(i * 16, 16)] = jnp.full((16,), 1.0, jnp.float32)
        return carry
    lax.fori_loop(0, CH // 16, fill, None)

    def fillz(i, carry):
        zrow[pl.ds(i * 16, 16)] = jnp.zeros((16,), jnp.float32)
        return carry
    lax.fori_loop(0, RPT // 16, fillz, None)

    pltpu.sync_copy(src_hbm.at[wid], sidx)
    pltpu.sync_copy(dst_hbm.at[wid], didx)
    pltpu.sync_copy(zrow, odeg_sh.at[pl.ds(s * RPT, RPT)])
    pltpu.sync_copy(zrow, ideg_sh.at[pl.ds(s * RPT, RPT)])
    plsc.subcore_barrier()

    def odesc(j, p):
        return pltpu.make_async_copy(ones_v, odeg_sh.at[sidx.at[j]], ssem.at[p])

    def idesc(j, p):
        return pltpu.make_async_copy(ones_v, ideg_sh.at[didx.at[j]],
                                     ssem.at[2 + p])

    def launch(j, p):
        pltpu.async_copy(ones_v, odeg_sh.at[sidx.at[j]], ssem.at[p], add=True)
        pltpu.async_copy(ones_v, ideg_sh.at[didx.at[j]], ssem.at[2 + p],
                         add=True)

    def pair(jj, carry):
        j0 = 2 * jj
        j1 = j0 + 1

        @pl.when(jj > 0)
        def _():
            odesc(j0 - 2, 0).wait()
            idesc(j0 - 2, 0).wait()
        launch(j0, 0)

        @pl.when(jj > 0)
        def _():
            odesc(j1 - 2, 1).wait()
            idesc(j1 - 2, 1).wait()
        launch(j1, 1)
        return carry
    lax.fori_loop(0, NCHUNK // 2, pair, None)
    odesc(NCHUNK - 2, 0).wait()
    idesc(NCHUNK - 2, 0).wait()
    odesc(NCHUNK - 1, 1).wait()
    idesc(NCHUNK - 1, 1).wait()
    plsc.subcore_barrier()

    pltpu.sync_copy(odeg_sh.at[pl.ds(s * RPT, RPT)], zrow)
    pltpu.sync_copy(zrow, degp_hbm.at[pl.ds(c * 2 * NPAD + s * RPT, RPT)])
    pltpu.sync_copy(ideg_sh.at[pl.ds(s * RPT, RPT)], zrow)
    pltpu.sync_copy(zrow,
                    degp_hbm.at[pl.ds(c * 2 * NPAD + NPAD + s * RPT, RPT)])


@functools.partial(
    pl.kernel,
    out_type=jax.ShapeDtypeStruct((NC, NPAD, D), jnp.float32),
    mesh=_mesh(),
    scratch_types=[
        pltpu.VMEM((NBUF * CH,), jnp.int32),
        pltpu.VMEM((NCHUNK, CH), jnp.int32),
        pltpu.VMEM((NBUF, CH, D), jnp.float32),
        pltpu.VMEM_SHARED((NPAD, D), jnp.float32),
        pltpu.SemaphoreType.DMA((NBUF,)),
        pltpu.SemaphoreType.DMA((NBUF,)),
        pltpu.SemaphoreType.DMA((NBUF,)),
    ],
)
def _agg_kernel(h_hbm, src_hbm, dst_hbm, zeros_hbm, parts_hbm,
                sidx, didx, rows_v, agg_sh, isem, gsem, ssem):
    c = lax.axis_index("c")
    s = lax.axis_index("s")
    wid = s * NC + c
    base = wid * EPP

    pltpu.sync_copy(dst_hbm.at[wid], didx)
    pltpu.sync_copy(zeros_hbm, agg_sh.at[pl.ds(s * RPT, RPT)])
    plsc.subcore_barrier()

    def idesc(j, sl):
        return pltpu.make_async_copy(
            src_hbm.at[pl.ds(base + j * CH, CH)],
            sidx.at[pl.ds(sl * CH, CH)], isem.at[sl])

    def gdesc(j, sl):
        return pltpu.make_async_copy(
            h_hbm.at[sidx.at[pl.ds(sl * CH, CH)]], rows_v.at[sl],
            gsem.at[sl])

    def sdesc(j, sl):
        return pltpu.make_async_copy(rows_v.at[sl], agg_sh.at[didx.at[j]],
                                     ssem.at[sl])

    def sstart(j, sl):
        pltpu.async_copy(rows_v.at[sl], agg_sh.at[didx.at[j]], ssem.at[sl],
                         add=True)

    NTRIP = NCHUNK // NBUF

    idesc(0, 0).start()
    idesc(1, 1).start()
    idesc(0, 0).wait()
    gdesc(0, 0).start()

    def triple(jj, carry):
        for t in range(NBUF):
            j = NBUF * jj + t
            sl1 = (t + 1) % NBUF
            sl2 = (t + 2) % NBUF

            if t == 0 or t == 1:
                @pl.when(jj > 0)
                def _():
                    sdesc(j - 2, sl1).wait()
            else:
                sdesc(j - 2, sl1).wait()

            if t == 0:
                idesc(j + 2, sl2).start()
            else:
                @pl.when(jj < NTRIP - 1)
                def _():
                    idesc(j + 2, sl2).start()

            if t < NBUF - 1:
                idesc(j + 1, sl1).wait()
                gdesc(j + 1, sl1).start()
            else:
                @pl.when(jj < NTRIP - 1)
                def _():
                    idesc(j + 1, sl1).wait()
                    gdesc(j + 1, sl1).start()

            gdesc(j, t).wait()
            sstart(j, t)
        return carry
    lax.fori_loop(0, NTRIP, triple, None)
    sdesc(NCHUNK - 2, 1).wait()
    sdesc(NCHUNK - 1, 2).wait()
    plsc.subcore_barrier()

    pltpu.sync_copy(agg_sh.at[pl.ds(s * RPT, RPT)],
                    parts_hbm.at[c, pl.ds(s * RPT, RPT)])


BLK = 1000


def _norms(deg_blk):
    outdeg = deg_blk[:, 0] + deg_blk[:, 2]
    indeg = deg_blk[:, 1] + deg_blk[:, 3]
    ns = jnp.where(outdeg > 0, lax.rsqrt(outdeg), 0.0)
    nd = jnp.where(indeg > 0, lax.rsqrt(indeg), 0.0)
    return ns, nd


def _tc_first_body(x_ref, w_ref, deg_ref, h_ref):
    ns, _ = _norms(deg_ref[...])
    h_ref[...] = jnp.dot(x_ref[...] * ns[:, None], w_ref[...],
                         preferred_element_type=jnp.float32)


def _tc_first(x, W1, degp):
    return pl.pallas_call(
        _tc_first_body,
        grid=(N // BLK,),
        in_specs=[
            pl.BlockSpec((BLK, D), lambda i: (i, 0)),
            pl.BlockSpec((D, D), lambda i: (0, 0)),
            pl.BlockSpec((BLK, 4), lambda i: (i, 0)),
        ],
        out_specs=pl.BlockSpec((BLK, D), lambda i: (i, 0)),
        out_shape=jax.ShapeDtypeStruct((N, D), jnp.float32),
    )(x, W1, degp)


def _tc_mid_body(parts_ref, deg_ref, b_ref, w_ref, h_ref):
    ns, nd = _norms(deg_ref[...])
    agg = parts_ref[0] + parts_ref[1]
    t = jnp.maximum(agg * nd[:, None] + b_ref[...][None, :], 0.0)
    h_ref[...] = jnp.dot(t * ns[:, None], w_ref[...],
                         preferred_element_type=jnp.float32)


def _tc_mid(parts, degp, b1, W2):
    return pl.pallas_call(
        _tc_mid_body,
        grid=(N // BLK,),
        in_specs=[
            pl.BlockSpec((NC, BLK, D), lambda i: (0, i, 0)),
            pl.BlockSpec((BLK, 4), lambda i: (i, 0)),
            pl.BlockSpec((D,), lambda i: (0,)),
            pl.BlockSpec((D, D), lambda i: (0, 0)),
        ],
        out_specs=pl.BlockSpec((BLK, D), lambda i: (i, 0)),
        out_shape=jax.ShapeDtypeStruct((N, D), jnp.float32),
    )(parts, degp, b1, W2)


def _tc_last_body(parts_ref, deg_ref, b_ref, out_ref):
    _, nd = _norms(deg_ref[...])
    agg = parts_ref[0] + parts_ref[1]
    out_ref[...] = agg * nd[:, None] + b_ref[...][None, :]


def _tc_last(parts, degp, b2):
    return pl.pallas_call(
        _tc_last_body,
        grid=(N // BLK,),
        in_specs=[
            pl.BlockSpec((NC, BLK, D), lambda i: (0, i, 0)),
            pl.BlockSpec((BLK, 4), lambda i: (i, 0)),
            pl.BlockSpec((D,), lambda i: (0,)),
        ],
        out_specs=pl.BlockSpec((BLK, D), lambda i: (i, 0)),
        out_shape=jax.ShapeDtypeStruct((N, D), jnp.float32),
    )(parts, degp, b2)


def kernel(x, edge_index, W1, b1, W2, b2):
    ei = edge_index.astype(jnp.int32)
    src = ei[0].reshape(NW, EPW)
    dst = ei[1].reshape(NW, EPW)
    pad = ((0, 0), (0, EPP - EPW))
    src_deg = jnp.pad(src, pad, constant_values=TRASH).reshape(NW, NCHUNK, CH)
    src_agg = jnp.pad(src, pad, constant_values=0).reshape(NW * EPP)
    dst_pad = jnp.pad(dst, pad, constant_values=TRASH).reshape(NW, NCHUNK, CH)
    zeros = jnp.zeros((RPT, D), jnp.float32)

    degp = _deg_kernel(src_deg, dst_pad)
    deg4 = degp.reshape(4, NPAD).T
    h1 = _tc_first(x, W1, deg4)
    parts1 = _agg_kernel(h1, src_agg, dst_pad, zeros)
    h2 = _tc_mid(parts1, deg4, b1, W2)
    parts2 = _agg_kernel(h2, src_agg, dst_pad, zeros)
    out = _tc_last(parts2, deg4, b2)
    return out

# --- scband reference (transcript-rebuilt; emitter-appended) ---
"""Pipeline reference for scband-gcnlink-prediction-15075335209311 (READ-ONLY COPY).

The authoritative reference and input builder live on the scoring server;
editing this copy changes nothing except your own understanding.
"""

import jax, jax.numpy as jnp
import numpy as np

N_NODES = 10000
N_EDGES = 320000
IN_FEATS = 128
N_HIDDEN = 128


def setup_inputs(seed: int = 0) -> dict:
    key = jax.random.key(seed)
    k1, k2, k3, k4, k5, k6 = jax.random.split(key, 6)
    x = jax.random.normal(k1, (N_NODES, IN_FEATS), dtype=jnp.float32)
    edge_index = jax.random.randint(k2, (2, N_EDGES), 0, N_NODES, dtype=jnp.int64)
    s1 = (2.0 / (IN_FEATS + N_HIDDEN)) ** 0.5
    s2 = (2.0 / (N_HIDDEN + N_HIDDEN)) ** 0.5
    W1 = jax.random.normal(k3, (IN_FEATS, N_HIDDEN), dtype=jnp.float32) * s1
    b1 = jnp.zeros((N_HIDDEN,), dtype=jnp.float32)
    W2 = jax.random.normal(k4, (N_HIDDEN, N_HIDDEN), dtype=jnp.float32) * s2
    b2 = jnp.zeros((N_HIDDEN,), dtype=jnp.float32)
    return {"x": x, "edge_index": edge_index, "W1": W1, "b1": b1, "W2": W2, "b2": b2}


def _gcn_conv(x, W, b, src, dst, n_nodes):
    # DGL GraphConv with norm='both': D^{-1/2} A D^{-1/2} X W + b
    ones = jnp.ones((src.shape[0],), dtype=x.dtype)
    in_deg = jnp.zeros((n_nodes,), dtype=x.dtype).at[dst].add(ones)
    out_deg = jnp.zeros((n_nodes,), dtype=x.dtype).at[src].add(ones)
    norm_src = jnp.where(out_deg > 0, out_deg ** -0.5, 0.0)
    norm_dst = jnp.where(in_deg > 0, in_deg ** -0.5, 0.0)
    h = x * norm_src[:, None]
    h = h @ W
    msg = jnp.take(h, src, axis=0)
    agg = jnp.zeros((n_nodes, W.shape[1]), dtype=x.dtype).at[dst].add(msg)
    out = agg * norm_dst[:, None] + b
    return out


def reference(x, edge_index, W1, b1, W2, b2):
    src = edge_index[0]
    dst = edge_index[1]
    n_nodes = x.shape[0]
    h = _gcn_conv(x, W1, b1, src, dst, n_nodes)
    h = jax.nn.relu(h)
    h = _gcn_conv(h, W2, b2, src, dst, n_nodes)
    return h

if __name__ == "__main__":
    import jax
    _d = setup_inputs()
    print(jax.jit(kernel)(*tuple(_d.values())))

</pallas_src>

<mosaic_0001>
#map = affine_map<(d0, d1) -> (0, 0, 0)>
#map1 = affine_map<(d0, d1) -> (0)>
module attributes {stable_mosaic.version = 14 : i64} {
  func.func @_deg_kernel(%arg0: i32, %arg1: i32, %arg2: memref<32x126x80xi32, #tpu.memory_space<hbm>>, %arg3: memref<32x126x80xi32, #tpu.memory_space<hbm>>, %arg4: memref<40448xf32, #tpu.memory_space<hbm>>, %arg5: memref<126x80xi32, #tpu.memory_space<vmem>>, %arg6: memref<126x80xi32, #tpu.memory_space<vmem>>, %arg7: memref<80xf32, #tpu.memory_space<vmem>>, %arg8: memref<632xf32, #tpu.memory_space<vmem>>, %arg9: memref<10112xf32, #tpu.memory_space<vmem_shared>>, %arg10: memref<10112xf32, #tpu.memory_space<vmem_shared>>, %arg11: memref<4x!tpu.dma_semaphore, #tpu.memory_space<semaphore_mem>>) attributes {dimension_semantics = [#tpu.dimension_semantics<core_parallel>, #tpu.dimension_semantics<subcore_parallel>], iteration_bounds = array<i64: 2, 16>, scalar_prefetch = 0 : i64, scratch_operands = 7 : i64, tpu.core_type = #tpu.core_type<sc_vector_subcore>, window_params = [{transform_indices = #map}, {transform_indices = #map}, {transform_indices = #map1}]} {
    %mul3A = arith.constant 2 : i32
    %mul3A_0 = arith.muli %arg1, %mul3A : i32
    %add3A = arith.addi %mul3A_0, %arg0 : i32
    %scan3A = arith.constant 0 : i32
    %scan3A_1 = arith.constant 5 : i32
    %scan3A_2 = arith.addi %scan3A, %scan3A_1 : i32
    %scan3A_3 = arith.constant 1 : i32
    scf.for %scan3A_75 = %scan3A to %scan3A_2 step %scan3A_3  : i32 {
      %broadcast_in_dim3A = arith.constant 1.000000e+00 : f32
      %broadcast_in_dim3A_76 = vector.broadcast %broadcast_in_dim3A : f32 to vector<16xf32>
      %mul3A_77 = arith.constant 16 : i32
      %mul3A_78 = arith.muli %scan3A_75, %mul3A_77 : i32
      %swap3A = arith.index_cast %mul3A_78 : i32 to index
      %swap3A_79 = tpu.vector_load %arg7[%swap3A] {strides = array<i32>} : memref<80xf32, #tpu.memory_space<vmem>>, vector<16xf32>,
      %swap3A_80 = vector.shape_cast %swap3A_79 : vector<16xf32> to vector<16xf32>
      %swap3A_81 = vector.shape_cast %broadcast_in_dim3A_76 : vector<16xf32> to vector<16xf32>
      tpu.vector_store %arg7[%swap3A], %swap3A_81 {strides = array<i32>} : memref<80xf32, #tpu.memory_space<vmem>>, vector<16xf32>,
    }
    %scan3A_4 = arith.constant 5 : i32
    %scan3A_5 = arith.constant 0 : i32
    %scan3A_6 = arith.constant 39 : i32
    %scan3A_7 = arith.addi %scan3A_5, %scan3A_6 : i32
    %scan3A_8 = arith.constant 1 : i32
    scf.for %scan3A_75 = %scan3A_5 to %scan3A_7 step %scan3A_8  : i32 {
      %broadcast_in_dim3A = arith.constant 0.000000e+00 : f32
      %broadcast_in_dim3A_76 = vector.broadcast %broadcast_in_dim3A : f32 to vector<16xf32>
      %mul3A_77 = arith.constant 16 : i32
      %mul3A_78 = arith.muli %scan3A_75, %mul3A_77 : i32
      %swap3A = arith.index_cast %mul3A_78 : i32 to index
      %swap3A_79 = tpu.vector_load %arg8[%swap3A] {strides = array<i32>} : memref<632xf32, #tpu.memory_space<vmem>>, vector<16xf32>,
      %swap3A_80 = vector.shape_cast %swap3A_79 : vector<16xf32> to vector<16xf32>
      %swap3A_81 = vector.shape_cast %broadcast_in_dim3A_76 : vector<16xf32> to vector<16xf32>
      tpu.vector_store %arg8[%swap3A], %swap3A_81 {strides = array<i32>} : memref<632xf32, #tpu.memory_space<vmem>>, vector<16xf32>,
    }
    %scan3A_9 = arith.constant 39 : i32
    "tpu.region"() ({
      %run_scoped3A = tpu.sem_alloc : memref<!tpu.dma_semaphore, #tpu.memory_space<semaphore_mem>>
      %dma_start3A = arith.constant 0 : i32
      %dma_start3A_75 = arith.constant 0 : i32
      %dma_start3A_76 = tpu.memref_slice %arg2[%add3A, %dma_start3A, %dma_start3A_75] : memref<32x126x80xi32, #tpu.memory_space<hbm>> -> memref<1x126x80xi32, #tpu.memory_space<hbm>>
      %dma_start3A_77 = tpu.memref_squeeze %dma_start3A_76 : memref<1x126x80xi32, #tpu.memory_space<hbm>> -> memref<126x80xi32, #tpu.memory_space<hbm>>
      %dma_start3A_78 = arith.constant 0 : i32
      %dma_start3A_79 = arith.constant 0 : i32
      %dma_start3A_80 = tpu.memref_slice %arg2[%add3A, %dma_start3A_78, %dma_start3A_79] : memref<32x126x80xi32, #tpu.memory_space<hbm>> -> memref<1x126x80xi32, #tpu.memory_space<hbm>>
      %dma_start3A_81 = tpu.memref_squeeze %dma_start3A_80 : memref<1x126x80xi32, #tpu.memory_space<hbm>> -> memref<126x80xi32, #tpu.memory_space<hbm>>
      tpu.enqueue_dma source(%dma_start3A_81 : memref<126x80xi32, #tpu.memory_space<hbm>>) target(%arg5 : memref<126x80xi32, #tpu.memory_space<vmem>>) target_semaphore(%run_scoped3A : memref<!tpu.dma_semaphore, #tpu.memory_space<semaphore_mem>>)
      %dma_wait3A_82 = arith.constant 0 : i32
      %dma_wait3A_83 = arith.constant 0 : i32
      %dma_wait3A_84 = tpu.memref_slice %arg2[%add3A, %dma_wait3A_82, %dma_wait3A_83] : memref<32x126x80xi32, #tpu.memory_space<hbm>> -> memref<1x126x80xi32, #tpu.memory_space<hbm>>
      %dma_wait3A_85 = tpu.memref_squeeze %dma_wait3A_84 : memref<1x126x80xi32, #tpu.memory_space<hbm>> -> memref<126x80xi32, #tpu.memory_space<hbm>>
      %dma_wait3A_86 = arith.constant 0 : i32
      %dma_wait3A_87 = arith.constant 0 : i32
      %dma_wait3A_88 = tpu.memref_slice %arg2[%add3A, %dma_wait3A_86, %dma_wait3A_87] : memref<32x126x80xi32, #tpu.memory_space<hbm>> -> memref<1x126x80xi32, #tpu.memory_space<hbm>>
      %dma_wait3A_89 = tpu.memref_squeeze %dma_wait3A_88 : memref<1x126x80xi32, #tpu.memory_space<hbm>> -> memref<126x80xi32, #tpu.memory_space<hbm>>
      tpu.wait_dma2 semaphore(%run_scoped3A : memref<!tpu.dma_semaphore, #tpu.memory_space<semaphore_mem>>) src(%dma_wait3A_89 : memref<126x80xi32, #tpu.memory_space<hbm>>) dst(%arg5 : memref<126x80xi32, #tpu.memory_space<vmem>>)
      tpu.yield
    }) : () -> ()
    "tpu.region"() ({
      %run_scoped3A = tpu.sem_alloc : memref<!tpu.dma_semaphore, #tpu.memory_space<semaphore_mem>>
      %dma_start3A = arith.constant 0 : i32
      %dma_start3A_75 = arith.constant 0 : i32
      %dma_start3A_76 = tpu.memref_slice %arg3[%add3A, %dma_start3A, %dma_start3A_75] : memref<32x126x80xi32, #tpu.memory_space<hbm>> -> memref<1x126x80xi32, #tpu.memory_space<hbm>>
      %dma_start3A_77 = tpu.memref_squeeze %dma_start3A_76 : memref<1x126x80xi32, #tpu.memory_space<hbm>> -> memref<126x80xi32, #tpu.memory_space<hbm>>
      %dma_start3A_78 = arith.constant 0 : i32
      %dma_start3A_79 = arith.constant 0 : i32
      %dma_start3A_80 = tpu.memref_slice %arg3[%add3A, %dma_start3A_78, %dma_start3A_79] : memref<32x126x80xi32, #tpu.memory_space<hbm>> -> memref<1x126x80xi32, #tpu.memory_space<hbm>>
      %dma_start3A_81 = tpu.memref_squeeze %dma_start3A_80 : memref<1x126x80xi32, #tpu.memory_space<hbm>> -> memref<126x80xi32, #tpu.memory_space<hbm>>
      tpu.enqueue_dma source(%dma_start3A_81 : memref<126x80xi32, #tpu.memory_space<hbm>>) target(%arg6 : memref<126x80xi32, #tpu.memory_space<vmem>>) target_semaphore(%run_scoped3A : memref<!tpu.dma_semaphore, #tpu.memory_space<semaphore_mem>>)
      %dma_wait3A_82 = arith.constant 0 : i32
      %dma_wait3A_83 = arith.constant 0 : i32
      %dma_wait3A_84 = tpu.memref_slice %arg3[%add3A, %dma_wait3A_82, %dma_wait3A_83] : memref<32x126x80xi32, #tpu.memory_space<hbm>> -> memref<1x126x80xi32, #tpu.memory_space<hbm>>
      %dma_wait3A_85 = tpu.memref_squeeze %dma_wait3A_84 : memref<1x126x80xi32, #tpu.memory_space<hbm>> -> memref<126x80xi32, #tpu.memory_space<hbm>>
      %dma_wait3A_86 = arith.constant 0 : i32
      %dma_wait3A_87 = arith.constant 0 : i32
      %dma_wait3A_88 = tpu.memref_slice %arg3[%add3A, %dma_wait3A_86, %dma_wait3A_87] : memref<32x126x80xi32, #tpu.memory_space<hbm>> -> memref<1x126x80xi32, #tpu.memory_space<hbm>>
      %dma_wait3A_89 = tpu.memref_squeeze %dma_wait3A_88 : memref<1x126x80xi32, #tpu.memory_space<hbm>> -> memref<126x80xi32, #tpu.memory_space<hbm>>
      tpu.wait_dma2 semaphore(%run_scoped3A : memref<!tpu.dma_semaphore, #tpu.memory_space<semaphore_mem>>) src(%dma_wait3A_89 : memref<126x80xi32, #tpu.memory_space<hbm>>) dst(%arg6 : memref<126x80xi32, #tpu.memory_space<vmem>>)
      tpu.yield
    }) : () -> ()
    %mul3A_10 = arith.constant 632 : i32
    %mul3A_11 = arith.muli %arg1, %mul3A_10 : i32
    "tpu.region"() ({
      %run_scoped3A = tpu.sem_alloc : memref<!tpu.dma_semaphore, #tpu.memory_space<semaphore_mem>>
      %dma_start3A = tpu.memref_slice %arg9[%mul3A_11] : memref<10112xf32, #tpu.memory_space<vmem_shared>> -> memref<632xf32, #tpu.memory_space<vmem_shared>>
      %dma_start3A_75 = tpu.memref_slice %arg9[%mul3A_11] : memref<10112xf32, #tpu.memory_space<vmem_shared>> -> memref<632xf32, #tpu.memory_space<vmem_shared>>
      tpu.enqueue_dma source(%arg8 : memref<632xf32, #tpu.memory_space<vmem>>) target(%dma_start3A_75 : memref<632xf32, #tpu.memory_space<vmem_shared>>) target_semaphore(%run_scoped3A : memref<!tpu.dma_semaphore, #tpu.memory_space<semaphore_mem>>)
      %dma_wait3A_76 = tpu.memref_slice %arg9[%mul3A_11] : memref<10112xf32, #tpu.memory_space<vmem_shared>> -> memref<632xf32, #tpu.memory_space<vmem_shared>>
      %dma_wait3A_77 = tpu.memref_slice %arg9[%mul3A_11] : memref<10112xf32, #tpu.memory_space<vmem_shared>> -> memref<632xf32, #tpu.memory_space<vmem_shared>>
      tpu.wait_dma2 semaphore(%run_scoped3A : memref<!tpu.dma_semaphore, #tpu.memory_space<semaphore_mem>>) src(%arg8 : memref<632xf32, #tpu.memory_space<vmem>>) dst(%dma_wait3A_77 : memref<632xf32, #tpu.memory_space<vmem_shared>>)
      tpu.yield
    }) : () -> ()
    %mul3A_12 = arith.constant 632 : i32
    %mul3A_13 = arith.muli %arg1, %mul3A_12 : i32
    "tpu.region"() ({
      %run_scoped3A = tpu.sem_alloc : memref<!tpu.dma_semaphore, #tpu.memory_space<semaphore_mem>>
      %dma_start3A = tpu.memref_slice %arg10[%mul3A_13] : memref<10112xf32, #tpu.memory_space<vmem_shared>> -> memref<632xf32, #tpu.memory_space<vmem_shared>>
      %dma_start3A_75 = tpu.memref_slice %arg10[%mul3A_13] : memref<10112xf32, #tpu.memory_space<vmem_shared>> -> memref<632xf32, #tpu.memory_space<vmem_shared>>
      tpu.enqueue_dma source(%arg8 : memref<632xf32, #tpu.memory_space<vmem>>) target(%dma_start3A_75 : memref<632xf32, #tpu.memory_space<vmem_shared>>) target_semaphore(%run_scoped3A : memref<!tpu.dma_semaphore, #tpu.memory_space<semaphore_mem>>)
      %dma_wait3A_76 = tpu.memref_slice %arg10[%mul3A_13] : memref<10112xf32, #tpu.memory_space<vmem_shared>> -> memref<632xf32, #tpu.memory_space<vmem_shared>>
      %dma_wait3A_77 = tpu.memref_slice %arg10[%mul3A_13] : memref<10112xf32, #tpu.memory_space<vmem_shared>> -> memref<632xf32, #tpu.memory_space<vmem_shared>>
      tpu.wait_dma2 semaphore(%run_scoped3A : memref<!tpu.dma_semaphore, #tpu.memory_space<semaphore_mem>>) src(%arg8 : memref<632xf32, #tpu.memory_space<vmem>>) dst(%dma_wait3A_77 : memref<632xf32, #tpu.memory_space<vmem_shared>>)
      tpu.yield
    }) : () -> ()
    %barrier3A = arith.constant 0 : index
    tpu.barrier barrier_id(%barrier3A)
    %scan3A_14 = arith.constant 0 : i32
    %scan3A_15 = arith.constant 63 : i32
    %scan3A_16 = arith.addi %scan3A_14, %scan3A_15 : i32
    %scan3A_17 = arith.constant 1 : i32
    scf.for %scan3A_75 = %scan3A_14 to %scan3A_16 step %scan3A_17  : i32 {
      %mul3A_76 = arith.constant 2 : i32
      %mul3A_77 = arith.muli %mul3A_76, %scan3A_75 : i32
      %add3A_78 = arith.constant 1 : i32
      %add3A_79 = arith.addi %mul3A_77, %add3A_78 : i32
      %gt3A = arith.constant 0 : i32
      %gt3A_80 = arith.cmpi sgt, %scan3A_75, %gt3A : i32
      %convert_element_type3A = arith.extui %gt3A_80 : i1 to i32
      %cond3A = arith.constant 0 : i32
      %cond3A_81 = arith.cmpi ne, %convert_element_type3A, %cond3A : i32
      scf.if %cond3A_81 {
        %sub3A = arith.constant 2 : i32
        %sub3A_118 = arith.subi %mul3A_77, %sub3A : i32
        %dma_wait3A_119 = arith.constant 0 : i32
        %dma_wait3A_120 = arith.constant 0 : i32
        %dma_wait3A_121 = tpu.memref_slice %arg5[%sub3A_118, %dma_wait3A_120] : memref<126x80xi32, #tpu.memory_space<vmem>> -> memref<1x80xi32, #tpu.memory_space<vmem>>
        %dma_wait3A_122 = tpu.memref_squeeze %dma_wait3A_121 : memref<1x80xi32, #tpu.memory_space<vmem>> -> memref<80xi32, #tpu.memory_space<vmem>>
        %dma_wait3A_123 = arith.constant 0 : i32
        %dma_wait3A_124 = tpu.memref_slice %arg9[%dma_wait3A_123] : memref<10112xf32, #tpu.memory_space<vmem_shared>> -> memref<10112xf32, #tpu.memory_space<vmem_shared>>
        %dma_wait3A_125 = tpu.memref_slice %arg11[%dma_wait3A_119] : memref<4x!tpu.dma_semaphore, #tpu.memory_space<semaphore_mem>> -> memref<1x!tpu.dma_semaphore, #tpu.memory_space<semaphore_mem>>
        %dma_wait3A_126 = tpu.memref_squeeze %dma_wait3A_125 : memref<1x!tpu.dma_semaphore, #tpu.memory_space<semaphore_mem>> -> memref<!tpu.dma_semaphore, #tpu.memory_space<semaphore_mem>>
        tpu.wait_indirect_dma semaphore(%dma_wait3A_126 : memref<!tpu.dma_semaphore, #tpu.memory_space<semaphore_mem>>) src(%arg7 : memref<80xf32, #tpu.memory_space<vmem>>) dst(%dma_wait3A_124 : memref<10112xf32, #tpu.memory_space<vmem_shared>>)
        %sub3A_127 = arith.constant 2 : i32
        %sub3A_128 = arith.subi %mul3A_77, %sub3A_127 : i32
        %dma_wait3A_129 = arith.constant 2 : i32
        %dma_wait3A_130 = arith.constant 0 : i32
        %dma_wait3A_131 = tpu.memref_slice %arg6[%sub3A_128, %dma_wait3A_130] : memref<126x80xi32, #tpu.memory_space<vmem>> -> memref<1x80xi32, #tpu.memory_space<vmem>>
        %dma_wait3A_132 = tpu.memref_squeeze %dma_wait3A_131 : memref<1x80xi32, #tpu.memory_space<vmem>> -> memref<80xi32, #tpu.memory_space<vmem>>
        %dma_wait3A_133 = arith.constant 0 : i32
        %dma_wait3A_134 = tpu.memref_slice %arg10[%dma_wait3A_133] : memref<10112xf32, #tpu.memory_space<vmem_shared>> -> memref<10112xf32, #tpu.memory_space<vmem_shared>>
        %dma_wait3A_135 = tpu.memref_slice %arg11[%dma_wait3A_129] : memref<4x!tpu.dma_semaphore, #tpu.memory_space<semaphore_mem>> -> memref<1x!tpu.dma_semaphore, #tpu.memory_space<semaphore_mem>>
        %dma_wait3A_136 = tpu.memref_squeeze %dma_wait3A_135 : memref<1x!tpu.dma_semaphore, #tpu.memory_space<semaphore_mem>> -> memref<!tpu.dma_semaphore, #tpu.memory_space<semaphore_mem>>
        tpu.wait_indirect_dma semaphore(%dma_wait3A_136 : memref<!tpu.dma_semaphore, #tpu.memory_space<semaphore_mem>>) src(%arg7 : memref<80xf32, #tpu.memory_space<vmem>>) dst(%dma_wait3A_134 : memref<10112xf32, #tpu.memory_space<vmem_shared>>)
      } else {
      }
      %dma_start3A = arith.constant 0 : i32
      %dma_start3A_82 = arith.constant 0 : i32
      %dma_start3A_83 = tpu.memref_slice %arg5[%mul3A_77, %dma_start3A_82] : memref<126x80xi32, #tpu.memory_space<vmem>> -> memref<1x80xi32, #tpu.memory_space<vmem>>
      %dma_start3A_84 = tpu.memref_squeeze %dma_start3A_83 : memref<1x80xi32, #tpu.memory_space<vmem>> -> memref<80xi32, #tpu.memory_space<vmem>>
      %dma_start3A_85 = arith.constant 0 : i32
      %dma_start3A_86 = tpu.memref_slice %arg9[%dma_start3A_85] : memref<10112xf32, #tpu.memory_space<vmem_shared>> -> memref<10112xf32, #tpu.memory_space<vmem_shared>>
      %dma_start3A_87 = tpu.memref_slice %arg11[%dma_start3A] : memref<4x!tpu.dma_semaphore, #tpu.memory_space<semaphore_mem>> -> memref<1x!tpu.dma_semaphore, #tpu.memory_space<semaphore_mem>>
      %dma_start3A_88 = tpu.memref_squeeze %dma_start3A_87 : memref<1x!tpu.dma_semaphore, #tpu.memory_space<semaphore_mem>> -> memref<!tpu.dma_semaphore, #tpu.memory_space<semaphore_mem>>
      tpu.enqueue_indirect_dma source(%arg7 : memref<80xf32, #tpu.memory_space<vmem>>) target(%dma_start3A_86 : memref<10112xf32, #tpu.memory_space<vmem_shared>>) offsets(%dma_start3A_84 : memref<80xi32, #tpu.memory_space<vmem>>) semaphore(%dma_start3A_88 : memref<!tpu.dma_semaphore, #tpu.memory_space<semaphore_mem>>) {add = true}
      %dma_start3A_89 = arith.constant 2 : i32
      %dma_start3A_90 = arith.constant 0 : i32
      %dma_start3A_91 = tpu.memref_slice %arg6[%mul3A_77, %dma_start3A_90] : memref<126x80xi32, #tpu.memory_space<vmem>> -> memref<1x80xi32, #tpu.memory_space<vmem>>
      %dma_start3A_92 = tpu.memref_squeeze %dma_start3A_91 : memref<1x80xi32, #tpu.memory_space<vmem>> -> memref<80xi32, #tpu.memory_space<vmem>>
      %dma_start3A_93 = arith.constant 0 : i32
      %dma_start3A_94 = tpu.memref_slice %arg10[%dma_start3A_93] : memref<10112xf32, #tpu.memory_space<vmem_shared>> -> memref<10112xf32, #tpu.memory_space<vmem_shared>>
      %dma_start3A_95 = tpu.memref_slice %arg11[%dma_start3A_89] : memref<4x!tpu.dma_semaphore, #tpu.memory_space<semaphore_mem>> -> memref<1x!tpu.dma_semaphore, #tpu.memory_space<semaphore_mem>>
      %dma_start3A_96 = tpu.memref_squeeze %dma_start3A_95 : memref<1x!tpu.dma_semaphore, #tpu.memory_space<semaphore_mem>> -> memref<!tpu.dma_semaphore, #tpu.memory_space<semaphore_mem>>
      tpu.enqueue_indirect_dma source(%arg7 : memref<80xf32, #tpu.memory_space<vmem>>) target(%dma_start3A_94 : memref<10112xf32, #tpu.memory_space<vmem_shared>>) offsets(%dma_start3A_92 : memref<80xi32, #tpu.memory_space<vmem>>) semaphore(%dma_start3A_96 : memref<!tpu.dma_semaphore, #tpu.memory_space<semaphore_mem>>) {add = true}
      %gt3A_97 = arith.constant 0 : i32
      %gt3A_98 = arith.cmpi sgt, %scan3A_75, %gt3A_97 : i32
      %convert_element_type3A_99 = arith.extui %gt3A_98 : i1 to i32
      %cond3A_100 = arith.constant 0 : i32
      %cond3A_101 = arith.cmpi ne, %convert_element_type3A_99, %cond3A_100 : i32
      scf.if %cond3A_101 {
        %sub3A = arith.constant 2 : i32
        %sub3A_118 = arith.subi %add3A_79, %sub3A : i32
        %dma_wait3A_119 = arith.constant 1 : i32
        %dma_wait3A_120 = arith.constant 0 : i32
        %dma_wait3A_121 = tpu.memref_slice %arg5[%sub3A_118, %dma_wait3A_120] : memref<126x80xi32, #tpu.memory_space<vmem>> -> memref<1x80xi32, #tpu.memory_space<vmem>>
        %dma_wait3A_122 = tpu.memref_squeeze %dma_wait3A_121 : memref<1x80xi32, #tpu.memory_space<vmem>> -> memref<80xi32, #tpu.memory_space<vmem>>
        %dma_wait3A_123 = arith.constant 0 : i32
        %dma_wait3A_124 = tpu.memref_slice %arg9[%dma_wait3A_123] : memref<10112xf32, #tpu.memory_space<vmem_shared>> -> memref<10112xf32, #tpu.memory_space<vmem_shared>>
        %dma_wait3A_125 = tpu.memref_slice %arg11[%dma_wait3A_119] : memref<4x!tpu.dma_semaphore, #tpu.memory_space<semaphore_mem>> -> memref<1x!tpu.dma_semaphore, #tpu.memory_space<semaphore_mem>>
        %dma_wait3A_126 = tpu.memref_squeeze %dma_wait3A_125 : memref<1x!tpu.dma_semaphore, #tpu.memory_space<semaphore_mem>> -> memref<!tpu.dma_semaphore, #tpu.memory_space<semaphore_mem>>
        tpu.wait_indirect_dma semaphore(%dma_wait3A_126 : memref<!tpu.dma_semaphore, #tpu.memory_space<semaphore_mem>>) src(%arg7 : memref<80xf32, #tpu.memory_space<vmem>>) dst(%dma_wait3A_124 : memref<10112xf32, #tpu.memory_space<vmem_shared>>)
        %sub3A_127 = arith.constant 2 : i32
        %sub3A_128 = arith.subi %add3A_79, %sub3A_127 : i32
        %dma_wait3A_129 = arith.constant 3 : i32
        %dma_wait3A_130 = arith.constant 0 : i32
        %dma_wait3A_131 = tpu.memref_slice %arg6[%sub3A_128, %dma_wait3A_130] : memref<126x80xi32, #tpu.memory_space<vmem>> -> memref<1x80xi32, #tpu.memory_space<vmem>>
        %dma_wait3A_132 = tpu.memref_squeeze %dma_wait3A_131 : memref<1x80xi32, #tpu.memory_space<vmem>> -> memref<80xi32, #tpu.memory_space<vmem>>
        %dma_wait3A_133 = arith.constant 0 : i32
        %dma_wait3A_134 = tpu.memref_slice %arg10[%dma_wait3A_133] : memref<10112xf32, #tpu.memory_space<vmem_shared>> -> memref<10112xf32, #tpu.memory_space<vmem_shared>>
        %dma_wait3A_135 = tpu.memref_slice %arg11[%dma_wait3A_129] : memref<4x!tpu.dma_semaphore, #tpu.memory_space<semaphore_mem>> -> memref<1x!tpu.dma_semaphore, #tpu.memory_space<semaphore_mem>>
        %dma_wait3A_136 = tpu.memref_squeeze %dma_wait3A_135 : memref<1x!tpu.dma_semaphore, #tpu.memory_space<semaphore_mem>> -> memref<!tpu.dma_semaphore, #tpu.memory_space<semaphore_mem>>
        tpu.wait_indirect_dma semaphore(%dma_wait3A_136 : memref<!tpu.dma_semaphore, #tpu.memory_space<semaphore_mem>>) src(%arg7 : memref<80xf32, #tpu.memory_space<vmem>>) dst(%dma_wait3A_134 : memref<10112xf32, #tpu.memory_space<vmem_shared>>)
      } else {
      }
      %dma_start3A_102 = arith.constant 1 : i32
      %dma_start3A_103 = arith.constant 0 : i32
      %dma_start3A_104 = tpu.memref_slice %arg5[%add3A_79, %dma_start3A_103] : memref<126x80xi32, #tpu.memory_space<vmem>> -> memref<1x80xi32, #tpu.memory_space<vmem>>
      %dma_start3A_105 = tpu.memref_squeeze %dma_start3A_104 : memref<1x80xi32, #tpu.memory_space<vmem>> -> memref<80xi32, #tpu.memory_space<vmem>>
      %dma_start3A_106 = arith.constant 0 : i32
      %dma_start3A_107 = tpu.memref_slice %arg9[%dma_start3A_106] : memref<10112xf32, #tpu.memory_space<vmem_shared>> -> memref<10112xf32, #tpu.memory_space<vmem_shared>>
      %dma_start3A_108 = tpu.memref_slice %arg11[%dma_start3A_102] : memref<4x!tpu.dma_semaphore, #tpu.memory_space<semaphore_mem>> -> memref<1x!tpu.dma_semaphore, #tpu.memory_space<semaphore_mem>>
      %dma_start3A_109 = tpu.memref_squeeze %dma_start3A_108 : memref<1x!tpu.dma_semaphore, #tpu.memory_space<semaphore_mem>> -> memref<!tpu.dma_semaphore, #tpu.memory_space<semaphore_mem>>
      tpu.enqueue_indirect_dma source(%arg7 : memref<80xf32, #tpu.memory_space<vmem>>) target(%dma_start3A_107 : memref<10112xf32, #tpu.memory_space<vmem_shared>>) offsets(%dma_start3A_105 : memref<80xi32, #tpu.memory_space<vmem>>) semaphore(%dma_start3A_109 : memref<!tpu.dma_semaphore, #tpu.memory_space<semaphore_mem>>) {add = true}
      %dma_start3A_110 = arith.constant 3 : i32
      %dma_start3A_111 = arith.constant 0 : i32
      %dma_start3A_112 = tpu.memref_slice %arg6[%add3A_79, %dma_start3A_111] : memref<126x80xi32, #tpu.memory_space<vmem>> -> memref<1x80xi32, #tpu.memory_space<vmem>>
      %dma_start3A_113 = tpu.memref_squeeze %dma_start3A_112 : memref<1x80xi32, #tpu.memory_space<vmem>> -> memref<80xi32, #tpu.memory_space<vmem>>
      %dma_start3A_114 = arith.constant 0 : i32
      %dma_start3A_115 = tpu.memref_slice %arg10[%dma_start3A_114] : memref<10112xf32, #tpu.memory_space<vmem_shared>> -> memref<10112xf32, #tpu.memory_space<vmem_shared>>
      %dma_start3A_116 = tpu.memref_slice %arg11[%dma_start3A_110] : memref<4x!tpu.dma_semaphore, #tpu.memory_space<semaphore_mem>> -> memref<1x!tpu.dma_semaphore, #tpu.memory_space<semaphore_mem>>
      %dma_start3A_117 = tpu.memref_squeeze %dma_start3A_116 : memref<1x!tpu.dma_semaphore, #tpu.memory_space<semaphore_mem>> -> memref<!tpu.dma_semaphore, #tpu.memory_space<semaphore_mem>>
      tpu.enqueue_indirect_dma source(%arg7 : memref<80xf32, #tpu.memory_space<vmem>>) target(%dma_start3A_115 : memref<10112xf32, #tpu.memory_space<vmem_shared>>) offsets(%dma_start3A_113 : memref<80xi32, #tpu.memory_space<vmem>>) semaphore(%dma_start3A_117 : memref<!tpu.dma_semaphore, #tpu.memory_space<semaphore_mem>>) {add = true}
    }
    %scan3A_18 = arith.constant 63 : i32
    %dma_wait3A = arith.constant 124 : i32
    %dma_wait3A_19 = arith.constant 0 : i32
    %dma_wait3A_20 = arith.constant 0 : i32
    %dma_wait3A_21 = tpu.memref_slice %arg5[%dma_wait3A, %dma_wait3A_20] : memref<126x80xi32, #tpu.memory_space<vmem>> -> memref<1x80xi32, #tpu.memory_space<vmem>>
    %dma_wait3A_22 = tpu.memref_squeeze %dma_wait3A_21 : memref<1x80xi32, #tpu.memory_space<vmem>> -> memref<80xi32, #tpu.memory_space<vmem>>
    %dma_wait3A_23 = arith.constant 0 : i32
    %dma_wait3A_24 = tpu.memref_slice %arg9[%dma_wait3A_23] : memref<10112xf32, #tpu.memory_space<vmem_shared>> -> memref<10112xf32, #tpu.memory_space<vmem_shared>>
    %dma_wait3A_25 = tpu.memref_slice %arg11[%dma_wait3A_19] : memref<4x!tpu.dma_semaphore, #tpu.memory_space<semaphore_mem>> -> memref<1x!tpu.dma_semaphore, #tpu.memory_space<semaphore_mem>>
    %dma_wait3A_26 = tpu.memref_squeeze %dma_wait3A_25 : memref<1x!tpu.dma_semaphore, #tpu.memory_space<semaphore_mem>> -> memref<!tpu.dma_semaphore, #tpu.memory_space<semaphore_mem>>
    tpu.wait_indirect_dma semaphore(%dma_wait3A_26 : memref<!tpu.dma_semaphore, #tpu.memory_space<semaphore_mem>>) src(%arg7 : memref<80xf32, #tpu.memory_space<vmem>>) dst(%dma_wait3A_24 : memref<10112xf32, #tpu.memory_space<vmem_shared>>)
    %dma_wait3A_27 = arith.constant 124 : i32
    %dma_wait3A_28 = arith.constant 2 : i32
    %dma_wait3A_29 = arith.constant 0 : i32
    %dma_wait3A_30 = tpu.memref_slice %arg6[%dma_wait3A_27, %dma_wait3A_29] : memref<126x80xi32, #tpu.memory_space<vmem>> -> memref<1x80xi32, #tpu.memory_space<vmem>>
    %dma_wait3A_31 = tpu.memref_squeeze %dma_wait3A_30 : memref<1x80xi32, #tpu.memory_space<vmem>> -> memref<80xi32, #tpu.memory_space<vmem>>
    %dma_wait3A_32 = arith.constant 0 : i32
    %dma_wait3A_33 = tpu.memref_slice %arg10[%dma_wait3A_32] : memref<10112xf32, #tpu.memory_space<vmem_shared>> -> memref<10112xf32, #tpu.memory_space<vmem_shared>>
    %dma_wait3A_34 = tpu.memref_slice %arg11[%dma_wait3A_28] : memref<4x!tpu.dma_semaphore, #tpu.memory_space<semaphore_mem>> -> memref<1x!tpu.dma_semaphore, #tpu.memory_space<semaphore_mem>>
    %dma_wait3A_35 = tpu.memref_squeeze %dma_wait3A_34 : memref<1x!tpu.dma_semaphore, #tpu.memory_space<semaphore_mem>> -> memref<!tpu.dma_semaphore, #tpu.memory_space<semaphore_mem>>
    tpu.wait_indirect_dma semaphore(%dma_wait3A_35 : memref<!tpu.dma_semaphore, #tpu.memory_space<semaphore_mem>>) src(%arg7 : memref<80xf32, #tpu.memory_space<vmem>>) dst(%dma_wait3A_33 : memref<10112xf32, #tpu.memory_space<vmem_shared>>)
    %dma_wait3A_36 = arith.constant 125 : i32
    %dma_wait3A_37 = arith.constant 1 : i32
    %dma_wait3A_38 = arith.constant 0 : i32
    %dma_wait3A_39 = tpu.memref_slice %arg5[%dma_wait3A_36, %dma_wait3A_38] : memref<126x80xi32, #tpu.memory_space<vmem>> -> memref<1x80xi32, #tpu.memory_space<vmem>>
    %dma_wait3A_40 = tpu.memref_squeeze %dma_wait3A_39 : memref<1x80xi32, #tpu.memory_space<vmem>> -> memref<80xi32, #tpu.memory_space<vmem>>
    %dma_wait3A_41 = arith.constant 0 : i32
    %dma_wait3A_42 = tpu.memref_slice %arg9[%dma_wait3A_41] : memref<10112xf32, #tpu.memory_space<vmem_shared>> -> memref<10112xf32, #tpu.memory_space<vmem_shared>>
    %dma_wait3A_43 = tpu.memref_slice %arg11[%dma_wait3A_37] : memref<4x!tpu.dma_semaphore, #tpu.memory_space<semaphore_mem>> -> memref<1x!tpu.dma_semaphore, #tpu.memory_space<semaphore_mem>>
    %dma_wait3A_44 = tpu.memref_squeeze %dma_wait3A_43 : memref<1x!tpu.dma_semaphore, #tpu.memory_space<semaphore_mem>> -> memref<!tpu.dma_semaphore, #tpu.memory_space<semaphore_mem>>
    tpu.wait_indirect_dma semaphore(%dma_wait3A_44 : memref<!tpu.dma_semaphore, #tpu.memory_space<semaphore_mem>>) src(%arg7 : memref<80xf32, #tpu.memory_space<vmem>>) dst(%dma_wait3A_42 : memref<10112xf32, #tpu.memory_space<vmem_shared>>)
    %dma_wait3A_45 = arith.constant 125 : i32
    %dma_wait3A_46 = arith.constant 3 : i32
    %dma_wait3A_47 = arith.constant 0 : i32
    %dma_wait3A_48 = tpu.memref_slice %arg6[%dma_wait3A_45, %dma_wait3A_47] : memref<126x80xi32, #tpu.memory_space<vmem>> -> memref<1x80xi32, #tpu.memory_space<vmem>>
    %dma_wait3A_49 = tpu.memref_squeeze %dma_wait3A_48 : memref<1x80xi32, #tpu.memory_space<vmem>> -> memref<80xi32, #tpu.memory_space<vmem>>
    %dma_wait3A_50 = arith.constant 0 : i32
    %dma_wait3A_51 = tpu.memref_slice %arg10[%dma_wait3A_50] : memref<10112xf32, #tpu.memory_space<vmem_shared>> -> memref<10112xf32, #tpu.memory_space<vmem_shared>>
    %dma_wait3A_52 = tpu.memref_slice %arg11[%dma_wait3A_46] : memref<4x!tpu.dma_semaphore, #tpu.memory_space<semaphore_mem>> -> memref<1x!tpu.dma_semaphore, #tpu.memory_space<semaphore_mem>>
    %dma_wait3A_53 = tpu.memref_squeeze %dma_wait3A_52 : memref<1x!tpu.dma_semaphore, #tpu.memory_space<semaphore_mem>> -> memref<!tpu.dma_semaphore, #tpu.memory_space<semaphore_mem>>
    tpu.wait_indirect_dma semaphore(%dma_wait3A_53 : memref<!tpu.dma_semaphore, #tpu.memory_space<semaphore_mem>>) src(%arg7 : memref<80xf32, #tpu.memory_space<vmem>>) dst(%dma_wait3A_51 : memref<10112xf32, #tpu.memory_space<vmem_shared>>)
    %barrier3A_54 = arith.constant 0 : index
    tpu.barrier barrier_id(%barrier3A_54)
    %mul3A_55 = arith.constant 632 : i32
    %mul3A_56 = arith.muli %arg1, %mul3A_55 : i32
    "tpu.region"() ({
      %run_scoped3A = tpu.sem_alloc : memref<!tpu.dma_semaphore, #tpu.memory_space<semaphore_mem>>
      %dma_start3A = tpu.memref_slice %arg9[%mul3A_56] : memref<10112xf32, #tpu.memory_space<vmem_shared>> -> memref<632xf32, #tpu.memory_space<vmem_shared>>
      %dma_start3A_75 = tpu.memref_slice %arg9[%mul3A_56] : memref<10112xf32, #tpu.memory_space<vmem_shared>> -> memref<632xf32, #tpu.memory_space<vmem_shared>>
      tpu.enqueue_dma source(%dma_start3A_75 : memref<632xf32, #tpu.memory_space<vmem_shared>>) target(%arg8 : memref<632xf32, #tpu.memory_space<vmem>>) target_semaphore(%run_scoped3A : memref<!tpu.dma_semaphore, #tpu.memory_space<semaphore_mem>>)
      %dma_wait3A_76 = tpu.memref_slice %arg9[%mul3A_56] : memref<10112xf32, #tpu.memory_space<vmem_shared>> -> memref<632xf32, #tpu.memory_space<vmem_shared>>
      %dma_wait3A_77 = tpu.memref_slice %arg9[%mul3A_56] : memref<10112xf32, #tpu.memory_space<vmem_shared>> -> memref<632xf32, #tpu.memory_space<vmem_shared>>
      tpu.wait_dma2 semaphore(%run_scoped3A : memref<!tpu.dma_semaphore, #tpu.memory_space<semaphore_mem>>) src(%dma_wait3A_77 : memref<632xf32, #tpu.memory_space<vmem_shared>>) dst(%arg8 : memref<632xf32, #tpu.memory_space<vmem>>)
      tpu.yield
    }) : () -> ()
    %mul3A_57 = arith.constant 2 : i32
    %mul3A_58 = arith.muli %arg0, %mul3A_57 : i32
    %mul3A_59 = arith.constant 10112 : i32
    %mul3A_60 = arith.muli %mul3A_58, %mul3A_59 : i32
    %mul3A_61 = arith.constant 632 : i32
    %mul3A_62 = arith.muli %arg1, %mul3A_61 : i32
    %add3A_63 = arith.addi %mul3A_60, %mul3A_62 : i32
    "tpu.region"() ({
      %run_scoped3A = tpu.sem_alloc : memref<!tpu.dma_semaphore, #tpu.memory_space<semaphore_mem>>
      %dma_start3A = tpu.memref_slice %arg4[%add3A_63] : memref<40448xf32, #tpu.memory_space<hbm>> -> memref<632xf32, #tpu.memory_space<hbm>>
      %dma_start3A_75 = tpu.memref_slice %arg4[%add3A_63] : memref<40448xf32, #tpu.memory_space<hbm>> -> memref<632xf32, #tpu.memory_space<hbm>>
      tpu.enqueue_dma source(%arg8 : memref<632xf32, #tpu.memory_space<vmem>>) target(%dma_start3A_75 : memref<632xf32, #tpu.memory_space<hbm>>) target_semaphore(%run_scoped3A : memref<!tpu.dma_semaphore, #tpu.memory_space<semaphore_mem>>)
      %dma_wait3A_76 = tpu.memref_slice %arg4[%add3A_63] : memref<40448xf32, #tpu.memory_space<hbm>> -> memref<632xf32, #tpu.memory_space<hbm>>
      %dma_wait3A_77 = tpu.memref_slice %arg4[%add3A_63] : memref<40448xf32, #tpu.memory_space<hbm>> -> memref<632xf32, #tpu.memory_space<hbm>>
      tpu.wait_dma2 semaphore(%run_scoped3A : memref<!tpu.dma_semaphore, #tpu.memory_space<semaphore_mem>>) src(%arg8 : memref<632xf32, #tpu.memory_space<vmem>>) dst(%dma_wait3A_77 : memref<632xf32, #tpu.memory_space<hbm>>)
      tpu.yield
    }) : () -> ()
    %mul3A_64 = arith.constant 632 : i32
    %mul3A_65 = arith.muli %arg1, %mul3A_64 : i32
    "tpu.region"() ({
      %run_scoped3A = tpu.sem_alloc : memref<!tpu.dma_semaphore, #tpu.memory_space<semaphore_mem>>
      %dma_start3A = tpu.memref_slice %arg10[%mul3A_65] : memref<10112xf32, #tpu.memory_space<vmem_shared>> -> memref<632xf32, #tpu.memory_space<vmem_shared>>
      %dma_start3A_75 = tpu.memref_slice %arg10[%mul3A_65] : memref<10112xf32, #tpu.memory_space<vmem_shared>> -> memref<632xf32, #tpu.memory_space<vmem_shared>>
      tpu.enqueue_dma source(%dma_start3A_75 : memref<632xf32, #tpu.memory_space<vmem_shared>>) target(%arg8 : memref<632xf32, #tpu.memory_space<vmem>>) target_semaphore(%run_scoped3A : memref<!tpu.dma_semaphore, #tpu.memory_space<semaphore_mem>>)
      %dma_wait3A_76 = tpu.memref_slice %arg10[%mul3A_65] : memref<10112xf32, #tpu.memory_space<vmem_shared>> -> memref<632xf32, #tpu.memory_space<vmem_shared>>
      %dma_wait3A_77 = tpu.memref_slice %arg10[%mul3A_65] : memref<10112xf32, #tpu.memory_space<vmem_shared>> -> memref<632xf32, #tpu.memory_space<vmem_shared>>
      tpu.wait_dma2 semaphore(%run_scoped3A : memref<!tpu.dma_semaphore, #tpu.memory_space<semaphore_mem>>) src(%dma_wait3A_77 : memref<632xf32, #tpu.memory_space<vmem_shared>>) dst(%arg8 : memref<632xf32, #tpu.memory_space<vmem>>)
      tpu.yield
    }) : () -> ()
    %mul3A_66 = arith.constant 2 : i32
    %mul3A_67 = arith.muli %arg0, %mul3A_66 : i32
    %mul3A_68 = arith.constant 10112 : i32
    %mul3A_69 = arith.muli %mul3A_67, %mul3A_68 : i32
    %add3A_70 = arith.constant 10112 : i32
    %add3A_71 = arith.addi %mul3A_69, %add3A_70 : i32
    %mul3A_72 = arith.constant 632 : i32
    %mul3A_73 = arith.muli %arg1, %mul3A_72 : i32
    %add3A_74 = arith.addi %add3A_71, %mul3A_73 : i32
    "tpu.region"() ({
      %run_scoped3A = tpu.sem_alloc : memref<!tpu.dma_semaphore, #tpu.memory_space<semaphore_mem>>
      %dma_start3A = tpu.memref_slice %arg4[%add3A_74] : memref<40448xf32, #tpu.memory_space<hbm>> -> memref<632xf32, #tpu.memory_space<hbm>>
      %dma_start3A_75 = tpu.memref_slice %arg4[%add3A_74] : memref<40448xf32, #tpu.memory_space<hbm>> -> memref<632xf32, #tpu.memory_space<hbm>>
      tpu.enqueue_dma source(%arg8 : memref<632xf32, #tpu.memory_space<vmem>>) target(%dma_start3A_75 : memref<632xf32, #tpu.memory_space<hbm>>) target_semaphore(%run_scoped3A : memref<!tpu.dma_semaphore, #tpu.memory_space<semaphore_mem>>)
      %dma_wait3A_76 = tpu.memref_slice %arg4[%add3A_74] : memref<40448xf32, #tpu.memory_space<hbm>> -> memref<632xf32, #tpu.memory_space<hbm>>
      %dma_wait3A_77 = tpu.memref_slice %arg4[%add3A_74] : memref<40448xf32, #tpu.memory_space<hbm>> -> memref<632xf32, #tpu.memory_space<hbm>>
      tpu.wait_dma2 semaphore(%run_scoped3A : memref<!tpu.dma_semaphore, #tpu.memory_space<semaphore_mem>>) src(%arg8 : memref<632xf32, #tpu.memory_space<vmem>>) dst(%dma_wait3A_77 : memref<632xf32, #tpu.memory_space<hbm>>)
      tpu.yield
    }) : () -> ()
    return
  }
}

#map = affine_map<(d0, d1) -> (0, 0)>
#map1 = affine_map<(d0, d1) -> (0)>
#map2 = affine_map<(d0, d1) -> (0, 0, 0)>
module attributes {stable_mosaic.version = 14 : i64} {
  func.func @_agg_kernel(%arg0: i32, %arg1: i32, %arg2: memref<10000x128xf32, #tpu.memory_space<hbm>>, %arg3: memref<322560xi32, #tpu.memory_space<hbm>>, %arg4: memref<32x126x80xi32, #tpu.memory_space<hbm>>, %arg5: memref<632x128xf32, #tpu.memory_space<hbm>>, %arg6: memref<2x10112x128xf32, #tpu.memory_space<hbm>>, %arg7: memref<240xi32, #tpu.memory_space<vmem>>, %arg8: memref<126x80xi32, #tpu.memory_space<vmem>>, %arg9: memref<3x80x128xf32, #tpu.memory_space<vmem>>, %arg10: memref<10112x128xf32, #tpu.memory_space<vmem_shared>>, %arg11: memref<3x!tpu.dma_semaphore, #tpu.memory_space<semaphore_mem>>, %arg12: memref<3x!tpu.dma_semaphore, #tpu.memory_space<semaphore_mem>>, %arg13: memref<3x!tpu.dma_semaphore, #tpu.memory_space<semaphore_mem>>) attributes {dimension_semantics = [#tpu.dimension_semantics<core_parallel>, #tpu.dimension_semantics<subcore_parallel>], iteration_bounds = array<i64: 2, 16>, scalar_prefetch = 0 : i64, scratch_operands = 7 : i64, tpu.core_type = #tpu.core_type<sc_vector_subcore>, window_params = [{transform_indices = #map}, {transform_indices = #map1}, {transform_indices = #map2}, {transform_indices = #map}, {transform_indices = #map2}]} {
    %mul3A = arith.constant 2 : i32
    %mul3A_0 = arith.muli %arg1, %mul3A : i32
    %add3A = arith.addi %mul3A_0, %arg0 : i32
    %mul3A_1 = arith.constant 10080 : i32
    %mul3A_2 = arith.muli %add3A, %mul3A_1 : i32
    "tpu.region"() ({
      %run_scoped3A = tpu.sem_alloc : memref<!tpu.dma_semaphore, #tpu.memory_space<semaphore_mem>>
      %dma_start3A_88 = arith.constant 0 : i32
      %dma_start3A_89 = arith.constant 0 : i32
      %dma_start3A_90 = tpu.memref_slice %arg4[%add3A, %dma_start3A_88, %dma_start3A_89] : memref<32x126x80xi32, #tpu.memory_space<hbm>> -> memref<1x126x80xi32, #tpu.memory_space<hbm>>
      %dma_start3A_91 = tpu.memref_squeeze %dma_start3A_90 : memref<1x126x80xi32, #tpu.memory_space<hbm>> -> memref<126x80xi32, #tpu.memory_space<hbm>>
      %dma_start3A_92 = arith.constant 0 : i32
      %dma_start3A_93 = arith.constant 0 : i32
      %dma_start3A_94 = tpu.memref_slice %arg4[%add3A, %dma_start3A_92, %dma_start3A_93] : memref<32x126x80xi32, #tpu.memory_space<hbm>> -> memref<1x126x80xi32, #tpu.memory_space<hbm>>
      %dma_start3A_95 = tpu.memref_squeeze %dma_start3A_94 : memref<1x126x80xi32, #tpu.memory_space<hbm>> -> memref<126x80xi32, #tpu.memory_space<hbm>>
      tpu.enqueue_dma source(%dma_start3A_95 : memref<126x80xi32, #tpu.memory_space<hbm>>) target(%arg8 : memref<126x80xi32, #tpu.memory_space<vmem>>) target_semaphore(%run_scoped3A : memref<!tpu.dma_semaphore, #tpu.memory_space<semaphore_mem>>)
      %dma_wait3A_96 = arith.constant 0 : i32
      %dma_wait3A_97 = arith.constant 0 : i32
      %dma_wait3A_98 = tpu.memref_slice %arg4[%add3A, %dma_wait3A_96, %dma_wait3A_97] : memref<32x126x80xi32, #tpu.memory_space<hbm>> -> memref<1x126x80xi32, #tpu.memory_space<hbm>>
      %dma_wait3A_99 = tpu.memref_squeeze %dma_wait3A_98 : memref<1x126x80xi32, #tpu.memory_space<hbm>> -> memref<126x80xi32, #tpu.memory_space<hbm>>
      %dma_wait3A_100 = arith.constant 0 : i32
      %dma_wait3A_101 = arith.constant 0 : i32
      %dma_wait3A_102 = tpu.memref_slice %arg4[%add3A, %dma_wait3A_100, %dma_wait3A_101] : memref<32x126x80xi32, #tpu.memory_space<hbm>> -> memref<1x126x80xi32, #tpu.memory_space<hbm>>
      %dma_wait3A_103 = tpu.memref_squeeze %dma_wait3A_102 : memref<1x126x80xi32, #tpu.memory_space<hbm>> -> memref<126x80xi32, #tpu.memory_space<hbm>>
      tpu.wait_dma2 semaphore(%run_scoped3A : memref<!tpu.dma_semaphore, #tpu.memory_space<semaphore_mem>>) src(%dma_wait3A_103 : memref<126x80xi32, #tpu.memory_space<hbm>>) dst(%arg8 : memref<126x80xi32, #tpu.memory_space<vmem>>)
      tpu.yield
    }) : () -> ()
    %mul3A_3 = arith.constant 632 : i32
    %mul3A_4 = arith.muli %arg1, %mul3A_3 : i32
    "tpu.region"() ({
      %run_scoped3A = tpu.sem_alloc : memref<!tpu.dma_semaphore, #tpu.memory_space<semaphore_mem>>
      %dma_start3A_88 = arith.constant 0 : i32
      %dma_start3A_89 = tpu.memref_slice %arg10[%mul3A_4, %dma_start3A_88] : memref<10112x128xf32, #tpu.memory_space<vmem_shared>> -> memref<632x128xf32, #tpu.memory_space<vmem_shared>>
      tpu.enqueue_dma source(%arg5 : memref<632x128xf32, #tpu.memory_space<hbm>>) target(%dma_start3A_89 : memref<632x128xf32, #tpu.memory_space<vmem_shared>>) target_semaphore(%run_scoped3A : memref<!tpu.dma_semaphore, #tpu.memory_space<semaphore_mem>>)
      %dma_wait3A_90 = arith.constant 0 : i32
      %dma_wait3A_91 = tpu.memref_slice %arg10[%mul3A_4, %dma_wait3A_90] : memref<10112x128xf32, #tpu.memory_space<vmem_shared>> -> memref<632x128xf32, #tpu.memory_space<vmem_shared>>
      tpu.wait_dma2 semaphore(%run_scoped3A : memref<!tpu.dma_semaphore, #tpu.memory_space<semaphore_mem>>) src(%arg5 : memref<632x128xf32, #tpu.memory_space<hbm>>) dst(%dma_wait3A_91 : memref<632x128xf32, #tpu.memory_space<vmem_shared>>)
      tpu.yield
    }) : () -> ()
    %barrier3A = arith.constant 0 : index
    tpu.barrier barrier_id(%barrier3A)
    %add3A_5 = arith.constant 0 : i32
    %add3A_6 = arith.addi %mul3A_2, %add3A_5 : i32
    %dma_start3A = arith.constant 0 : i32
    %dma_start3A_7 = arith.constant 0 : i32
    %dma_start3A_8 = tpu.memref_slice %arg7[%dma_start3A_7] : memref<240xi32, #tpu.memory_space<vmem>> -> memref<80xi32, #tpu.memory_space<vmem>>
    %dma_start3A_9 = tpu.memref_slice %arg3[%add3A_6] : memref<322560xi32, #tpu.memory_space<hbm>> -> memref<80xi32, #tpu.memory_space<hbm>>
    %dma_start3A_10 = tpu.memref_slice %arg11[%dma_start3A] : memref<3x!tpu.dma_semaphore, #tpu.memory_space<semaphore_mem>> -> memref<1x!tpu.dma_semaphore, #tpu.memory_space<semaphore_mem>>
    %dma_start3A_11 = tpu.memref_squeeze %dma_start3A_10 : memref<1x!tpu.dma_semaphore, #tpu.memory_space<semaphore_mem>> -> memref<!tpu.dma_semaphore, #tpu.memory_space<semaphore_mem>>
    %dma_start3A_12 = arith.constant 0 : i32
    %dma_start3A_13 = tpu.memref_slice %arg7[%dma_start3A_12] : memref<240xi32, #tpu.memory_space<vmem>> -> memref<80xi32, #tpu.memory_space<vmem>>
    %dma_start3A_14 = tpu.memref_slice %arg3[%add3A_6] : memref<322560xi32, #tpu.memory_space<hbm>> -> memref<80xi32, #tpu.memory_space<hbm>>
    tpu.enqueue_dma source(%dma_start3A_14 : memref<80xi32, #tpu.memory_space<hbm>>) target(%dma_start3A_13 : memref<80xi32, #tpu.memory_space<vmem>>) target_semaphore(%dma_start3A_11 : memref<!tpu.dma_semaphore, #tpu.memory_space<semaphore_mem>>)
    %add3A_15 = arith.constant 80 : i32
    %add3A_16 = arith.addi %mul3A_2, %add3A_15 : i32
    %dma_start3A_17 = arith.constant 1 : i32
    %dma_start3A_18 = arith.constant 80 : i32
    %dma_start3A_19 = tpu.memref_slice %arg7[%dma_start3A_18] : memref<240xi32, #tpu.memory_space<vmem>> -> memref<80xi32, #tpu.memory_space<vmem>>
    %dma_start3A_20 = tpu.memref_slice %arg3[%add3A_16] : memref<322560xi32, #tpu.memory_space<hbm>> -> memref<80xi32, #tpu.memory_space<hbm>>
    %dma_start3A_21 = tpu.memref_slice %arg11[%dma_start3A_17] : memref<3x!tpu.dma_semaphore, #tpu.memory_space<semaphore_mem>> -> memref<1x!tpu.dma_semaphore, #tpu.memory_space<semaphore_mem>>
    %dma_start3A_22 = tpu.memref_squeeze %dma_start3A_21 : memref<1x!tpu.dma_semaphore, #tpu.memory_space<semaphore_mem>> -> memref<!tpu.dma_semaphore, #tpu.memory_space<semaphore_mem>>
    %dma_start3A_23 = arith.constant 80 : i32
    %dma_start3A_24 = tpu.memref_slice %arg7[%dma_start3A_23] : memref<240xi32, #tpu.memory_space<vmem>> -> memref<80xi32, #tpu.memory_space<vmem>>
    %dma_start3A_25 = tpu.memref_slice %arg3[%add3A_16] : memref<322560xi32, #tpu.memory_space<hbm>> -> memref<80xi32, #tpu.memory_space<hbm>>
    tpu.enqueue_dma source(%dma_start3A_25 : memref<80xi32, #tpu.memory_space<hbm>>) target(%dma_start3A_24 : memref<80xi32, #tpu.memory_space<vmem>>) target_semaphore(%dma_start3A_22 : memref<!tpu.dma_semaphore, #tpu.memory_space<semaphore_mem>>)
    %add3A_26 = arith.constant 0 : i32
    %add3A_27 = arith.addi %mul3A_2, %add3A_26 : i32
    %dma_wait3A = arith.constant 0 : i32
    %dma_wait3A_28 = arith.constant 0 : i32
    %dma_wait3A_29 = tpu.memref_slice %arg7[%dma_wait3A_28] : memref<240xi32, #tpu.memory_space<vmem>> -> memref<80xi32, #tpu.memory_space<vmem>>
    %dma_wait3A_30 = tpu.memref_slice %arg3[%add3A_27] : memref<322560xi32, #tpu.memory_space<hbm>> -> memref<80xi32, #tpu.memory_space<hbm>>
    %dma_wait3A_31 = tpu.memref_slice %arg11[%dma_wait3A] : memref<3x!tpu.dma_semaphore, #tpu.memory_space<semaphore_mem>> -> memref<1x!tpu.dma_semaphore, #tpu.memory_space<semaphore_mem>>
    %dma_wait3A_32 = tpu.memref_squeeze %dma_wait3A_31 : memref<1x!tpu.dma_semaphore, #tpu.memory_space<semaphore_mem>> -> memref<!tpu.dma_semaphore, #tpu.memory_space<semaphore_mem>>
    %dma_wait3A_33 = arith.constant 0 : i32
    %dma_wait3A_34 = tpu.memref_slice %arg7[%dma_wait3A_33] : memref<240xi32, #tpu.memory_space<vmem>> -> memref<80xi32, #tpu.memory_space<vmem>>
    %dma_wait3A_35 = tpu.memref_slice %arg3[%add3A_27] : memref<322560xi32, #tpu.memory_space<hbm>> -> memref<80xi32, #tpu.memory_space<hbm>>
    tpu.wait_dma2 semaphore(%dma_wait3A_32 : memref<!tpu.dma_semaphore, #tpu.memory_space<semaphore_mem>>) src(%dma_wait3A_35 : memref<80xi32, #tpu.memory_space<hbm>>) dst(%dma_wait3A_34 : memref<80xi32, #tpu.memory_space<vmem>>)
    %dma_start3A_36 = arith.constant 0 : i32
    %dma_start3A_37 = arith.constant 0 : i32
    %dma_start3A_38 = arith.constant 0 : i32
    %dma_start3A_39 = arith.constant 0 : i32
    %dma_start3A_40 = tpu.memref_slice %arg9[%dma_start3A_36, %dma_start3A_38, %dma_start3A_39] : memref<3x80x128xf32, #tpu.memory_space<vmem>> -> memref<1x80x128xf32, #tpu.memory_space<vmem>>
    %dma_start3A_41 = tpu.memref_squeeze %dma_start3A_40 : memref<1x80x128xf32, #tpu.memory_space<vmem>> -> memref<80x128xf32, #tpu.memory_space<vmem>>
    %dma_start3A_42 = arith.constant 0 : i32
    %dma_start3A_43 = tpu.memref_slice %arg7[%dma_start3A_42] : memref<240xi32, #tpu.memory_space<vmem>> -> memref<80xi32, #tpu.memory_space<vmem>>
    %dma_start3A_44 = arith.constant 0 : i32
    %dma_start3A_45 = arith.constant 0 : i32
    %dma_start3A_46 = tpu.memref_slice %arg2[%dma_start3A_44, %dma_start3A_45] : memref<10000x128xf32, #tpu.memory_space<hbm>> -> memref<10000x128xf32, #tpu.memory_space<hbm>>
    %dma_start3A_47 = tpu.memref_slice %arg12[%dma_start3A_37] : memref<3x!tpu.dma_semaphore, #tpu.memory_space<semaphore_mem>> -> memref<1x!tpu.dma_semaphore, #tpu.memory_space<semaphore_mem>>
    %dma_start3A_48 = tpu.memref_squeeze %dma_start3A_47 : memref<1x!tpu.dma_semaphore, #tpu.memory_space<semaphore_mem>> -> memref<!tpu.dma_semaphore, #tpu.memory_space<semaphore_mem>>
    tpu.enqueue_indirect_dma source(%dma_start3A_46 : memref<10000x128xf32, #tpu.memory_space<hbm>>) target(%dma_start3A_41 : memref<80x128xf32, #tpu.memory_space<vmem>>) offsets(%dma_start3A_43 : memref<80xi32, #tpu.memory_space<vmem>>) semaphore(%dma_start3A_48 : memref<!tpu.dma_semaphore, #tpu.memory_space<semaphore_mem>>)
    %scan3A = arith.constant 0 : i32
    %scan3A_49 = arith.constant 42 : i32
    %scan3A_50 = arith.addi %scan3A, %scan3A_49 : i32
    %scan3A_51 = arith.constant 1 : i32
    scf.for %scan3A_88 = %scan3A to %scan3A_50 step %scan3A_51  : i32 {
      %mul3A_89 = arith.constant 3 : i32
      %mul3A_90 = arith.muli %mul3A_89, %scan3A_88 : i32
      %add3A_91 = arith.constant 0 : i32
      %add3A_92 = arith.addi %mul3A_90, %add3A_91 : i32
      %gt3A = arith.constant 0 : i32
      %gt3A_93 = arith.cmpi sgt, %scan3A_88, %gt3A : i32
      %convert_element_type3A = arith.extui %gt3A_93 : i1 to i32
      %cond3A = arith.constant 0 : i32
      %cond3A_94 = arith.cmpi ne, %convert_element_type3A, %cond3A : i32
      scf.if %cond3A_94 {
        %sub3A_290 = arith.constant 2 : i32
        %sub3A_291 = arith.subi %add3A_92, %sub3A_290 : i32
        %dma_wait3A_292 = arith.constant 1 : i32
        %dma_wait3A_293 = arith.constant 1 : i32
        %dma_wait3A_294 = arith.constant 0 : i32
        %dma_wait3A_295 = arith.constant 0 : i32
        %dma_wait3A_296 = tpu.memref_slice %arg9[%dma_wait3A_292, %dma_wait3A_294, %dma_wait3A_295] : memref<3x80x128xf32, #tpu.memory_space<vmem>> -> memref<1x80x128xf32, #tpu.memory_space<vmem>>
        %dma_wait3A_297 = tpu.memref_squeeze %dma_wait3A_296 : memref<1x80x128xf32, #tpu.memory_space<vmem>> -> memref<80x128xf32, #tpu.memory_space<vmem>>
        %dma_wait3A_298 = arith.constant 0 : i32
        %dma_wait3A_299 = tpu.memref_slice %arg8[%sub3A_291, %dma_wait3A_298] : memref<126x80xi32, #tpu.memory_space<vmem>> -> memref<1x80xi32, #tpu.memory_space<vmem>>
        %dma_wait3A_300 = tpu.memref_squeeze %dma_wait3A_299 : memref<1x80xi32, #tpu.memory_space<vmem>> -> memref<80xi32, #tpu.memory_space<vmem>>
        %dma_wait3A_301 = arith.constant 0 : i32
        %dma_wait3A_302 = arith.constant 0 : i32
        %dma_wait3A_303 = tpu.memref_slice %arg10[%dma_wait3A_301, %dma_wait3A_302] : memref<10112x128xf32, #tpu.memory_space<vmem_shared>> -> memref<10112x128xf32, #tpu.memory_space<vmem_shared>>
        %dma_wait3A_304 = tpu.memref_slice %arg13[%dma_wait3A_293] : memref<3x!tpu.dma_semaphore, #tpu.memory_space<semaphore_mem>> -> memref<1x!tpu.dma_semaphore, #tpu.memory_space<semaphore_mem>>
        %dma_wait3A_305 = tpu.memref_squeeze %dma_wait3A_304 : memref<1x!tpu.dma_semaphore, #tpu.memory_space<semaphore_mem>> -> memref<!tpu.dma_semaphore, #tpu.memory_space<semaphore_mem>>
        tpu.wait_indirect_dma semaphore(%dma_wait3A_305 : memref<!tpu.dma_semaphore, #tpu.memory_space<semaphore_mem>>) src(%dma_wait3A_297 : memref<80x128xf32, #tpu.memory_space<vmem>>) dst(%dma_wait3A_303 : memref<10112x128xf32, #tpu.memory_space<vmem_shared>>)
      } else {
      }
      %add3A_95 = arith.constant 2 : i32
      %add3A_96 = arith.addi %add3A_92, %add3A_95 : i32
      %mul3A_97 = arith.constant 80 : i32
      %mul3A_98 = arith.muli %add3A_96, %mul3A_97 : i32
      %add3A_99 = arith.addi %mul3A_2, %mul3A_98 : i32
      %dma_start3A_100 = arith.constant 2 : i32
      %dma_start3A_101 = arith.constant 160 : i32
      %dma_start3A_102 = tpu.memref_slice %arg7[%dma_start3A_101] : memref<240xi32, #tpu.memory_space<vmem>> -> memref<80xi32, #tpu.memory_space<vmem>>
      %dma_start3A_103 = tpu.memref_slice %arg3[%add3A_99] : memref<322560xi32, #tpu.memory_space<hbm>> -> memref<80xi32, #tpu.memory_space<hbm>>
      %dma_start3A_104 = tpu.memref_slice %arg11[%dma_start3A_100] : memref<3x!tpu.dma_semaphore, #tpu.memory_space<semaphore_mem>> -> memref<1x!tpu.dma_semaphore, #tpu.memory_space<semaphore_mem>>
      %dma_start3A_105 = tpu.memref_squeeze %dma_start3A_104 : memref<1x!tpu.dma_semaphore, #tpu.memory_space<semaphore_mem>> -> memref<!tpu.dma_semaphore, #tpu.memory_space<semaphore_mem>>
      %dma_start3A_106 = arith.constant 160 : i32
      %dma_start3A_107 = tpu.memref_slice %arg7[%dma_start3A_106] : memref<240xi32, #tpu.memory_space<vmem>> -> memref<80xi32, #tpu.memory_space<vmem>>
      %dma_start3A_108 = tpu.memref_slice %arg3[%add3A_99] : memref<322560xi32, #tpu.memory_space<hbm>> -> memref<80xi32, #tpu.memory_space<hbm>>
      tpu.enqueue_dma source(%dma_start3A_108 : memref<80xi32, #tpu.memory_space<hbm>>) target(%dma_start3A_107 : memref<80xi32, #tpu.memory_space<vmem>>) target_semaphore(%dma_start3A_105 : memref<!tpu.dma_semaphore, #tpu.memory_space<semaphore_mem>>)
      %add3A_109 = arith.constant 1 : i32
      %add3A_110 = arith.addi %add3A_92, %add3A_109 : i32
      %mul3A_111 = arith.constant 80 : i32
      %mul3A_112 = arith.muli %add3A_110, %mul3A_111 : i32
      %add3A_113 = arith.addi %mul3A_2, %mul3A_112 : i32
      %dma_wait3A_114 = arith.constant 1 : i32
      %dma_wait3A_115 = arith.constant 80 : i32
      %dma_wait3A_116 = tpu.memref_slice %arg7[%dma_wait3A_115] : memref<240xi32, #tpu.memory_space<vmem>> -> memref<80xi32, #tpu.memory_space<vmem>>
      %dma_wait3A_117 = tpu.memref_slice %arg3[%add3A_113] : memref<322560xi32, #tpu.memory_space<hbm>> -> memref<80xi32, #tpu.memory_space<hbm>>
      %dma_wait3A_118 = tpu.memref_slice %arg11[%dma_wait3A_114] : memref<3x!tpu.dma_semaphore, #tpu.memory_space<semaphore_mem>> -> memref<1x!tpu.dma_semaphore, #tpu.memory_space<semaphore_mem>>
      %dma_wait3A_119 = tpu.memref_squeeze %dma_wait3A_118 : memref<1x!tpu.dma_semaphore, #tpu.memory_space<semaphore_mem>> -> memref<!tpu.dma_semaphore, #tpu.memory_space<semaphore_mem>>
      %dma_wait3A_120 = arith.constant 80 : i32
      %dma_wait3A_121 = tpu.memref_slice %arg7[%dma_wait3A_120] : memref<240xi32, #tpu.memory_space<vmem>> -> memref<80xi32, #tpu.memory_space<vmem>>
      %dma_wait3A_122 = tpu.memref_slice %arg3[%add3A_113] : memref<322560xi32, #tpu.memory_space<hbm>> -> memref<80xi32, #tpu.memory_space<hbm>>
      tpu.wait_dma2 semaphore(%dma_wait3A_119 : memref<!tpu.dma_semaphore, #tpu.memory_space<semaphore_mem>>) src(%dma_wait3A_122 : memref<80xi32, #tpu.memory_space<hbm>>) dst(%dma_wait3A_121 : memref<80xi32, #tpu.memory_space<vmem>>)
      %add3A_123 = arith.constant 1 : i32
      %add3A_124 = arith.addi %add3A_92, %add3A_123 : i32
      %dma_start3A_125 = arith.constant 1 : i32
      %dma_start3A_126 = arith.constant 1 : i32
      %dma_start3A_127 = arith.constant 0 : i32
      %dma_start3A_128 = arith.constant 0 : i32
      %dma_start3A_129 = tpu.memref_slice %arg9[%dma_start3A_125, %dma_start3A_127, %dma_start3A_128] : memref<3x80x128xf32, #tpu.memory_space<vmem>> -> memref<1x80x128xf32, #tpu.memory_space<vmem>>
      %dma_start3A_130 = tpu.memref_squeeze %dma_start3A_129 : memref<1x80x128xf32, #tpu.memory_space<vmem>> -> memref<80x128xf32, #tpu.memory_space<vmem>>
      %dma_start3A_131 = arith.constant 80 : i32
      %dma_start3A_132 = tpu.memref_slice %arg7[%dma_start3A_131] : memref<240xi32, #tpu.memory_space<vmem>> -> memref<80xi32, #tpu.memory_space<vmem>>
      %dma_start3A_133 = arith.constant 0 : i32
      %dma_start3A_134 = arith.constant 0 : i32
      %dma_start3A_135 = tpu.memref_slice %arg2[%dma_start3A_133, %dma_start3A_134] : memref<10000x128xf32, #tpu.memory_space<hbm>> -> memref<10000x128xf32, #tpu.memory_space<hbm>>
      %dma_start3A_136 = tpu.memref_slice %arg12[%dma_start3A_126] : memref<3x!tpu.dma_semaphore, #tpu.memory_space<semaphore_mem>> -> memref<1x!tpu.dma_semaphore, #tpu.memory_space<semaphore_mem>>
      %dma_start3A_137 = tpu.memref_squeeze %dma_start3A_136 : memref<1x!tpu.dma_semaphore, #tpu.memory_space<semaphore_mem>> -> memref<!tpu.dma_semaphore, #tpu.memory_space<semaphore_mem>>
      tpu.enqueue_indirect_dma source(%dma_start3A_135 : memref<10000x128xf32, #tpu.memory_space<hbm>>) target(%dma_start3A_130 : memref<80x128xf32, #tpu.memory_space<vmem>>) offsets(%dma_start3A_132 : memref<80xi32, #tpu.memory_space<vmem>>) semaphore(%dma_start3A_137 : memref<!tpu.dma_semaphore, #tpu.memory_space<semaphore_mem>>)
      %dma_wait3A_138 = arith.constant 0 : i32
      %dma_wait3A_139 = arith.constant 0 : i32
      %dma_wait3A_140 = arith.constant 0 : i32
      %dma_wait3A_141 = arith.constant 0 : i32
      %dma_wait3A_142 = tpu.memref_slice %arg9[%dma_wait3A_138, %dma_wait3A_140, %dma_wait3A_141] : memref<3x80x128xf32, #tpu.memory_space<vmem>> -> memref<1x80x128xf32, #tpu.memory_space<vmem>>
      %dma_wait3A_143 = tpu.memref_squeeze %dma_wait3A_142 : memref<1x80x128xf32, #tpu.memory_space<vmem>> -> memref<80x128xf32, #tpu.memory_space<vmem>>
      %dma_wait3A_144 = arith.constant 0 : i32
      %dma_wait3A_145 = tpu.memref_slice %arg7[%dma_wait3A_144] : memref<240xi32, #tpu.memory_space<vmem>> -> memref<80xi32, #tpu.memory_space<vmem>>
      %dma_wait3A_146 = arith.constant 0 : i32
      %dma_wait3A_147 = arith.constant 0 : i32
      %dma_wait3A_148 = tpu.memref_slice %arg2[%dma_wait3A_146, %dma_wait3A_147] : memref<10000x128xf32, #tpu.memory_space<hbm>> -> memref<10000x128xf32, #tpu.memory_space<hbm>>
      %dma_wait3A_149 = tpu.memref_slice %arg12[%dma_wait3A_139] : memref<3x!tpu.dma_semaphore, #tpu.memory_space<semaphore_mem>> -> memref<1x!tpu.dma_semaphore, #tpu.memory_space<semaphore_mem>>
      %dma_wait3A_150 = tpu.memref_squeeze %dma_wait3A_149 : memref<1x!tpu.dma_semaphore, #tpu.memory_space<semaphore_mem>> -> memref<!tpu.dma_semaphore, #tpu.memory_space<semaphore_mem>>
      tpu.wait_indirect_dma semaphore(%dma_wait3A_150 : memref<!tpu.dma_semaphore, #tpu.memory_space<semaphore_mem>>) src(%dma_wait3A_148 : memref<10000x128xf32, #tpu.memory_space<hbm>>) dst(%dma_wait3A_143 : memref<80x128xf32, #tpu.memory_space<vmem>>)
      %dma_start3A_151 = arith.constant 0 : i32
      %dma_start3A_152 = arith.constant 0 : i32
      %dma_start3A_153 = arith.constant 0 : i32
      %dma_start3A_154 = arith.constant 0 : i32
      %dma_start3A_155 = tpu.memref_slice %arg9[%dma_start3A_151, %dma_start3A_153, %dma_start3A_154] : memref<3x80x128xf32, #tpu.memory_space<vmem>> -> memref<1x80x128xf32, #tpu.memory_space<vmem>>
      %dma_start3A_156 = tpu.memref_squeeze %dma_start3A_155 : memref<1x80x128xf32, #tpu.memory_space<vmem>> -> memref<80x128xf32, #tpu.memory_space<vmem>>
      %dma_start3A_157 = arith.constant 0 : i32
      %dma_start3A_158 = tpu.memref_slice %arg8[%add3A_92, %dma_start3A_157] : memref<126x80xi32, #tpu.memory_space<vmem>> -> memref<1x80xi32, #tpu.memory_space<vmem>>
      %dma_start3A_159 = tpu.memref_squeeze %dma_start3A_158 : memref<1x80xi32, #tpu.memory_space<vmem>> -> memref<80xi32, #tpu.memory_space<vmem>>
      %dma_start3A_160 = arith.constant 0 : i32
      %dma_start3A_161 = arith.constant 0 : i32
      %dma_start3A_162 = tpu.memref_slice %arg10[%dma_start3A_160, %dma_start3A_161] : memref<10112x128xf32, #tpu.memory_space<vmem_shared>> -> memref<10112x128xf32, #tpu.memory_space<vmem_shared>>
      %dma_start3A_163 = tpu.memref_slice %arg13[%dma_start3A_152] : memref<3x!tpu.dma_semaphore, #tpu.memory_space<semaphore_mem>> -> memref<1x!tpu.dma_semaphore, #tpu.memory_space<semaphore_mem>>
      %dma_start3A_164 = tpu.memref_squeeze %dma_start3A_163 : memref<1x!tpu.dma_semaphore, #tpu.memory_space<semaphore_mem>> -> memref<!tpu.dma_semaphore, #tpu.memory_space<semaphore_mem>>
      tpu.enqueue_indirect_dma source(%dma_start3A_156 : memref<80x128xf32, #tpu.memory_space<vmem>>) target(%dma_start3A_162 : memref<10112x128xf32, #tpu.memory_space<vmem_shared>>) offsets(%dma_start3A_159 : memref<80xi32, #tpu.memory_space<vmem>>) semaphore(%dma_start3A_164 : memref<!tpu.dma_semaphore, #tpu.memory_space<semaphore_mem>>) {add = true}
      %mul3A_165 = arith.constant 3 : i32
      %mul3A_166 = arith.muli %mul3A_165, %scan3A_88 : i32
      %add3A_167 = arith.constant 1 : i32
      %add3A_168 = arith.addi %mul3A_166, %add3A_167 : i32
      %gt3A_169 = arith.constant 0 : i32
      %gt3A_170 = arith.cmpi sgt, %scan3A_88, %gt3A_169 : i32
      %convert_element_type3A_171 = arith.extui %gt3A_170 : i1 to i32
      %cond3A_172 = arith.constant 0 : i32
      %cond3A_173 = arith.cmpi ne, %convert_element_type3A_171, %cond3A_172 : i32
      scf.if %cond3A_173 {
        %sub3A_290 = arith.constant 2 : i32
        %sub3A_291 = arith.subi %add3A_168, %sub3A_290 : i32
        %dma_wait3A_292 = arith.constant 2 : i32
        %dma_wait3A_293 = arith.constant 2 : i32
        %dma_wait3A_294 = arith.constant 0 : i32
        %dma_wait3A_295 = arith.constant 0 : i32
        %dma_wait3A_296 = tpu.memref_slice %arg9[%dma_wait3A_292, %dma_wait3A_294, %dma_wait3A_295] : memref<3x80x128xf32, #tpu.memory_space<vmem>> -> memref<1x80x128xf32, #tpu.memory_space<vmem>>
        %dma_wait3A_297 = tpu.memref_squeeze %dma_wait3A_296 : memref<1x80x128xf32, #tpu.memory_space<vmem>> -> memref<80x128xf32, #tpu.memory_space<vmem>>
        %dma_wait3A_298 = arith.constant 0 : i32
        %dma_wait3A_299 = tpu.memref_slice %arg8[%sub3A_291, %dma_wait3A_298] : memref<126x80xi32, #tpu.memory_space<vmem>> -> memref<1x80xi32, #tpu.memory_space<vmem>>
        %dma_wait3A_300 = tpu.memref_squeeze %dma_wait3A_299 : memref<1x80xi32, #tpu.memory_space<vmem>> -> memref<80xi32, #tpu.memory_space<vmem>>
        %dma_wait3A_301 = arith.constant 0 : i32
        %dma_wait3A_302 = arith.constant 0 : i32
        %dma_wait3A_303 = tpu.memref_slice %arg10[%dma_wait3A_301, %dma_wait3A_302] : memref<10112x128xf32, #tpu.memory_space<vmem_shared>> -> memref<10112x128xf32, #tpu.memory_space<vmem_shared>>
        %dma_wait3A_304 = tpu.memref_slice %arg13[%dma_wait3A_293] : memref<3x!tpu.dma_semaphore, #tpu.memory_space<semaphore_mem>> -> memref<1x!tpu.dma_semaphore, #tpu.memory_space<semaphore_mem>>
        %dma_wait3A_305 = tpu.memref_squeeze %dma_wait3A_304 : memref<1x!tpu.dma_semaphore, #tpu.memory_space<semaphore_mem>> -> memref<!tpu.dma_semaphore, #tpu.memory_space<semaphore_mem>>
        tpu.wait_indirect_dma semaphore(%dma_wait3A_305 : memref<!tpu.dma_semaphore, #tpu.memory_space<semaphore_mem>>) src(%dma_wait3A_297 : memref<80x128xf32, #tpu.memory_space<vmem>>) dst(%dma_wait3A_303 : memref<10112x128xf32, #tpu.memory_space<vmem_shared>>)
      } else {
      }
      %lt3A = arith.constant 41 : i32
      %lt3A_174 = arith.cmpi slt, %scan3A_88, %lt3A : i32
      %convert_element_type3A_175 = arith.extui %lt3A_174 : i1 to i32
      %cond3A_176 = arith.constant 0 : i32
      %cond3A_177 = arith.cmpi ne, %convert_element_type3A_175, %cond3A_176 : i32
      scf.if %cond3A_177 {
        %add3A_290 = arith.constant 2 : i32
        %add3A_291 = arith.addi %add3A_168, %add3A_290 : i32
        %mul3A_292 = arith.constant 80 : i32
        %mul3A_293 = arith.muli %add3A_291, %mul3A_292 : i32
        %add3A_294 = arith.addi %mul3A_2, %mul3A_293 : i32
        %dma_start3A_295 = arith.constant 0 : i32
        %dma_start3A_296 = arith.constant 0 : i32
        %dma_start3A_297 = tpu.memref_slice %arg7[%dma_start3A_296] : memref<240xi32, #tpu.memory_space<vmem>> -> memref<80xi32, #tpu.memory_space<vmem>>
        %dma_start3A_298 = tpu.memref_slice %arg3[%add3A_294] : memref<322560xi32, #tpu.memory_space<hbm>> -> memref<80xi32, #tpu.memory_space<hbm>>
        %dma_start3A_299 = tpu.memref_slice %arg11[%dma_start3A_295] : memref<3x!tpu.dma_semaphore, #tpu.memory_space<semaphore_mem>> -> memref<1x!tpu.dma_semaphore, #tpu.memory_space<semaphore_mem>>
        %dma_start3A_300 = tpu.memref_squeeze %dma_start3A_299 : memref<1x!tpu.dma_semaphore, #tpu.memory_space<semaphore_mem>> -> memref<!tpu.dma_semaphore, #tpu.memory_space<semaphore_mem>>
        %dma_start3A_301 = arith.constant 0 : i32
        %dma_start3A_302 = tpu.memref_slice %arg7[%dma_start3A_301] : memref<240xi32, #tpu.memory_space<vmem>> -> memref<80xi32, #tpu.memory_space<vmem>>
        %dma_start3A_303 = tpu.memref_slice %arg3[%add3A_294] : memref<322560xi32, #tpu.memory_space<hbm>> -> memref<80xi32, #tpu.memory_space<hbm>>
        tpu.enqueue_dma source(%dma_start3A_303 : memref<80xi32, #tpu.memory_space<hbm>>) target(%dma_start3A_302 : memref<80xi32, #tpu.memory_space<vmem>>) target_semaphore(%dma_start3A_300 : memref<!tpu.dma_semaphore, #tpu.memory_space<semaphore_mem>>)
      } else {
      }
      %add3A_178 = arith.constant 1 : i32
      %add3A_179 = arith.addi %add3A_168, %add3A_178 : i32
      %mul3A_180 = arith.constant 80 : i32
      %mul3A_181 = arith.muli %add3A_179, %mul3A_180 : i32
      %add3A_182 = arith.addi %mul3A_2, %mul3A_181 : i32
      %dma_wait3A_183 = arith.constant 2 : i32
      %dma_wait3A_184 = arith.constant 160 : i32
      %dma_wait3A_185 = tpu.memref_slice %arg7[%dma_wait3A_184] : memref<240xi32, #tpu.memory_space<vmem>> -> memref<80xi32, #tpu.memory_space<vmem>>
      %dma_wait3A_186 = tpu.memref_slice %arg3[%add3A_182] : memref<322560xi32, #tpu.memory_space<hbm>> -> memref<80xi32, #tpu.memory_space<hbm>>
      %dma_wait3A_187 = tpu.memref_slice %arg11[%dma_wait3A_183] : memref<3x!tpu.dma_semaphore, #tpu.memory_space<semaphore_mem>> -> memref<1x!tpu.dma_semaphore, #tpu.memory_space<semaphore_mem>>
      %dma_wait3A_188 = tpu.memref_squeeze %dma_wait3A_187 : memref<1x!tpu.dma_semaphore, #tpu.memory_space<semaphore_mem>> -> memref<!tpu.dma_semaphore, #tpu.memory_space<semaphore_mem>>
      %dma_wait3A_189 = arith.constant 160 : i32
      %dma_wait3A_190 = tpu.memref_slice %arg7[%dma_wait3A_189] : memref<240xi32, #tpu.memory_space<vmem>> -> memref<80xi32, #tpu.memory_space<vmem>>
      %dma_wait3A_191 = tpu.memref_slice %arg3[%add3A_182] : memref<322560xi32, #tpu.memory_space<hbm>> -> memref<80xi32, #tpu.memory_space<hbm>>
      tpu.wait_dma2 semaphore(%dma_wait3A_188 : memref<!tpu.dma_semaphore, #tpu.memory_space<semaphore_mem>>) src(%dma_wait3A_191 : memref<80xi32, #tpu.memory_space<hbm>>) dst(%dma_wait3A_190 : memref<80xi32, #tpu.memory_space<vmem>>)
      %add3A_192 = arith.constant 1 : i32
      %add3A_193 = arith.addi %add3A_168, %add3A_192 : i32
      %dma_start3A_194 = arith.constant 2 : i32
      %dma_start3A_195 = arith.constant 2 : i32
      %dma_start3A_196 = arith.constant 0 : i32
      %dma_start3A_197 = arith.constant 0 : i32
      %dma_start3A_198 = tpu.memref_slice %arg9[%dma_start3A_194, %dma_start3A_196, %dma_start3A_197] : memref<3x80x128xf32, #tpu.memory_space<vmem>> -> memref<1x80x128xf32, #tpu.memory_space<vmem>>
      %dma_start3A_199 = tpu.memref_squeeze %dma_start3A_198 : memref<1x80x128xf32, #tpu.memory_space<vmem>> -> memref<80x128xf32, #tpu.memory_space<vmem>>
      %dma_start3A_200 = arith.constant 160 : i32
      %dma_start3A_201 = tpu.memref_slice %arg7[%dma_start3A_200] : memref<240xi32, #tpu.memory_space<vmem>> -> memref<80xi32, #tpu.memory_space<vmem>>
      %dma_start3A_202 = arith.constant 0 : i32
      %dma_start3A_203 = arith.constant 0 : i32
      %dma_start3A_204 = tpu.memref_slice %arg2[%dma_start3A_202, %dma_start3A_203] : memref<10000x128xf32, #tpu.memory_space<hbm>> -> memref<10000x128xf32, #tpu.memory_space<hbm>>
      %dma_start3A_205 = tpu.memref_slice %arg12[%dma_start3A_195] : memref<3x!tpu.dma_semaphore, #tpu.memory_space<semaphore_mem>> -> memref<1x!tpu.dma_semaphore, #tpu.memory_space<semaphore_mem>>
      %dma_start3A_206 = tpu.memref_squeeze %dma_start3A_205 : memref<1x!tpu.dma_semaphore, #tpu.memory_space<semaphore_mem>> -> memref<!tpu.dma_semaphore, #tpu.memory_space<semaphore_mem>>
      tpu.enqueue_indirect_dma source(%dma_start3A_204 : memref<10000x128xf32, #tpu.memory_space<hbm>>) target(%dma_start3A_199 : memref<80x128xf32, #tpu.memory_space<vmem>>) offsets(%dma_start3A_201 : memref<80xi32, #tpu.memory_space<vmem>>) semaphore(%dma_start3A_206 : memref<!tpu.dma_semaphore, #tpu.memory_space<semaphore_mem>>)
      %dma_wait3A_207 = arith.constant 1 : i32
      %dma_wait3A_208 = arith.constant 1 : i32
      %dma_wait3A_209 = arith.constant 0 : i32
      %dma_wait3A_210 = arith.constant 0 : i32
      %dma_wait3A_211 = tpu.memref_slice %arg9[%dma_wait3A_207, %dma_wait3A_209, %dma_wait3A_210] : memref<3x80x128xf32, #tpu.memory_space<vmem>> -> memref<1x80x128xf32, #tpu.memory_space<vmem>>
      %dma_wait3A_212 = tpu.memref_squeeze %dma_wait3A_211 : memref<1x80x128xf32, #tpu.memory_space<vmem>> -> memref<80x128xf32, #tpu.memory_space<vmem>>
      %dma_wait3A_213 = arith.constant 80 : i32
      %dma_wait3A_214 = tpu.memref_slice %arg7[%dma_wait3A_213] : memref<240xi32, #tpu.memory_space<vmem>> -> memref<80xi32, #tpu.memory_space<vmem>>
      %dma_wait3A_215 = arith.constant 0 : i32
      %dma_wait3A_216 = arith.constant 0 : i32
      %dma_wait3A_217 = tpu.memref_slice %arg2[%dma_wait3A_215, %dma_wait3A_216] : memref<10000x128xf32, #tpu.memory_space<hbm>> -> memref<10000x128xf32, #tpu.memory_space<hbm>>
      %dma_wait3A_218 = tpu.memref_slice %arg12[%dma_wait3A_208] : memref<3x!tpu.dma_semaphore, #tpu.memory_space<semaphore_mem>> -> memref<1x!tpu.dma_semaphore, #tpu.memory_space<semaphore_mem>>
      %dma_wait3A_219 = tpu.memref_squeeze %dma_wait3A_218 : memref<1x!tpu.dma_semaphore, #tpu.memory_space<semaphore_mem>> -> memref<!tpu.dma_semaphore, #tpu.memory_space<semaphore_mem>>
      tpu.wait_indirect_dma semaphore(%dma_wait3A_219 : memref<!tpu.dma_semaphore, #tpu.memory_space<semaphore_mem>>) src(%dma_wait3A_217 : memref<10000x128xf32, #tpu.memory_space<hbm>>) dst(%dma_wait3A_212 : memref<80x128xf32, #tpu.memory_space<vmem>>)
      %dma_start3A_220 = arith.constant 1 : i32
      %dma_start3A_221 = arith.constant 1 : i32
      %dma_start3A_222 = arith.constant 0 : i32
      %dma_start3A_223 = arith.constant 0 : i32
      %dma_start3A_224 = tpu.memref_slice %arg9[%dma_start3A_220, %dma_start3A_222, %dma_start3A_223] : memref<3x80x128xf32, #tpu.memory_space<vmem>> -> memref<1x80x128xf32, #tpu.memory_space<vmem>>
      %dma_start3A_225 = tpu.memref_squeeze %dma_start3A_224 : memref<1x80x128xf32, #tpu.memory_space<vmem>> -> memref<80x128xf32, #tpu.memory_space<vmem>>
      %dma_start3A_226 = arith.constant 0 : i32
      %dma_start3A_227 = tpu.memref_slice %arg8[%add3A_168, %dma_start3A_226] : memref<126x80xi32, #tpu.memory_space<vmem>> -> memref<1x80xi32, #tpu.memory_space<vmem>>
      %dma_start3A_228 = tpu.memref_squeeze %dma_start3A_227 : memref<1x80xi32, #tpu.memory_space<vmem>> -> memref<80xi32, #tpu.memory_space<vmem>>
      %dma_start3A_229 = arith.constant 0 : i32
      %dma_start3A_230 = arith.constant 0 : i32
      %dma_start3A_231 = tpu.memref_slice %arg10[%dma_start3A_229, %dma_start3A_230] : memref<10112x128xf32, #tpu.memory_space<vmem_shared>> -> memref<10112x128xf32, #tpu.memory_space<vmem_shared>>
      %dma_start3A_232 = tpu.memref_slice %arg13[%dma_start3A_221] : memref<3x!tpu.dma_semaphore, #tpu.memory_space<semaphore_mem>> -> memref<1x!tpu.dma_semaphore, #tpu.memory_space<semaphore_mem>>
      %dma_start3A_233 = tpu.memref_squeeze %dma_start3A_232 : memref<1x!tpu.dma_semaphore, #tpu.memory_space<semaphore_mem>> -> memref<!tpu.dma_semaphore, #tpu.memory_space<semaphore_mem>>
      tpu.enqueue_indirect_dma source(%dma_start3A_225 : memref<80x128xf32, #tpu.memory_space<vmem>>) target(%dma_start3A_231 : memref<10112x128xf32, #tpu.memory_space<vmem_shared>>) offsets(%dma_start3A_228 : memref<80xi32, #tpu.memory_space<vmem>>) semaphore(%dma_start3A_233 : memref<!tpu.dma_semaphore, #tpu.memory_space<semaphore_mem>>) {add = true}
      %mul3A_234 = arith.constant 3 : i32
      %mul3A_235 = arith.muli %mul3A_234, %scan3A_88 : i32
      %add3A_236 = arith.constant 2 : i32
      %add3A_237 = arith.addi %mul3A_235, %add3A_236 : i32
      %sub3A = arith.constant 2 : i32
      %sub3A_238 = arith.subi %add3A_237, %sub3A : i32
      %dma_wait3A_239 = arith.constant 0 : i32
      %dma_wait3A_240 = arith.constant 0 : i32
      %dma_wait3A_241 = arith.constant 0 : i32
      %dma_wait3A_242 = arith.constant 0 : i32
      %dma_wait3A_243 = tpu.memref_slice %arg9[%dma_wait3A_239, %dma_wait3A_241, %dma_wait3A_242] : memref<3x80x128xf32, #tpu.memory_space<vmem>> -> memref<1x80x128xf32, #tpu.memory_space<vmem>>
      %dma_wait3A_244 = tpu.memref_squeeze %dma_wait3A_243 : memref<1x80x128xf32, #tpu.memory_space<vmem>> -> memref<80x128xf32, #tpu.memory_space<vmem>>
      %dma_wait3A_245 = arith.constant 0 : i32
      %dma_wait3A_246 = tpu.memref_slice %arg8[%sub3A_238, %dma_wait3A_245] : memref<126x80xi32, #tpu.memory_space<vmem>> -> memref<1x80xi32, #tpu.memory_space<vmem>>
      %dma_wait3A_247 = tpu.memref_squeeze %dma_wait3A_246 : memref<1x80xi32, #tpu.memory_space<vmem>> -> memref<80xi32, #tpu.memory_space<vmem>>
      %dma_wait3A_248 = arith.constant 0 : i32
      %dma_wait3A_249 = arith.constant 0 : i32
      %dma_wait3A_250 = tpu.memref_slice %arg10[%dma_wait3A_248, %dma_wait3A_249] : memref<10112x128xf32, #tpu.memory_space<vmem_shared>> -> memref<10112x128xf32, #tpu.memory_space<vmem_shared>>
      %dma_wait3A_251 = tpu.memref_slice %arg13[%dma_wait3A_240] : memref<3x!tpu.dma_semaphore, #tpu.memory_space<semaphore_mem>> -> memref<1x!tpu.dma_semaphore, #tpu.memory_space<semaphore_mem>>
      %dma_wait3A_252 = tpu.memref_squeeze %dma_wait3A_251 : memref<1x!tpu.dma_semaphore, #tpu.memory_space<semaphore_mem>> -> memref<!tpu.dma_semaphore, #tpu.memory_space<semaphore_mem>>
      tpu.wait_indirect_dma semaphore(%dma_wait3A_252 : memref<!tpu.dma_semaphore, #tpu.memory_space<semaphore_mem>>) src(%dma_wait3A_244 : memref<80x128xf32, #tpu.memory_space<vmem>>) dst(%dma_wait3A_250 : memref<10112x128xf32, #tpu.memory_space<vmem_shared>>)
      %lt3A_253 = arith.constant 41 : i32
      %lt3A_254 = arith.cmpi slt, %scan3A_88, %lt3A_253 : i32
      %convert_element_type3A_255 = arith.extui %lt3A_254 : i1 to i32
      %cond3A_256 = arith.constant 0 : i32
      %cond3A_257 = arith.cmpi ne, %convert_element_type3A_255, %cond3A_256 : i32
      scf.if %cond3A_257 {
        %add3A_290 = arith.constant 2 : i32
        %add3A_291 = arith.addi %add3A_237, %add3A_290 : i32
        %mul3A_292 = arith.constant 80 : i32
        %mul3A_293 = arith.muli %add3A_291, %mul3A_292 : i32
        %add3A_294 = arith.addi %mul3A_2, %mul3A_293 : i32
        %dma_start3A_295 = arith.constant 1 : i32
        %dma_start3A_296 = arith.constant 80 : i32
        %dma_start3A_297 = tpu.memref_slice %arg7[%dma_start3A_296] : memref<240xi32, #tpu.memory_space<vmem>> -> memref<80xi32, #tpu.memory_space<vmem>>
        %dma_start3A_298 = tpu.memref_slice %arg3[%add3A_294] : memref<322560xi32, #tpu.memory_space<hbm>> -> memref<80xi32, #tpu.memory_space<hbm>>
        %dma_start3A_299 = tpu.memref_slice %arg11[%dma_start3A_295] : memref<3x!tpu.dma_semaphore, #tpu.memory_space<semaphore_mem>> -> memref<1x!tpu.dma_semaphore, #tpu.memory_space<semaphore_mem>>
        %dma_start3A_300 = tpu.memref_squeeze %dma_start3A_299 : memref<1x!tpu.dma_semaphore, #tpu.memory_space<semaphore_mem>> -> memref<!tpu.dma_semaphore, #tpu.memory_space<semaphore_mem>>
        %dma_start3A_301 = arith.constant 80 : i32
        %dma_start3A_302 = tpu.memref_slice %arg7[%dma_start3A_301] : memref<240xi32, #tpu.memory_space<vmem>> -> memref<80xi32, #tpu.memory_space<vmem>>
        %dma_start3A_303 = tpu.memref_slice %arg3[%add3A_294] : memref<322560xi32, #tpu.memory_space<hbm>> -> memref<80xi32, #tpu.memory_space<hbm>>
        tpu.enqueue_dma source(%dma_start3A_303 : memref<80xi32, #tpu.memory_space<hbm>>) target(%dma_start3A_302 : memref<80xi32, #tpu.memory_space<vmem>>) target_semaphore(%dma_start3A_300 : memref<!tpu.dma_semaphore, #tpu.memory_space<semaphore_mem>>)
      } else {
      }
      %lt3A_258 = arith.constant 41 : i32
      %lt3A_259 = arith.cmpi slt, %scan3A_88, %lt3A_258 : i32
      %convert_element_type3A_260 = arith.extui %lt3A_259 : i1 to i32
      %cond3A_261 = arith.constant 0 : i32
      %cond3A_262 = arith.cmpi ne, %convert_element_type3A_260, %cond3A_261 : i32
      scf.if %cond3A_262 {
        %add3A_290 = arith.constant 1 : i32
        %add3A_291 = arith.addi %add3A_237, %add3A_290 : i32
        %mul3A_292 = arith.constant 80 : i32
        %mul3A_293 = arith.muli %add3A_291, %mul3A_292 : i32
        %add3A_294 = arith.addi %mul3A_2, %mul3A_293 : i32
        %dma_wait3A_295 = arith.constant 0 : i32
        %dma_wait3A_296 = arith.constant 0 : i32
        %dma_wait3A_297 = tpu.memref_slice %arg7[%dma_wait3A_296] : memref<240xi32, #tpu.memory_space<vmem>> -> memref<80xi32, #tpu.memory_space<vmem>>
        %dma_wait3A_298 = tpu.memref_slice %arg3[%add3A_294] : memref<322560xi32, #tpu.memory_space<hbm>> -> memref<80xi32, #tpu.memory_space<hbm>>
        %dma_wait3A_299 = tpu.memref_slice %arg11[%dma_wait3A_295] : memref<3x!tpu.dma_semaphore, #tpu.memory_space<semaphore_mem>> -> memref<1x!tpu.dma_semaphore, #tpu.memory_space<semaphore_mem>>
        %dma_wait3A_300 = tpu.memref_squeeze %dma_wait3A_299 : memref<1x!tpu.dma_semaphore, #tpu.memory_space<semaphore_mem>> -> memref<!tpu.dma_semaphore, #tpu.memory_space<semaphore_mem>>
        %dma_wait3A_301 = arith.constant 0 : i32
        %dma_wait3A_302 = tpu.memref_slice %arg7[%dma_wait3A_301] : memref<240xi32, #tpu.memory_space<vmem>> -> memref<80xi32, #tpu.memory_space<vmem>>
        %dma_wait3A_303 = tpu.memref_slice %arg3[%add3A_294] : memref<322560xi32, #tpu.memory_space<hbm>> -> memref<80xi32, #tpu.memory_space<hbm>>
        tpu.wait_dma2 semaphore(%dma_wait3A_300 : memref<!tpu.dma_semaphore, #tpu.memory_space<semaphore_mem>>) src(%dma_wait3A_303 : memref<80xi32, #tpu.memory_space<hbm>>) dst(%dma_wait3A_302 : memref<80xi32, #tpu.memory_space<vmem>>)
        %add3A_304 = arith.constant 1 : i32
        %add3A_305 = arith.addi %add3A_237, %add3A_304 : i32
        %dma_start3A_306 = arith.constant 0 : i32
        %dma_start3A_307 = arith.constant 0 : i32
        %dma_start3A_308 = arith.constant 0 : i32
        %dma_start3A_309 = arith.constant 0 : i32
        %dma_start3A_310 = tpu.memref_slice %arg9[%dma_start3A_306, %dma_start3A_308, %dma_start3A_309] : memref<3x80x128xf32, #tpu.memory_space<vmem>> -> memref<1x80x128xf32, #tpu.memory_space<vmem>>
        %dma_start3A_311 = tpu.memref_squeeze %dma_start3A_310 : memref<1x80x128xf32, #tpu.memory_space<vmem>> -> memref<80x128xf32, #tpu.memory_space<vmem>>
        %dma_start3A_312 = arith.constant 0 : i32
        %dma_start3A_313 = tpu.memref_slice %arg7[%dma_start3A_312] : memref<240xi32, #tpu.memory_space<vmem>> -> memref<80xi32, #tpu.memory_space<vmem>>
        %dma_start3A_314 = arith.constant 0 : i32
        %dma_start3A_315 = arith.constant 0 : i32
        %dma_start3A_316 = tpu.memref_slice %arg2[%dma_start3A_314, %dma_start3A_315] : memref<10000x128xf32, #tpu.memory_space<hbm>> -> memref<10000x128xf32, #tpu.memory_space<hbm>>
        %dma_start3A_317 = tpu.memref_slice %arg12[%dma_start3A_307] : memref<3x!tpu.dma_semaphore, #tpu.memory_space<semaphore_mem>> -> memref<1x!tpu.dma_semaphore, #tpu.memory_space<semaphore_mem>>
        %dma_start3A_318 = tpu.memref_squeeze %dma_start3A_317 : memref<1x!tpu.dma_semaphore, #tpu.memory_space<semaphore_mem>> -> memref<!tpu.dma_semaphore, #tpu.memory_space<semaphore_mem>>
        tpu.enqueue_indirect_dma source(%dma_start3A_316 : memref<10000x128xf32, #tpu.memory_space<hbm>>) target(%dma_start3A_311 : memref<80x128xf32, #tpu.memory_space<vmem>>) offsets(%dma_start3A_313 : memref<80xi32, #tpu.memory_space<vmem>>) semaphore(%dma_start3A_318 : memref<!tpu.dma_semaphore, #tpu.memory_space<semaphore_mem>>)
      } else {
      }
      %dma_wait3A_263 = arith.constant 2 : i32
      %dma_wait3A_264 = arith.constant 2 : i32
      %dma_wait3A_265 = arith.constant 0 : i32
      %dma_wait3A_266 = arith.constant 0 : i32
      %dma_wait3A_267 = tpu.memref_slice %arg9[%dma_wait3A_263, %dma_wait3A_265, %dma_wait3A_266] : memref<3x80x128xf32, #tpu.memory_space<vmem>> -> memref<1x80x128xf32, #tpu.memory_space<vmem>>
      %dma_wait3A_268 = tpu.memref_squeeze %dma_wait3A_267 : memref<1x80x128xf32, #tpu.memory_space<vmem>> -> memref<80x128xf32, #tpu.memory_space<vmem>>
      %dma_wait3A_269 = arith.constant 160 : i32
      %dma_wait3A_270 = tpu.memref_slice %arg7[%dma_wait3A_269] : memref<240xi32, #tpu.memory_space<vmem>> -> memref<80xi32, #tpu.memory_space<vmem>>
      %dma_wait3A_271 = arith.constant 0 : i32
      %dma_wait3A_272 = arith.constant 0 : i32
      %dma_wait3A_273 = tpu.memref_slice %arg2[%dma_wait3A_271, %dma_wait3A_272] : memref<10000x128xf32, #tpu.memory_space<hbm>> -> memref<10000x128xf32, #tpu.memory_space<hbm>>
      %dma_wait3A_274 = tpu.memref_slice %arg12[%dma_wait3A_264] : memref<3x!tpu.dma_semaphore, #tpu.memory_space<semaphore_mem>> -> memref<1x!tpu.dma_semaphore, #tpu.memory_space<semaphore_mem>>
      %dma_wait3A_275 = tpu.memref_squeeze %dma_wait3A_274 : memref<1x!tpu.dma_semaphore, #tpu.memory_space<semaphore_mem>> -> memref<!tpu.dma_semaphore, #tpu.memory_space<semaphore_mem>>
      tpu.wait_indirect_dma semaphore(%dma_wait3A_275 : memref<!tpu.dma_semaphore, #tpu.memory_space<semaphore_mem>>) src(%dma_wait3A_273 : memref<10000x128xf32, #tpu.memory_space<hbm>>) dst(%dma_wait3A_268 : memref<80x128xf32, #tpu.memory_space<vmem>>)
      %dma_start3A_276 = arith.constant 2 : i32
      %dma_start3A_277 = arith.constant 2 : i32
      %dma_start3A_278 = arith.constant 0 : i32
      %dma_start3A_279 = arith.constant 0 : i32
      %dma_start3A_280 = tpu.memref_slice %arg9[%dma_start3A_276, %dma_start3A_278, %dma_start3A_279] : memref<3x80x128xf32, #tpu.memory_space<vmem>> -> memref<1x80x128xf32, #tpu.memory_space<vmem>>
      %dma_start3A_281 = tpu.memref_squeeze %dma_start3A_280 : memref<1x80x128xf32, #tpu.memory_space<vmem>> -> memref<80x128xf32, #tpu.memory_space<vmem>>
      %dma_start3A_282 = arith.constant 0 : i32
      %dma_start3A_283 = tpu.memref_slice %arg8[%add3A_237, %dma_start3A_282] : memref<126x80xi32, #tpu.memory_space<vmem>> -> memref<1x80xi32, #tpu.memory_space<vmem>>
      %dma_start3A_284 = tpu.memref_squeeze %dma_start3A_283 : memref<1x80xi32, #tpu.memory_space<vmem>> -> memref<80xi32, #tpu.memory_space<vmem>>
      %dma_start3A_285 = arith.constant 0 : i32
      %dma_start3A_286 = arith.constant 0 : i32
      %dma_start3A_287 = tpu.memref_slice %arg10[%dma_start3A_285, %dma_start3A_286] : memref<10112x128xf32, #tpu.memory_space<vmem_shared>> -> memref<10112x128xf32, #tpu.memory_space<vmem_shared>>
      %dma_start3A_288 = tpu.memref_slice %arg13[%dma_start3A_277] : memref<3x!tpu.dma_semaphore, #tpu.memory_space<semaphore_mem>> -> memref<1x!tpu.dma_semaphore, #tpu.memory_space<semaphore_mem>>
      %dma_start3A_289 = tpu.memref_squeeze %dma_start3A_288 : memref<1x!tpu.dma_semaphore, #tpu.memory_space<semaphore_mem>> -> memref<!tpu.dma_semaphore, #tpu.memory_space<semaphore_mem>>
      tpu.enqueue_indirect_dma source(%dma_start3A_281 : memref<80x128xf32, #tpu.memory_space<vmem>>) target(%dma_start3A_287 : memref<10112x128xf32, #tpu.memory_space<vmem_shared>>) offsets(%dma_start3A_284 : memref<80xi32, #tpu.memory_space<vmem>>) semaphore(%dma_start3A_289 : memref<!tpu.dma_semaphore, #tpu.memory_space<semaphore_mem>>) {add = true}
    }
    %scan3A_52 = arith.constant 42 : i32
    %dma_wait3A_53 = arith.constant 1 : i32
    %dma_wait3A_54 = arith.constant 124 : i32
    %dma_wait3A_55 = arith.constant 1 : i32
    %dma_wait3A_56 = arith.constant 0 : i32
    %dma_wait3A_57 = arith.constant 0 : i32
    %dma_wait3A_58 = tpu.memref_slice %arg9[%dma_wait3A_53, %dma_wait3A_56, %dma_wait3A_57] : memref<3x80x128xf32, #tpu.memory_space<vmem>> -> memref<1x80x128xf32, #tpu.memory_space<vmem>>
    %dma_wait3A_59 = tpu.memref_squeeze %dma_wait3A_58 : memref<1x80x128xf32, #tpu.memory_space<vmem>> -> memref<80x128xf32, #tpu.memory_space<vmem>>
    %dma_wait3A_60 = arith.constant 0 : i32
    %dma_wait3A_61 = tpu.memref_slice %arg8[%dma_wait3A_54, %dma_wait3A_60] : memref<126x80xi32, #tpu.memory_space<vmem>> -> memref<1x80xi32, #tpu.memory_space<vmem>>
    %dma_wait3A_62 = tpu.memref_squeeze %dma_wait3A_61 : memref<1x80xi32, #tpu.memory_space<vmem>> -> memref<80xi32, #tpu.memory_space<vmem>>
    %dma_wait3A_63 = arith.constant 0 : i32
    %dma_wait3A_64 = arith.constant 0 : i32
    %dma_wait3A_65 = tpu.memref_slice %arg10[%dma_wait3A_63, %dma_wait3A_64] : memref<10112x128xf32, #tpu.memory_space<vmem_shared>> -> memref<10112x128xf32, #tpu.memory_space<vmem_shared>>
    %dma_wait3A_66 = tpu.memref_slice %arg13[%dma_wait3A_55] : memref<3x!tpu.dma_semaphore, #tpu.memory_space<semaphore_mem>> -> memref<1x!tpu.dma_semaphore, #tpu.memory_space<semaphore_mem>>
    %dma_wait3A_67 = tpu.memref_squeeze %dma_wait3A_66 : memref<1x!tpu.dma_semaphore, #tpu.memory_space<semaphore_mem>> -> memref<!tpu.dma_semaphore, #tpu.memory_space<semaphore_mem>>
    tpu.wait_indirect_dma semaphore(%dma_wait3A_67 : memref<!tpu.dma_semaphore, #tpu.memory_space<semaphore_mem>>) src(%dma_wait3A_59 : memref<80x128xf32, #tpu.memory_space<vmem>>) dst(%dma_wait3A_65 : memref<10112x128xf32, #tpu.memory_space<vmem_shared>>)
    %dma_wait3A_68 = arith.constant 2 : i32
    %dma_wait3A_69 = arith.constant 125 : i32
    %dma_wait3A_70 = arith.constant 2 : i32
    %dma_wait3A_71 = arith.constant 0 : i32
    %dma_wait3A_72 = arith.constant 0 : i32
    %dma_wait3A_73 = tpu.memref_slice %arg9[%dma_wait3A_68, %dma_wait3A_71, %dma_wait3A_72] : memref<3x80x128xf32, #tpu.memory_space<vmem>> -> memref<1x80x128xf32, #tpu.memory_space<vmem>>
    %dma_wait3A_74 = tpu.memref_squeeze %dma_wait3A_73 : memref<1x80x128xf32, #tpu.memory_space<vmem>> -> memref<80x128xf32, #tpu.memory_space<vmem>>
    %dma_wait3A_75 = arith.constant 0 : i32
    %dma_wait3A_76 = tpu.memref_slice %arg8[%dma_wait3A_69, %dma_wait3A_75] : memref<126x80xi32, #tpu.memory_space<vmem>> -> memref<1x80xi32, #tpu.memory_space<vmem>>
    %dma_wait3A_77 = tpu.memref_squeeze %dma_wait3A_76 : memref<1x80xi32, #tpu.memory_space<vmem>> -> memref<80xi32, #tpu.memory_space<vmem>>
    %dma_wait3A_78 = arith.constant 0 : i32
    %dma_wait3A_79 = arith.constant 0 : i32
    %dma_wait3A_80 = tpu.memref_slice %arg10[%dma_wait3A_78, %dma_wait3A_79] : memref<10112x128xf32, #tpu.memory_space<vmem_shared>> -> memref<10112x128xf32, #tpu.memory_space<vmem_shared>>
    %dma_wait3A_81 = tpu.memref_slice %arg13[%dma_wait3A_70] : memref<3x!tpu.dma_semaphore, #tpu.memory_space<semaphore_mem>> -> memref<1x!tpu.dma_semaphore, #tpu.memory_space<semaphore_mem>>
    %dma_wait3A_82 = tpu.memref_squeeze %dma_wait3A_81 : memref<1x!tpu.dma_semaphore, #tpu.memory_space<semaphore_mem>> -> memref<!tpu.dma_semaphore, #tpu.memory_space<semaphore_mem>>
    tpu.wait_indirect_dma semaphore(%dma_wait3A_82 : memref<!tpu.dma_semaphore, #tpu.memory_space<semaphore_mem>>) src(%dma_wait3A_74 : memref<80x128xf32, #tpu.memory_space<vmem>>) dst(%dma_wait3A_80 : memref<10112x128xf32, #tpu.memory_space<vmem_shared>>)
    %barrier3A_83 = arith.constant 0 : index
    tpu.barrier barrier_id(%barrier3A_83)
    %mul3A_84 = arith.constant 632 : i32
    %mul3A_85 = arith.muli %arg1, %mul3A_84 : i32
    %mul3A_86 = arith.constant 632 : i32
    %mul3A_87 = arith.muli %arg1, %mul3A_86 : i32
    "tpu.region"() ({
      %run_scoped3A = tpu.sem_alloc : memref<!tpu.dma_semaphore, #tpu.memory_space<semaphore_mem>>
      %dma_start3A_88 = arith.constant 0 : i32
      %dma_start3A_89 = tpu.memref_slice %arg6[%arg0, %mul3A_87, %dma_start3A_88] : memref<2x10112x128xf32, #tpu.memory_space<hbm>> -> memref<1x632x128xf32, #tpu.memory_space<hbm>>
      %dma_start3A_90 = tpu.memref_squeeze %dma_start3A_89 : memref<1x632x128xf32, #tpu.memory_space<hbm>> -> memref<632x128xf32, #tpu.memory_space<hbm>>
      %dma_start3A_91 = arith.constant 0 : i32
      %dma_start3A_92 = tpu.memref_slice %arg10[%mul3A_85, %dma_start3A_91] : memref<10112x128xf32, #tpu.memory_space<vmem_shared>> -> memref<632x128xf32, #tpu.memory_space<vmem_shared>>
      tpu.enqueue_dma source(%dma_start3A_92 : memref<632x128xf32, #tpu.memory_space<vmem_shared>>) target(%dma_start3A_90 : memref<632x128xf32, #tpu.memory_space<hbm>>) target_semaphore(%run_scoped3A : memref<!tpu.dma_semaphore, #tpu.memory_space<semaphore_mem>>)
      %dma_wait3A_93 = arith.constant 0 : i32
      %dma_wait3A_94 = tpu.memref_slice %arg6[%arg0, %mul3A_87, %dma_wait3A_93] : memref<2x10112x128xf32, #tpu.memory_space<hbm>> -> memref<1x632x128xf32, #tpu.memory_space<hbm>>
      %dma_wait3A_95 = tpu.memref_squeeze %dma_wait3A_94 : memref<1x632x128xf32, #tpu.memory_space<hbm>> -> memref<632x128xf32, #tpu.memory_space<hbm>>
      %dma_wait3A_96 = arith.constant 0 : i32
      %dma_wait3A_97 = tpu.memref_slice %arg10[%mul3A_85, %dma_wait3A_96] : memref<10112x128xf32, #tpu.memory_space<vmem_shared>> -> memref<632x128xf32, #tpu.memory_space<vmem_shared>>
      tpu.wait_dma2 semaphore(%run_scoped3A : memref<!tpu.dma_semaphore, #tpu.memory_space<semaphore_mem>>) src(%dma_wait3A_97 : memref<632x128xf32, #tpu.memory_space<vmem_shared>>) dst(%dma_wait3A_95 : memref<632x128xf32, #tpu.memory_space<hbm>>)
      tpu.yield
    }) : () -> ()
    return
  }
}

#map = affine_map<(d0, d1) -> (0, 0)>
#map1 = affine_map<(d0, d1) -> (0)>
#map2 = affine_map<(d0, d1) -> (0, 0, 0)>
module attributes {stable_mosaic.version = 14 : i64} {
  func.func @_agg_kernel(%arg0: i32, %arg1: i32, %arg2: memref<10000x128xf32, #tpu.memory_space<hbm>>, %arg3: memref<322560xi32, #tpu.memory_space<hbm>>, %arg4: memref<32x126x80xi32, #tpu.memory_space<hbm>>, %arg5: memref<632x128xf32, #tpu.memory_space<hbm>>, %arg6: memref<2x10112x128xf32, #tpu.memory_space<hbm>>, %arg7: memref<240xi32, #tpu.memory_space<vmem>>, %arg8: memref<126x80xi32, #tpu.memory_space<vmem>>, %arg9: memref<3x80x128xf32, #tpu.memory_space<vmem>>, %arg10: memref<10112x128xf32, #tpu.memory_space<vmem_shared>>, %arg11: memref<3x!tpu.dma_semaphore, #tpu.memory_space<semaphore_mem>>, %arg12: memref<3x!tpu.dma_semaphore, #tpu.memory_space<semaphore_mem>>, %arg13: memref<3x!tpu.dma_semaphore, #tpu.memory_space<semaphore_mem>>) attributes {dimension_semantics = [#tpu.dimension_semantics<core_parallel>, #tpu.dimension_semantics<subcore_parallel>], iteration_bounds = array<i64: 2, 16>, scalar_prefetch = 0 : i64, scratch_operands = 7 : i64, tpu.core_type = #tpu.core_type<sc_vector_subcore>, window_params = [{transform_indices = #map}, {transform_indices = #map1}, {transform_indices = #map2}, {transform_indices = #map}, {transform_indices = #map2}]} {
    %mul3A = arith.constant 2 : i32
    %mul3A_0 = arith.muli %arg1, %mul3A : i32
    %add3A = arith.addi %mul3A_0, %arg0 : i32
    %mul3A_1 = arith.constant 10080 : i32
    %mul3A_2 = arith.muli %add3A, %mul3A_1 : i32
    "tpu.region"() ({
      %run_scoped3A = tpu.sem_alloc : memref<!tpu.dma_semaphore, #tpu.memory_space<semaphore_mem>>
      %dma_start3A_88 = arith.constant 0 : i32
      %dma_start3A_89 = arith.constant 0 : i32
      %dma_start3A_90 = tpu.memref_slice %arg4[%add3A, %dma_start3A_88, %dma_start3A_89] : memref<32x126x80xi32, #tpu.memory_space<hbm>> -> memref<1x126x80xi32, #tpu.memory_space<hbm>>
      %dma_start3A_91 = tpu.memref_squeeze %dma_start3A_90 : memref<1x126x80xi32, #tpu.memory_space<hbm>> -> memref<126x80xi32, #tpu.memory_space<hbm>>
      %dma_start3A_92 = arith.constant 0 : i32
      %dma_start3A_93 = arith.constant 0 : i32
      %dma_start3A_94 = tpu.memref_slice %arg4[%add3A, %dma_start3A_92, %dma_start3A_93] : memref<32x126x80xi32, #tpu.memory_space<hbm>> -> memref<1x126x80xi32, #tpu.memory_space<hbm>>
      %dma_start3A_95 = tpu.memref_squeeze %dma_start3A_94 : memref<1x126x80xi32, #tpu.memory_space<hbm>> -> memref<126x80xi32, #tpu.memory_space<hbm>>
      tpu.enqueue_dma source(%dma_start3A_95 : memref<126x80xi32, #tpu.memory_space<hbm>>) target(%arg8 : memref<126x80xi32, #tpu.memory_space<vmem>>) target_semaphore(%run_scoped3A : memref<!tpu.dma_semaphore, #tpu.memory_space<semaphore_mem>>)
      %dma_wait3A_96 = arith.constant 0 : i32
      %dma_wait3A_97 = arith.constant 0 : i32
      %dma_wait3A_98 = tpu.memref_slice %arg4[%add3A, %dma_wait3A_96, %dma_wait3A_97] : memref<32x126x80xi32, #tpu.memory_space<hbm>> -> memref<1x126x80xi32, #tpu.memory_space<hbm>>
      %dma_wait3A_99 = tpu.memref_squeeze %dma_wait3A_98 : memref<1x126x80xi32, #tpu.memory_space<hbm>> -> memref<126x80xi32, #tpu.memory_space<hbm>>
      %dma_wait3A_100 = arith.constant 0 : i32
      %dma_wait3A_101 = arith.constant 0 : i32
      %dma_wait3A_102 = tpu.memref_slice %arg4[%add3A, %dma_wait3A_100, %dma_wait3A_101] : memref<32x126x80xi32, #tpu.memory_space<hbm>> -> memref<1x126x80xi32, #tpu.memory_space<hbm>>
      %dma_wait3A_103 = tpu.memref_squeeze %dma_wait3A_102 : memref<1x126x80xi32, #tpu.memory_space<hbm>> -> memref<126x80xi32, #tpu.memory_space<hbm>>
      tpu.wait_dma2 semaphore(%run_scoped3A : memref<!tpu.dma_semaphore, #tpu.memory_space<semaphore_mem>>) src(%dma_wait3A_103 : memref<126x80xi32, #tpu.memory_space<hbm>>) dst(%arg8 : memref<126x80xi32, #tpu.memory_space<vmem>>)
      tpu.yield
    }) : () -> ()
    %mul3A_3 = arith.constant 632 : i32
    %mul3A_4 = arith.muli %arg1, %mul3A_3 : i32
    "tpu.region"() ({
      %run_scoped3A = tpu.sem_alloc : memref<!tpu.dma_semaphore, #tpu.memory_space<semaphore_mem>>
      %dma_start3A_88 = arith.constant 0 : i32
      %dma_start3A_89 = tpu.memref_slice %arg10[%mul3A_4, %dma_start3A_88] : memref<10112x128xf32, #tpu.memory_space<vmem_shared>> -> memref<632x128xf32, #tpu.memory_space<vmem_shared>>
      tpu.enqueue_dma source(%arg5 : memref<632x128xf32, #tpu.memory_space<hbm>>) target(%dma_start3A_89 : memref<632x128xf32, #tpu.memory_space<vmem_shared>>) target_semaphore(%run_scoped3A : memref<!tpu.dma_semaphore, #tpu.memory_space<semaphore_mem>>)
      %dma_wait3A_90 = arith.constant 0 : i32
      %dma_wait3A_91 = tpu.memref_slice %arg10[%mul3A_4, %dma_wait3A_90] : memref<10112x128xf32, #tpu.memory_space<vmem_shared>> -> memref<632x128xf32, #tpu.memory_space<vmem_shared>>
      tpu.wait_dma2 semaphore(%run_scoped3A : memref<!tpu.dma_semaphore, #tpu.memory_space<semaphore_mem>>) src(%arg5 : memref<632x128xf32, #tpu.memory_space<hbm>>) dst(%dma_wait3A_91 : memref<632x128xf32, #tpu.memory_space<vmem_shared>>)
      tpu.yield
    }) : () -> ()
    %barrier3A = arith.constant 0 : index
    tpu.barrier barrier_id(%barrier3A)
    %add3A_5 = arith.constant 0 : i32
    %add3A_6 = arith.addi %mul3A_2, %add3A_5 : i32
    %dma_start3A = arith.constant 0 : i32
    %dma_start3A_7 = arith.constant 0 : i32
    %dma_start3A_8 = tpu.memref_slice %arg7[%dma_start3A_7] : memref<240xi32, #tpu.memory_space<vmem>> -> memref<80xi32, #tpu.memory_space<vmem>>
    %dma_start3A_9 = tpu.memref_slice %arg3[%add3A_6] : memref<322560xi32, #tpu.memory_space<hbm>> -> memref<80xi32, #tpu.memory_space<hbm>>
    %dma_start3A_10 = tpu.memref_slice %arg11[%dma_start3A] : memref<3x!tpu.dma_semaphore, #tpu.memory_space<semaphore_mem>> -> memref<1x!tpu.dma_semaphore, #tpu.memory_space<semaphore_mem>>
    %dma_start3A_11 = tpu.memref_squeeze %dma_start3A_10 : memref<1x!tpu.dma_semaphore, #tpu.memory_space<semaphore_mem>> -> memref<!tpu.dma_semaphore, #tpu.memory_space<semaphore_mem>>
    %dma_start3A_12 = arith.constant 0 : i32
    %dma_start3A_13 = tpu.memref_slice %arg7[%dma_start3A_12] : memref<240xi32, #tpu.memory_space<vmem>> -> memref<80xi32, #tpu.memory_space<vmem>>
    %dma_start3A_14 = tpu.memref_slice %arg3[%add3A_6] : memref<322560xi32, #tpu.memory_space<hbm>> -> memref<80xi32, #tpu.memory_space<hbm>>
    tpu.enqueue_dma source(%dma_start3A_14 : memref<80xi32, #tpu.memory_space<hbm>>) target(%dma_start3A_13 : memref<80xi32, #tpu.memory_space<vmem>>) target_semaphore(%dma_start3A_11 : memref<!tpu.dma_semaphore, #tpu.memory_space<semaphore_mem>>)
    %add3A_15 = arith.constant 80 : i32
    %add3A_16 = arith.addi %mul3A_2, %add3A_15 : i32
    %dma_start3A_17 = arith.constant 1 : i32
    %dma_start3A_18 = arith.constant 80 : i32
    %dma_start3A_19 = tpu.memref_slice %arg7[%dma_start3A_18] : memref<240xi32, #tpu.memory_space<vmem>> -> memref<80xi32, #tpu.memory_space<vmem>>
    %dma_start3A_20 = tpu.memref_slice %arg3[%add3A_16] : memref<322560xi32, #tpu.memory_space<hbm>> -> memref<80xi32, #tpu.memory_space<hbm>>
    %dma_start3A_21 = tpu.memref_slice %arg11[%dma_start3A_17] : memref<3x!tpu.dma_semaphore, #tpu.memory_space<semaphore_mem>> -> memref<1x!tpu.dma_semaphore, #tpu.memory_space<semaphore_mem>>
    %dma_start3A_22 = tpu.memref_squeeze %dma_start3A_21 : memref<1x!tpu.dma_semaphore, #tpu.memory_space<semaphore_mem>> -> memref<!tpu.dma_semaphore, #tpu.memory_space<semaphore_mem>>
    %dma_start3A_23 = arith.constant 80 : i32
    %dma_start3A_24 = tpu.memref_slice %arg7[%dma_start3A_23] : memref<240xi32, #tpu.memory_space<vmem>> -> memref<80xi32, #tpu.memory_space<vmem>>
    %dma_start3A_25 = tpu.memref_slice %arg3[%add3A_16] : memref<322560xi32, #tpu.memory_space<hbm>> -> memref<80xi32, #tpu.memory_space<hbm>>
    tpu.enqueue_dma source(%dma_start3A_25 : memref<80xi32, #tpu.memory_space<hbm>>) target(%dma_start3A_24 : memref<80xi32, #tpu.memory_space<vmem>>) target_semaphore(%dma_start3A_22 : memref<!tpu.dma_semaphore, #tpu.memory_space<semaphore_mem>>)
    %add3A_26 = arith.constant 0 : i32
    %add3A_27 = arith.addi %mul3A_2, %add3A_26 : i32
    %dma_wait3A = arith.constant 0 : i32
    %dma_wait3A_28 = arith.constant 0 : i32
    %dma_wait3A_29 = tpu.memref_slice %arg7[%dma_wait3A_28] : memref<240xi32, #tpu.memory_space<vmem>> -> memref<80xi32, #tpu.memory_space<vmem>>
    %dma_wait3A_30 = tpu.memref_slice %arg3[%add3A_27] : memref<322560xi32, #tpu.memory_space<hbm>> -> memref<80xi32, #tpu.memory_space<hbm>>
    %dma_wait3A_31 = tpu.memref_slice %arg11[%dma_wait3A] : memref<3x!tpu.dma_semaphore, #tpu.memory_space<semaphore_mem>> -> memref<1x!tpu.dma_semaphore, #tpu.memory_space<semaphore_mem>>
    %dma_wait3A_32 = tpu.memref_squeeze %dma_wait3A_31 : memref<1x!tpu.dma_semaphore, #tpu.memory_space<semaphore_mem>> -> memref<!tpu.dma_semaphore, #tpu.memory_space<semaphore_mem>>
    %dma_wait3A_33 = arith.constant 0 : i32
    %dma_wait3A_34 = tpu.memref_slice %arg7[%dma_wait3A_33] : memref<240xi32, #tpu.memory_space<vmem>> -> memref<80xi32, #tpu.memory_space<vmem>>
    %dma_wait3A_35 = tpu.memref_slice %arg3[%add3A_27] : memref<322560xi32, #tpu.memory_space<hbm>> -> memref<80xi32, #tpu.memory_space<hbm>>
    tpu.wait_dma2 semaphore(%dma_wait3A_32 : memref<!tpu.dma_semaphore, #tpu.memory_space<semaphore_mem>>) src(%dma_wait3A_35 : memref<80xi32, #tpu.memory_space<hbm>>) dst(%dma_wait3A_34 : memref<80xi32, #tpu.memory_space<vmem>>)
    %dma_start3A_36 = arith.constant 0 : i32
    %dma_start3A_37 = arith.constant 0 : i32
    %dma_start3A_38 = arith.constant 0 : i32
    %dma_start3A_39 = arith.constant 0 : i32
    %dma_start3A_40 = tpu.memref_slice %arg9[%dma_start3A_36, %dma_start3A_38, %dma_start3A_39] : memref<3x80x128xf32, #tpu.memory_space<vmem>> -> memref<1x80x128xf32, #tpu.memory_space<vmem>>
    %dma_start3A_41 = tpu.memref_squeeze %dma_start3A_40 : memref<1x80x128xf32, #tpu.memory_space<vmem>> -> memref<80x128xf32, #tpu.memory_space<vmem>>
    %dma_start3A_42 = arith.constant 0 : i32
    %dma_start3A_43 = tpu.memref_slice %arg7[%dma_start3A_42] : memref<240xi32, #tpu.memory_space<vmem>> -> memref<80xi32, #tpu.memory_space<vmem>>
    %dma_start3A_44 = arith.constant 0 : i32
    %dma_start3A_45 = arith.constant 0 : i32
    %dma_start3A_46 = tpu.memref_slice %arg2[%dma_start3A_44, %dma_start3A_45] : memref<10000x128xf32, #tpu.memory_space<hbm>> -> memref<10000x128xf32, #tpu.memory_space<hbm>>
    %dma_start3A_47 = tpu.memref_slice %arg12[%dma_start3A_37] : memref<3x!tpu.dma_semaphore, #tpu.memory_space<semaphore_mem>> -> memref<1x!tpu.dma_semaphore, #tpu.memory_space<semaphore_mem>>
    %dma_start3A_48 = tpu.memref_squeeze %dma_start3A_47 : memref<1x!tpu.dma_semaphore, #tpu.memory_space<semaphore_mem>> -> memref<!tpu.dma_semaphore, #tpu.memory_space<semaphore_mem>>
    tpu.enqueue_indirect_dma source(%dma_start3A_46 : memref<10000x128xf32, #tpu.memory_space<hbm>>) target(%dma_start3A_41 : memref<80x128xf32, #tpu.memory_space<vmem>>) offsets(%dma_start3A_43 : memref<80xi32, #tpu.memory_space<vmem>>) semaphore(%dma_start3A_48 : memref<!tpu.dma_semaphore, #tpu.memory_space<semaphore_mem>>)
    %scan3A = arith.constant 0 : i32
    %scan3A_49 = arith.constant 42 : i32
    %scan3A_50 = arith.addi %scan3A, %scan3A_49 : i32
    %scan3A_51 = arith.constant 1 : i32
    scf.for %scan3A_88 = %scan3A to %scan3A_50 step %scan3A_51  : i32 {
      %mul3A_89 = arith.constant 3 : i32
      %mul3A_90 = arith.muli %mul3A_89, %scan3A_88 : i32
      %add3A_91 = arith.constant 0 : i32
      %add3A_92 = arith.addi %mul3A_90, %add3A_91 : i32
      %gt3A = arith.constant 0 : i32
      %gt3A_93 = arith.cmpi sgt, %scan3A_88, %gt3A : i32
      %convert_element_type3A = arith.extui %gt3A_93 : i1 to i32
      %cond3A = arith.constant 0 : i32
      %cond3A_94 = arith.cmpi ne, %convert_element_type3A, %cond3A : i32
      scf.if %cond3A_94 {
        %sub3A_290 = arith.constant 2 : i32
        %sub3A_291 = arith.subi %add3A_92, %sub3A_290 : i32
        %dma_wait3A_292 = arith.constant 1 : i32
        %dma_wait3A_293 = arith.constant 1 : i32
        %dma_wait3A_294 = arith.constant 0 : i32
        %dma_wait3A_295 = arith.constant 0 : i32
        %dma_wait3A_296 = tpu.memref_slice %arg9[%dma_wait3A_292, %dma_wait3A_294, %dma_wait3A_295] : memref<3x80x128xf32, #tpu.memory_space<vmem>> -> memref<1x80x128xf32, #tpu.memory_space<vmem>>
        %dma_wait3A_297 = tpu.memref_squeeze %dma_wait3A_296 : memref<1x80x128xf32, #tpu.memory_space<vmem>> -> memref<80x128xf32, #tpu.memory_space<vmem>>
        %dma_wait3A_298 = arith.constant 0 : i32
        %dma_wait3A_299 = tpu.memref_slice %arg8[%sub3A_291, %dma_wait3A_298] : memref<126x80xi32, #tpu.memory_space<vmem>> -> memref<1x80xi32, #tpu.memory_space<vmem>>
        %dma_wait3A_300 = tpu.memref_squeeze %dma_wait3A_299 : memref<1x80xi32, #tpu.memory_space<vmem>> -> memref<80xi32, #tpu.memory_space<vmem>>
        %dma_wait3A_301 = arith.constant 0 : i32
        %dma_wait3A_302 = arith.constant 0 : i32
        %dma_wait3A_303 = tpu.memref_slice %arg10[%dma_wait3A_301, %dma_wait3A_302] : memref<10112x128xf32, #tpu.memory_space<vmem_shared>> -> memref<10112x128xf32, #tpu.memory_space<vmem_shared>>
        %dma_wait3A_304 = tpu.memref_slice %arg13[%dma_wait3A_293] : memref<3x!tpu.dma_semaphore, #tpu.memory_space<semaphore_mem>> -> memref<1x!tpu.dma_semaphore, #tpu.memory_space<semaphore_mem>>
        %dma_wait3A_305 = tpu.memref_squeeze %dma_wait3A_304 : memref<1x!tpu.dma_semaphore, #tpu.memory_space<semaphore_mem>> -> memref<!tpu.dma_semaphore, #tpu.memory_space<semaphore_mem>>
        tpu.wait_indirect_dma semaphore(%dma_wait3A_305 : memref<!tpu.dma_semaphore, #tpu.memory_space<semaphore_mem>>) src(%dma_wait3A_297 : memref<80x128xf32, #tpu.memory_space<vmem>>) dst(%dma_wait3A_303 : memref<10112x128xf32, #tpu.memory_space<vmem_shared>>)
      } else {
      }
      %add3A_95 = arith.constant 2 : i32
      %add3A_96 = arith.addi %add3A_92, %add3A_95 : i32
      %mul3A_97 = arith.constant 80 : i32
      %mul3A_98 = arith.muli %add3A_96, %mul3A_97 : i32
      %add3A_99 = arith.addi %mul3A_2, %mul3A_98 : i32
      %dma_start3A_100 = arith.constant 2 : i32
      %dma_start3A_101 = arith.constant 160 : i32
      %dma_start3A_102 = tpu.memref_slice %arg7[%dma_start3A_101] : memref<240xi32, #tpu.memory_space<vmem>> -> memref<80xi32, #tpu.memory_space<vmem>>
      %dma_start3A_103 = tpu.memref_slice %arg3[%add3A_99] : memref<322560xi32, #tpu.memory_space<hbm>> -> memref<80xi32, #tpu.memory_space<hbm>>
      %dma_start3A_104 = tpu.memref_slice %arg11[%dma_start3A_100] : memref<3x!tpu.dma_semaphore, #tpu.memory_space<semaphore_mem>> -> memref<1x!tpu.dma_semaphore, #tpu.memory_space<semaphore_mem>>
      %dma_start3A_105 = tpu.memref_squeeze %dma_start3A_104 : memref<1x!tpu.dma_semaphore, #tpu.memory_space<semaphore_mem>> -> memref<!tpu.dma_semaphore, #tpu.memory_space<semaphore_mem>>
      %dma_start3A_106 = arith.constant 160 : i32
      %dma_start3A_107 = tpu.memref_slice %arg7[%dma_start3A_106] : memref<240xi32, #tpu.memory_space<vmem>> -> memref<80xi32, #tpu.memory_space<vmem>>
      %dma_start3A_108 = tpu.memref_slice %arg3[%add3A_99] : memref<322560xi32, #tpu.memory_space<hbm>> -> memref<80xi32, #tpu.memory_space<hbm>>
      tpu.enqueue_dma source(%dma_start3A_108 : memref<80xi32, #tpu.memory_space<hbm>>) target(%dma_start3A_107 : memref<80xi32, #tpu.memory_space<vmem>>) target_semaphore(%dma_start3A_105 : memref<!tpu.dma_semaphore, #tpu.memory_space<semaphore_mem>>)
      %add3A_109 = arith.constant 1 : i32
      %add3A_110 = arith.addi %add3A_92, %add3A_109 : i32
      %mul3A_111 = arith.constant 80 : i32
      %mul3A_112 = arith.muli %add3A_110, %mul3A_111 : i32
      %add3A_113 = arith.addi %mul3A_2, %mul3A_112 : i32
      %dma_wait3A_114 = arith.constant 1 : i32
      %dma_wait3A_115 = arith.constant 80 : i32
      %dma_wait3A_116 = tpu.memref_slice %arg7[%dma_wait3A_115] : memref<240xi32, #tpu.memory_space<vmem>> -> memref<80xi32, #tpu.memory_space<vmem>>
      %dma_wait3A_117 = tpu.memref_slice %arg3[%add3A_113] : memref<322560xi32, #tpu.memory_space<hbm>> -> memref<80xi32, #tpu.memory_space<hbm>>
      %dma_wait3A_118 = tpu.memref_slice %arg11[%dma_wait3A_114] : memref<3x!tpu.dma_semaphore, #tpu.memory_space<semaphore_mem>> -> memref<1x!tpu.dma_semaphore, #tpu.memory_space<semaphore_mem>>
      %dma_wait3A_119 = tpu.memref_squeeze %dma_wait3A_118 : memref<1x!tpu.dma_semaphore, #tpu.memory_space<semaphore_mem>> -> memref<!tpu.dma_semaphore, #tpu.memory_space<semaphore_mem>>
      %dma_wait3A_120 = arith.constant 80 : i32
      %dma_wait3A_121 = tpu.memref_slice %arg7[%dma_wait3A_120] : memref<240xi32, #tpu.memory_space<vmem>> -> memref<80xi32, #tpu.memory_space<vmem>>
      %dma_wait3A_122 = tpu.memref_slice %arg3[%add3A_113] : memref<322560xi32, #tpu.memory_space<hbm>> -> memref<80xi32, #tpu.memory_space<hbm>>
      tpu.wait_dma2 semaphore(%dma_wait3A_119 : memref<!tpu.dma_semaphore, #tpu.memory_space<semaphore_mem>>) src(%dma_wait3A_122 : memref<80xi32, #tpu.memory_space<hbm>>) dst(%dma_wait3A_121 : memref<80xi32, #tpu.memory_space<vmem>>)
      %add3A_123 = arith.constant 1 : i32
      %add3A_124 = arith.addi %add3A_92, %add3A_123 : i32
      %dma_start3A_125 = arith.constant 1 : i32
      %dma_start3A_126 = arith.constant 1 : i32
      %dma_start3A_127 = arith.constant 0 : i32
      %dma_start3A_128 = arith.constant 0 : i32
      %dma_start3A_129 = tpu.memref_slice %arg9[%dma_start3A_125, %dma_start3A_127, %dma_start3A_128] : memref<3x80x128xf32, #tpu.memory_space<vmem>> -> memref<1x80x128xf32, #tpu.memory_space<vmem>>
      %dma_start3A_130 = tpu.memref_squeeze %dma_start3A_129 : memref<1x80x128xf32, #tpu.memory_space<vmem>> -> memref<80x128xf32, #tpu.memory_space<vmem>>
      %dma_start3A_131 = arith.constant 80 : i32
      %dma_start3A_132 = tpu.memref_slice %arg7[%dma_start3A_131] : memref<240xi32, #tpu.memory_space<vmem>> -> memref<80xi32, #tpu.memory_space<vmem>>
      %dma_start3A_133 = arith.constant 0 : i32
      %dma_start3A_134 = arith.constant 0 : i32
      %dma_start3A_135 = tpu.memref_slice %arg2[%dma_start3A_133, %dma_start3A_134] : memref<10000x128xf32, #tpu.memory_space<hbm>> -> memref<10000x128xf32, #tpu.memory_space<hbm>>
      %dma_start3A_136 = tpu.memref_slice %arg12[%dma_start3A_126] : memref<3x!tpu.dma_semaphore, #tpu.memory_space<semaphore_mem>> -> memref<1x!tpu.dma_semaphore, #tpu.memory_space<semaphore_mem>>
      %dma_start3A_137 = tpu.memref_squeeze %dma_start3A_136 : memref<1x!tpu.dma_semaphore, #tpu.memory_space<semaphore_mem>> -> memref<!tpu.dma_semaphore, #tpu.memory_space<semaphore_mem>>
      tpu.enqueue_indirect_dma source(%dma_start3A_135 : memref<10000x128xf32, #tpu.memory_space<hbm>>) target(%dma_start3A_130 : memref<80x128xf32, #tpu.memory_space<vmem>>) offsets(%dma_start3A_132 : memref<80xi32, #tpu.memory_space<vmem>>) semaphore(%dma_start3A_137 : memref<!tpu.dma_semaphore, #tpu.memory_space<semaphore_mem>>)
      %dma_wait3A_138 = arith.constant 0 : i32
      %dma_wait3A_139 = arith.constant 0 : i32
      %dma_wait3A_140 = arith.constant 0 : i32
      %dma_wait3A_141 = arith.constant 0 : i32
      %dma_wait3A_142 = tpu.memref_slice %arg9[%dma_wait3A_138, %dma_wait3A_140, %dma_wait3A_141] : memref<3x80x128xf32, #tpu.memory_space<vmem>> -> memref<1x80x128xf32, #tpu.memory_space<vmem>>
      %dma_wait3A_143 = tpu.memref_squeeze %dma_wait3A_142 : memref<1x80x128xf32, #tpu.memory_space<vmem>> -> memref<80x128xf32, #tpu.memory_space<vmem>>
      %dma_wait3A_144 = arith.constant 0 : i32
      %dma_wait3A_145 = tpu.memref_slice %arg7[%dma_wait3A_144] : memref<240xi32, #tpu.memory_space<vmem>> -> memref<80xi32, #tpu.memory_space<vmem>>
      %dma_wait3A_146 = arith.constant 0 : i32
      %dma_wait3A_147 = arith.constant 0 : i32
      %dma_wait3A_148 = tpu.memref_slice %arg2[%dma_wait3A_146, %dma_wait3A_147] : memref<10000x128xf32, #tpu.memory_space<hbm>> -> memref<10000x128xf32, #tpu.memory_space<hbm>>
      %dma_wait3A_149 = tpu.memref_slice %arg12[%dma_wait3A_139] : memref<3x!tpu.dma_semaphore, #tpu.memory_space<semaphore_mem>> -> memref<1x!tpu.dma_semaphore, #tpu.memory_space<semaphore_mem>>
      %dma_wait3A_150 = tpu.memref_squeeze %dma_wait3A_149 : memref<1x!tpu.dma_semaphore, #tpu.memory_space<semaphore_mem>> -> memref<!tpu.dma_semaphore, #tpu.memory_space<semaphore_mem>>
      tpu.wait_indirect_dma semaphore(%dma_wait3A_150 : memref<!tpu.dma_semaphore, #tpu.memory_space<semaphore_mem>>) src(%dma_wait3A_148 : memref<10000x128xf32, #tpu.memory_space<hbm>>) dst(%dma_wait3A_143 : memref<80x128xf32, #tpu.memory_space<vmem>>)
      %dma_start3A_151 = arith.constant 0 : i32
      %dma_start3A_152 = arith.constant 0 : i32
      %dma_start3A_153 = arith.constant 0 : i32
      %dma_start3A_154 = arith.constant 0 : i32
      %dma_start3A_155 = tpu.memref_slice %arg9[%dma_start3A_151, %dma_start3A_153, %dma_start3A_154] : memref<3x80x128xf32, #tpu.memory_space<vmem>> -> memref<1x80x128xf32, #tpu.memory_space<vmem>>
      %dma_start3A_156 = tpu.memref_squeeze %dma_start3A_155 : memref<1x80x128xf32, #tpu.memory_space<vmem>> -> memref<80x128xf32, #tpu.memory_space<vmem>>
      %dma_start3A_157 = arith.constant 0 : i32
      %dma_start3A_158 = tpu.memref_slice %arg8[%add3A_92, %dma_start3A_157] : memref<126x80xi32, #tpu.memory_space<vmem>> -> memref<1x80xi32, #tpu.memory_space<vmem>>
      %dma_start3A_159 = tpu.memref_squeeze %dma_start3A_158 : memref<1x80xi32, #tpu.memory_space<vmem>> -> memref<80xi32, #tpu.memory_space<vmem>>
      %dma_start3A_160 = arith.constant 0 : i32
      %dma_start3A_161 = arith.constant 0 : i32
      %dma_start3A_162 = tpu.memref_slice %arg10[%dma_start3A_160, %dma_start3A_161] : memref<10112x128xf32, #tpu.memory_space<vmem_shared>> -> memref<10112x128xf32, #tpu.memory_space<vmem_shared>>
      %dma_start3A_163 = tpu.memref_slice %arg13[%dma_start3A_152] : memref<3x!tpu.dma_semaphore, #tpu.memory_space<semaphore_mem>> -> memref<1x!tpu.dma_semaphore, #tpu.memory_space<semaphore_mem>>
      %dma_start3A_164 = tpu.memref_squeeze %dma_start3A_163 : memref<1x!tpu.dma_semaphore, #tpu.memory_space<semaphore_mem>> -> memref<!tpu.dma_semaphore, #tpu.memory_space<semaphore_mem>>
      tpu.enqueue_indirect_dma source(%dma_start3A_156 : memref<80x128xf32, #tpu.memory_space<vmem>>) target(%dma_start3A_162 : memref<10112x128xf32, #tpu.memory_space<vmem_shared>>) offsets(%dma_start3A_159 : memref<80xi32, #tpu.memory_space<vmem>>) semaphore(%dma_start3A_164 : memref<!tpu.dma_semaphore, #tpu.memory_space<semaphore_mem>>) {add = true}
      %mul3A_165 = arith.constant 3 : i32
      %mul3A_166 = arith.muli %mul3A_165, %scan3A_88 : i32
      %add3A_167 = arith.constant 1 : i32
      %add3A_168 = arith.addi %mul3A_166, %add3A_167 : i32
      %gt3A_169 = arith.constant 0 : i32
      %gt3A_170 = arith.cmpi sgt, %scan3A_88, %gt3A_169 : i32
      %convert_element_type3A_171 = arith.extui %gt3A_170 : i1 to i32
      %cond3A_172 = arith.constant 0 : i32
      %cond3A_173 = arith.cmpi ne, %convert_element_type3A_171, %cond3A_172 : i32
      scf.if %cond3A_173 {
        %sub3A_290 = arith.constant 2 : i32
        %sub3A_291 = arith.subi %add3A_168, %sub3A_290 : i32
        %dma_wait3A_292 = arith.constant 2 : i32
        %dma_wait3A_293 = arith.constant 2 : i32
        %dma_wait3A_294 = arith.constant 0 : i32
        %dma_wait3A_295 = arith.constant 0 : i32
        %dma_wait3A_296 = tpu.memref_slice %arg9[%dma_wait3A_292, %dma_wait3A_294, %dma_wait3A_295] : memref<3x80x128xf32, #tpu.memory_space<vmem>> -> memref<1x80x128xf32, #tpu.memory_space<vmem>>
        %dma_wait3A_297 = tpu.memref_squeeze %dma_wait3A_296 : memref<1x80x128xf32, #tpu.memory_space<vmem>> -> memref<80x128xf32, #tpu.memory_space<vmem>>
        %dma_wait3A_298 = arith.constant 0 : i32
        %dma_wait3A_299 = tpu.memref_slice %arg8[%sub3A_291, %dma_wait3A_298] : memref<126x80xi32, #tpu.memory_space<vmem>> -> memref<1x80xi32, #tpu.memory_space<vmem>>
        %dma_wait3A_300 = tpu.memref_squeeze %dma_wait3A_299 : memref<1x80xi32, #tpu.memory_space<vmem>> -> memref<80xi32, #tpu.memory_space<vmem>>
        %dma_wait3A_301 = arith.constant 0 : i32
        %dma_wait3A_302 = arith.constant 0 : i32
        %dma_wait3A_303 = tpu.memref_slice %arg10[%dma_wait3A_301, %dma_wait3A_302] : memref<10112x128xf32, #tpu.memory_space<vmem_shared>> -> memref<10112x128xf32, #tpu.memory_space<vmem_shared>>
        %dma_wait3A_304 = tpu.memref_slice %arg13[%dma_wait3A_293] : memref<3x!tpu.dma_semaphore, #tpu.memory_space<semaphore_mem>> -> memref<1x!tpu.dma_semaphore, #tpu.memory_space<semaphore_mem>>
        %dma_wait3A_305 = tpu.memref_squeeze %dma_wait3A_304 : memref<1x!tpu.dma_semaphore, #tpu.memory_space<semaphore_mem>> -> memref<!tpu.dma_semaphore, #tpu.memory_space<semaphore_mem>>
        tpu.wait_indirect_dma semaphore(%dma_wait3A_305 : memref<!tpu.dma_semaphore, #tpu.memory_space<semaphore_mem>>) src(%dma_wait3A_297 : memref<80x128xf32, #tpu.memory_space<vmem>>) dst(%dma_wait3A_303 : memref<10112x128xf32, #tpu.memory_space<vmem_shared>>)
      } else {
      }
      %lt3A = arith.constant 41 : i32
      %lt3A_174 = arith.cmpi slt, %scan3A_88, %lt3A : i32
      %convert_element_type3A_175 = arith.extui %lt3A_174 : i1 to i32
      %cond3A_176 = arith.constant 0 : i32
      %cond3A_177 = arith.cmpi ne, %convert_element_type3A_175, %cond3A_176 : i32
      scf.if %cond3A_177 {
        %add3A_290 = arith.constant 2 : i32
        %add3A_291 = arith.addi %add3A_168, %add3A_290 : i32
        %mul3A_292 = arith.constant 80 : i32
        %mul3A_293 = arith.muli %add3A_291, %mul3A_292 : i32
        %add3A_294 = arith.addi %mul3A_2, %mul3A_293 : i32
        %dma_start3A_295 = arith.constant 0 : i32
        %dma_start3A_296 = arith.constant 0 : i32
        %dma_start3A_297 = tpu.memref_slice %arg7[%dma_start3A_296] : memref<240xi32, #tpu.memory_space<vmem>> -> memref<80xi32, #tpu.memory_space<vmem>>
        %dma_start3A_298 = tpu.memref_slice %arg3[%add3A_294] : memref<322560xi32, #tpu.memory_space<hbm>> -> memref<80xi32, #tpu.memory_space<hbm>>
        %dma_start3A_299 = tpu.memref_slice %arg11[%dma_start3A_295] : memref<3x!tpu.dma_semaphore, #tpu.memory_space<semaphore_mem>> -> memref<1x!tpu.dma_semaphore, #tpu.memory_space<semaphore_mem>>
        %dma_start3A_300 = tpu.memref_squeeze %dma_start3A_299 : memref<1x!tpu.dma_semaphore, #tpu.memory_space<semaphore_mem>> -> memref<!tpu.dma_semaphore, #tpu.memory_space<semaphore_mem>>
        %dma_start3A_301 = arith.constant 0 : i32
        %dma_start3A_302 = tpu.memref_slice %arg7[%dma_start3A_301] : memref<240xi32, #tpu.memory_space<vmem>> -> memref<80xi32, #tpu.memory_space<vmem>>
        %dma_start3A_303 = tpu.memref_slice %arg3[%add3A_294] : memref<322560xi32, #tpu.memory_space<hbm>> -> memref<80xi32, #tpu.memory_space<hbm>>
        tpu.enqueue_dma source(%dma_start3A_303 : memref<80xi32, #tpu.memory_space<hbm>>) target(%dma_start3A_302 : memref<80xi32, #tpu.memory_space<vmem>>) target_semaphore(%dma_start3A_300 : memref<!tpu.dma_semaphore, #tpu.memory_space<semaphore_mem>>)
      } else {
      }
      %add3A_178 = arith.constant 1 : i32
      %add3A_179 = arith.addi %add3A_168, %add3A_178 : i32
      %mul3A_180 = arith.constant 80 : i32
      %mul3A_181 = arith.muli %add3A_179, %mul3A_180 : i32
      %add3A_182 = arith.addi %mul3A_2, %mul3A_181 : i32
      %dma_wait3A_183 = arith.constant 2 : i32
      %dma_wait3A_184 = arith.constant 160 : i32
      %dma_wait3A_185 = tpu.memref_slice %arg7[%dma_wait3A_184] : memref<240xi32, #tpu.memory_space<vmem>> -> memref<80xi32, #tpu.memory_space<vmem>>
      %dma_wait3A_186 = tpu.memref_slice %arg3[%add3A_182] : memref<322560xi32, #tpu.memory_space<hbm>> -> memref<80xi32, #tpu.memory_space<hbm>>
      %dma_wait3A_187 = tpu.memref_slice %arg11[%dma_wait3A_183] : memref<3x!tpu.dma_semaphore, #tpu.memory_space<semaphore_mem>> -> memref<1x!tpu.dma_semaphore, #tpu.memory_space<semaphore_mem>>
      %dma_wait3A_188 = tpu.memref_squeeze %dma_wait3A_187 : memref<1x!tpu.dma_semaphore, #tpu.memory_space<semaphore_mem>> -> memref<!tpu.dma_semaphore, #tpu.memory_space<semaphore_mem>>
      %dma_wait3A_189 = arith.constant 160 : i32
      %dma_wait3A_190 = tpu.memref_slice %arg7[%dma_wait3A_189] : memref<240xi32, #tpu.memory_space<vmem>> -> memref<80xi32, #tpu.memory_space<vmem>>
      %dma_wait3A_191 = tpu.memref_slice %arg3[%add3A_182] : memref<322560xi32, #tpu.memory_space<hbm>> -> memref<80xi32, #tpu.memory_space<hbm>>
      tpu.wait_dma2 semaphore(%dma_wait3A_188 : memref<!tpu.dma_semaphore, #tpu.memory_space<semaphore_mem>>) src(%dma_wait3A_191 : memref<80xi32, #tpu.memory_space<hbm>>) dst(%dma_wait3A_190 : memref<80xi32, #tpu.memory_space<vmem>>)
      %add3A_192 = arith.constant 1 : i32
      %add3A_193 = arith.addi %add3A_168, %add3A_192 : i32
      %dma_start3A_194 = arith.constant 2 : i32
      %dma_start3A_195 = arith.constant 2 : i32
      %dma_start3A_196 = arith.constant 0 : i32
      %dma_start3A_197 = arith.constant 0 : i32
      %dma_start3A_198 = tpu.memref_slice %arg9[%dma_start3A_194, %dma_start3A_196, %dma_start3A_197] : memref<3x80x128xf32, #tpu.memory_space<vmem>> -> memref<1x80x128xf32, #tpu.memory_space<vmem>>
      %dma_start3A_199 = tpu.memref_squeeze %dma_start3A_198 : memref<1x80x128xf32, #tpu.memory_space<vmem>> -> memref<80x128xf32, #tpu.memory_space<vmem>>
      %dma_start3A_200 = arith.constant 160 : i32
      %dma_start3A_201 = tpu.memref_slice %arg7[%dma_start3A_200] : memref<240xi32, #tpu.memory_space<vmem>> -> memref<80xi32, #tpu.memory_space<vmem>>
      %dma_start3A_202 = arith.constant 0 : i32
      %dma_start3A_203 = arith.constant 0 : i32
      %dma_start3A_204 = tpu.memref_slice %arg2[%dma_start3A_202, %dma_start3A_203] : memref<10000x128xf32, #tpu.memory_space<hbm>> -> memref<10000x128xf32, #tpu.memory_space<hbm>>
      %dma_start3A_205 = tpu.memref_slice %arg12[%dma_start3A_195] : memref<3x!tpu.dma_semaphore, #tpu.memory_space<semaphore_mem>> -> memref<1x!tpu.dma_semaphore, #tpu.memory_space<semaphore_mem>>
      %dma_start3A_206 = tpu.memref_squeeze %dma_start3A_205 : memref<1x!tpu.dma_semaphore, #tpu.memory_space<semaphore_mem>> -> memref<!tpu.dma_semaphore, #tpu.memory_space<semaphore_mem>>
      tpu.enqueue_indirect_dma source(%dma_start3A_204 : memref<10000x128xf32, #tpu.memory_space<hbm>>) target(%dma_start3A_199 : memref<80x128xf32, #tpu.memory_space<vmem>>) offsets(%dma_start3A_201 : memref<80xi32, #tpu.memory_space<vmem>>) semaphore(%dma_start3A_206 : memref<!tpu.dma_semaphore, #tpu.memory_space<semaphore_mem>>)
      %dma_wait3A_207 = arith.constant 1 : i32
      %dma_wait3A_208 = arith.constant 1 : i32
      %dma_wait3A_209 = arith.constant 0 : i32
      %dma_wait3A_210 = arith.constant 0 : i32
      %dma_wait3A_211 = tpu.memref_slice %arg9[%dma_wait3A_207, %dma_wait3A_209, %dma_wait3A_210] : memref<3x80x128xf32, #tpu.memory_space<vmem>> -> memref<1x80x128xf32, #tpu.memory_space<vmem>>
      %dma_wait3A_212 = tpu.memref_squeeze %dma_wait3A_211 : memref<1x80x128xf32, #tpu.memory_space<vmem>> -> memref<80x128xf32, #tpu.memory_space<vmem>>
      %dma_wait3A_213 = arith.constant 80 : i32
      %dma_wait3A_214 = tpu.memref_slice %arg7[%dma_wait3A_213] : memref<240xi32, #tpu.memory_space<vmem>> -> memref<80xi32, #tpu.memory_space<vmem>>
      %dma_wait3A_215 = arith.constant 0 : i32
      %dma_wait3A_216 = arith.constant 0 : i32
      %dma_wait3A_217 = tpu.memref_slice %arg2[%dma_wait3A_215, %dma_wait3A_216] : memref<10000x128xf32, #tpu.memory_space<hbm>> -> memref<10000x128xf32, #tpu.memory_space<hbm>>
      %dma_wait3A_218 = tpu.memref_slice %arg12[%dma_wait3A_208] : memref<3x!tpu.dma_semaphore, #tpu.memory_space<semaphore_mem>> -> memref<1x!tpu.dma_semaphore, #tpu.memory_space<semaphore_mem>>
      %dma_wait3A_219 = tpu.memref_squeeze %dma_wait3A_218 : memref<1x!tpu.dma_semaphore, #tpu.memory_space<semaphore_mem>> -> memref<!tpu.dma_semaphore, #tpu.memory_space<semaphore_mem>>
      tpu.wait_indirect_dma semaphore(%dma_wait3A_219 : memref<!tpu.dma_semaphore, #tpu.memory_space<semaphore_mem>>) src(%dma_wait3A_217 : memref<10000x128xf32, #tpu.memory_space<hbm>>) dst(%dma_wait3A_212 : memref<80x128xf32, #tpu.memory_space<vmem>>)
      %dma_start3A_220 = arith.constant 1 : i32
      %dma_start3A_221 = arith.constant 1 : i32
      %dma_start3A_222 = arith.constant 0 : i32
      %dma_start3A_223 = arith.constant 0 : i32
      %dma_start3A_224 = tpu.memref_slice %arg9[%dma_start3A_220, %dma_start3A_222, %dma_start3A_223] : memref<3x80x128xf32, #tpu.memory_space<vmem>> -> memref<1x80x128xf32, #tpu.memory_space<vmem>>
      %dma_start3A_225 = tpu.memref_squeeze %dma_start3A_224 : memref<1x80x128xf32, #tpu.memory_space<vmem>> -> memref<80x128xf32, #tpu.memory_space<vmem>>
      %dma_start3A_226 = arith.constant 0 : i32
      %dma_start3A_227 = tpu.memref_slice %arg8[%add3A_168, %dma_start3A_226] : memref<126x80xi32, #tpu.memory_space<vmem>> -> memref<1x80xi32, #tpu.memory_space<vmem>>
      %dma_start3A_228 = tpu.memref_squeeze %dma_start3A_227 : memref<1x80xi32, #tpu.memory_space<vmem>> -> memref<80xi32, #tpu.memory_space<vmem>>
      %dma_start3A_229 = arith.constant 0 : i32
      %dma_start3A_230 = arith.constant 0 : i32
      %dma_start3A_231 = tpu.memref_slice %arg10[%dma_start3A_229, %dma_start3A_230] : memref<10112x128xf32, #tpu.memory_space<vmem_shared>> -> memref<10112x128xf32, #tpu.memory_space<vmem_shared>>
      %dma_start3A_232 = tpu.memref_slice %arg13[%dma_start3A_221] : memref<3x!tpu.dma_semaphore, #tpu.memory_space<semaphore_mem>> -> memref<1x!tpu.dma_semaphore, #tpu.memory_space<semaphore_mem>>
      %dma_start3A_233 = tpu.memref_squeeze %dma_start3A_232 : memref<1x!tpu.dma_semaphore, #tpu.memory_space<semaphore_mem>> -> memref<!tpu.dma_semaphore, #tpu.memory_space<semaphore_mem>>
      tpu.enqueue_indirect_dma source(%dma_start3A_225 : memref<80x128xf32, #tpu.memory_space<vmem>>) target(%dma_start3A_231 : memref<10112x128xf32, #tpu.memory_space<vmem_shared>>) offsets(%dma_start3A_228 : memref<80xi32, #tpu.memory_space<vmem>>) semaphore(%dma_start3A_233 : memref<!tpu.dma_semaphore, #tpu.memory_space<semaphore_mem>>) {add = true}
      %mul3A_234 = arith.constant 3 : i32
      %mul3A_235 = arith.muli %mul3A_234, %scan3A_88 : i32
      %add3A_236 = arith.constant 2 : i32
      %add3A_237 = arith.addi %mul3A_235, %add3A_236 : i32
      %sub3A = arith.constant 2 : i32
      %sub3A_238 = arith.subi %add3A_237, %sub3A : i32
      %dma_wait3A_239 = arith.constant 0 : i32
      %dma_wait3A_240 = arith.constant 0 : i32
      %dma_wait3A_241 = arith.constant 0 : i32
      %dma_wait3A_242 = arith.constant 0 : i32
      %dma_wait3A_243 = tpu.memref_slice %arg9[%dma_wait3A_239, %dma_wait3A_241, %dma_wait3A_242] : memref<3x80x128xf32, #tpu.memory_space<vmem>> -> memref<1x80x128xf32, #tpu.memory_space<vmem>>
      %dma_wait3A_244 = tpu.memref_squeeze %dma_wait3A_243 : memref<1x80x128xf32, #tpu.memory_space<vmem>> -> memref<80x128xf32, #tpu.memory_space<vmem>>
      %dma_wait3A_245 = arith.constant 0 : i32
      %dma_wait3A_246 = tpu.memref_slice %arg8[%sub3A_238, %dma_wait3A_245] : memref<126x80xi32, #tpu.memory_space<vmem>> -> memref<1x80xi32, #tpu.memory_space<vmem>>
      %dma_wait3A_247 = tpu.memref_squeeze %dma_wait3A_246 : memref<1x80xi32, #tpu.memory_space<vmem>> -> memref<80xi32, #tpu.memory_space<vmem>>
      %dma_wait3A_248 = arith.constant 0 : i32
      %dma_wait3A_249 = arith.constant 0 : i32
      %dma_wait3A_250 = tpu.memref_slice %arg10[%dma_wait3A_248, %dma_wait3A_249] : memref<10112x128xf32, #tpu.memory_space<vmem_shared>> -> memref<10112x128xf32, #tpu.memory_space<vmem_shared>>
      %dma_wait3A_251 = tpu.memref_slice %arg13[%dma_wait3A_240] : memref<3x!tpu.dma_semaphore, #tpu.memory_space<semaphore_mem>> -> memref<1x!tpu.dma_semaphore, #tpu.memory_space<semaphore_mem>>
      %dma_wait3A_252 = tpu.memref_squeeze %dma_wait3A_251 : memref<1x!tpu.dma_semaphore, #tpu.memory_space<semaphore_mem>> -> memref<!tpu.dma_semaphore, #tpu.memory_space<semaphore_mem>>
      tpu.wait_indirect_dma semaphore(%dma_wait3A_252 : memref<!tpu.dma_semaphore, #tpu.memory_space<semaphore_mem>>) src(%dma_wait3A_244 : memref<80x128xf32, #tpu.memory_space<vmem>>) dst(%dma_wait3A_250 : memref<10112x128xf32, #tpu.memory_space<vmem_shared>>)
      %lt3A_253 = arith.constant 41 : i32
      %lt3A_254 = arith.cmpi slt, %scan3A_88, %lt3A_253 : i32
      %convert_element_type3A_255 = arith.extui %lt3A_254 : i1 to i32
      %cond3A_256 = arith.constant 0 : i32
      %cond3A_257 = arith.cmpi ne, %convert_element_type3A_255, %cond3A_256 : i32
      scf.if %cond3A_257 {
        %add3A_290 = arith.constant 2 : i32
        %add3A_291 = arith.addi %add3A_237, %add3A_290 : i32
        %mul3A_292 = arith.constant 80 : i32
        %mul3A_293 = arith.muli %add3A_291, %mul3A_292 : i32
        %add3A_294 = arith.addi %mul3A_2, %mul3A_293 : i32
        %dma_start3A_295 = arith.constant 1 : i32
        %dma_start3A_296 = arith.constant 80 : i32
        %dma_start3A_297 = tpu.memref_slice %arg7[%dma_start3A_296] : memref<240xi32, #tpu.memory_space<vmem>> -> memref<80xi32, #tpu.memory_space<vmem>>
        %dma_start3A_298 = tpu.memref_slice %arg3[%add3A_294] : memref<322560xi32, #tpu.memory_space<hbm>> -> memref<80xi32, #tpu.memory_space<hbm>>
        %dma_start3A_299 = tpu.memref_slice %arg11[%dma_start3A_295] : memref<3x!tpu.dma_semaphore, #tpu.memory_space<semaphore_mem>> -> memref<1x!tpu.dma_semaphore, #tpu.memory_space<semaphore_mem>>
        %dma_start3A_300 = tpu.memref_squeeze %dma_start3A_299 : memref<1x!tpu.dma_semaphore, #tpu.memory_space<semaphore_mem>> -> memref<!tpu.dma_semaphore, #tpu.memory_space<semaphore_mem>>
        %dma_start3A_301 = arith.constant 80 : i32
        %dma_start3A_302 = tpu.memref_slice %arg7[%dma_start3A_301] : memref<240xi32, #tpu.memory_space<vmem>> -> memref<80xi32, #tpu.memory_space<vmem>>
        %dma_start3A_303 = tpu.memref_slice %arg3[%add3A_294] : memref<322560xi32, #tpu.memory_space<hbm>> -> memref<80xi32, #tpu.memory_space<hbm>>
        tpu.enqueue_dma source(%dma_start3A_303 : memref<80xi32, #tpu.memory_space<hbm>>) target(%dma_start3A_302 : memref<80xi32, #tpu.memory_space<vmem>>) target_semaphore(%dma_start3A_300 : memref<!tpu.dma_semaphore, #tpu.memory_space<semaphore_mem>>)
      } else {
      }
      %lt3A_258 = arith.constant 41 : i32
      %lt3A_259 = arith.cmpi slt, %scan3A_88, %lt3A_258 : i32
      %convert_element_type3A_260 = arith.extui %lt3A_259 : i1 to i32
      %cond3A_261 = arith.constant 0 : i32
      %cond3A_262 = arith.cmpi ne, %convert_element_type3A_260, %cond3A_261 : i32
      scf.if %cond3A_262 {
        %add3A_290 = arith.constant 1 : i32
        %add3A_291 = arith.addi %add3A_237, %add3A_290 : i32
        %mul3A_292 = arith.constant 80 : i32
        %mul3A_293 = arith.muli %add3A_291, %mul3A_292 : i32
        %add3A_294 = arith.addi %mul3A_2, %mul3A_293 : i32
        %dma_wait3A_295 = arith.constant 0 : i32
        %dma_wait3A_296 = arith.constant 0 : i32
        %dma_wait3A_297 = tpu.memref_slice %arg7[%dma_wait3A_296] : memref<240xi32, #tpu.memory_space<vmem>> -> memref<80xi32, #tpu.memory_space<vmem>>
        %dma_wait3A_298 = tpu.memref_slice %arg3[%add3A_294] : memref<322560xi32, #tpu.memory_space<hbm>> -> memref<80xi32, #tpu.memory_space<hbm>>
        %dma_wait3A_299 = tpu.memref_slice %arg11[%dma_wait3A_295] : memref<3x!tpu.dma_semaphore, #tpu.memory_space<semaphore_mem>> -> memref<1x!tpu.dma_semaphore, #tpu.memory_space<semaphore_mem>>
        %dma_wait3A_300 = tpu.memref_squeeze %dma_wait3A_299 : memref<1x!tpu.dma_semaphore, #tpu.memory_space<semaphore_mem>> -> memref<!tpu.dma_semaphore, #tpu.memory_space<semaphore_mem>>
        %dma_wait3A_301 = arith.constant 0 : i32
        %dma_wait3A_302 = tpu.memref_slice %arg7[%dma_wait3A_301] : memref<240xi32, #tpu.memory_space<vmem>> -> memref<80xi32, #tpu.memory_space<vmem>>
        %dma_wait3A_303 = tpu.memref_slice %arg3[%add3A_294] : memref<322560xi32, #tpu.memory_space<hbm>> -> memref<80xi32, #tpu.memory_space<hbm>>
        tpu.wait_dma2 semaphore(%dma_wait3A_300 : memref<!tpu.dma_semaphore, #tpu.memory_space<semaphore_mem>>) src(%dma_wait3A_303 : memref<80xi32, #tpu.memory_space<hbm>>) dst(%dma_wait3A_302 : memref<80xi32, #tpu.memory_space<vmem>>)
        %add3A_304 = arith.constant 1 : i32
        %add3A_305 = arith.addi %add3A_237, %add3A_304 : i32
        %dma_start3A_306 = arith.constant 0 : i32
        %dma_start3A_307 = arith.constant 0 : i32
        %dma_start3A_308 = arith.constant 0 : i32
        %dma_start3A_309 = arith.constant 0 : i32
        %dma_start3A_310 = tpu.memref_slice %arg9[%dma_start3A_306, %dma_start3A_308, %dma_start3A_309] : memref<3x80x128xf32, #tpu.memory_space<vmem>> -> memref<1x80x128xf32, #tpu.memory_space<vmem>>
        %dma_start3A_311 = tpu.memref_squeeze %dma_start3A_310 : memref<1x80x128xf32, #tpu.memory_space<vmem>> -> memref<80x128xf32, #tpu.memory_space<vmem>>
        %dma_start3A_312 = arith.constant 0 : i32
        %dma_start3A_313 = tpu.memref_slice %arg7[%dma_start3A_312] : memref<240xi32, #tpu.memory_space<vmem>> -> memref<80xi32, #tpu.memory_space<vmem>>
        %dma_start3A_314 = arith.constant 0 : i32
        %dma_start3A_315 = arith.constant 0 : i32
        %dma_start3A_316 = tpu.memref_slice %arg2[%dma_start3A_314, %dma_start3A_315] : memref<10000x128xf32, #tpu.memory_space<hbm>> -> memref<10000x128xf32, #tpu.memory_space<hbm>>
        %dma_start3A_317 = tpu.memref_slice %arg12[%dma_start3A_307] : memref<3x!tpu.dma_semaphore, #tpu.memory_space<semaphore_mem>> -> memref<1x!tpu.dma_semaphore, #tpu.memory_space<semaphore_mem>>
        %dma_start3A_318 = tpu.memref_squeeze %dma_start3A_317 : memref<1x!tpu.dma_semaphore, #tpu.memory_space<semaphore_mem>> -> memref<!tpu.dma_semaphore, #tpu.memory_space<semaphore_mem>>
        tpu.enqueue_indirect_dma source(%dma_start3A_316 : memref<10000x128xf32, #tpu.memory_space<hbm>>) target(%dma_start3A_311 : memref<80x128xf32, #tpu.memory_space<vmem>>) offsets(%dma_start3A_313 : memref<80xi32, #tpu.memory_space<vmem>>) semaphore(%dma_start3A_318 : memref<!tpu.dma_semaphore, #tpu.memory_space<semaphore_mem>>)
      } else {
      }
      %dma_wait3A_263 = arith.constant 2 : i32
      %dma_wait3A_264 = arith.constant 2 : i32
      %dma_wait3A_265 = arith.constant 0 : i32
      %dma_wait3A_266 = arith.constant 0 : i32
      %dma_wait3A_267 = tpu.memref_slice %arg9[%dma_wait3A_263, %dma_wait3A_265, %dma_wait3A_266] : memref<3x80x128xf32, #tpu.memory_space<vmem>> -> memref<1x80x128xf32, #tpu.memory_space<vmem>>
      %dma_wait3A_268 = tpu.memref_squeeze %dma_wait3A_267 : memref<1x80x128xf32, #tpu.memory_space<vmem>> -> memref<80x128xf32, #tpu.memory_space<vmem>>
      %dma_wait3A_269 = arith.constant 160 : i32
      %dma_wait3A_270 = tpu.memref_slice %arg7[%dma_wait3A_269] : memref<240xi32, #tpu.memory_space<vmem>> -> memref<80xi32, #tpu.memory_space<vmem>>
      %dma_wait3A_271 = arith.constant 0 : i32
      %dma_wait3A_272 = arith.constant 0 : i32
      %dma_wait3A_273 = tpu.memref_slice %arg2[%dma_wait3A_271, %dma_wait3A_272] : memref<10000x128xf32, #tpu.memory_space<hbm>> -> memref<10000x128xf32, #tpu.memory_space<hbm>>
      %dma_wait3A_274 = tpu.memref_slice %arg12[%dma_wait3A_264] : memref<3x!tpu.dma_semaphore, #tpu.memory_space<semaphore_mem>> -> memref<1x!tpu.dma_semaphore, #tpu.memory_space<semaphore_mem>>
      %dma_wait3A_275 = tpu.memref_squeeze %dma_wait3A_274 : memref<1x!tpu.dma_semaphore, #tpu.memory_space<semaphore_mem>> -> memref<!tpu.dma_semaphore, #tpu.memory_space<semaphore_mem>>
      tpu.wait_indirect_dma semaphore(%dma_wait3A_275 : memref<!tpu.dma_semaphore, #tpu.memory_space<semaphore_mem>>) src(%dma_wait3A_273 : memref<10000x128xf32, #tpu.memory_space<hbm>>) dst(%dma_wait3A_268 : memref<80x128xf32, #tpu.memory_space<vmem>>)
      %dma_start3A_276 = arith.constant 2 : i32
      %dma_start3A_277 = arith.constant 2 : i32
      %dma_start3A_278 = arith.constant 0 : i32
      %dma_start3A_279 = arith.constant 0 : i32
      %dma_start3A_280 = tpu.memref_slice %arg9[%dma_start3A_276, %dma_start3A_278, %dma_start3A_279] : memref<3x80x128xf32, #tpu.memory_space<vmem>> -> memref<1x80x128xf32, #tpu.memory_space<vmem>>
      %dma_start3A_281 = tpu.memref_squeeze %dma_start3A_280 : memref<1x80x128xf32, #tpu.memory_space<vmem>> -> memref<80x128xf32, #tpu.memory_space<vmem>>
      %dma_start3A_282 = arith.constant 0 : i32
      %dma_start3A_283 = tpu.memref_slice %arg8[%add3A_237, %dma_start3A_282] : memref<126x80xi32, #tpu.memory_space<vmem>> -> memref<1x80xi32, #tpu.memory_space<vmem>>
      %dma_start3A_284 = tpu.memref_squeeze %dma_start3A_283 : memref<1x80xi32, #tpu.memory_space<vmem>> -> memref<80xi32, #tpu.memory_space<vmem>>
      %dma_start3A_285 = arith.constant 0 : i32
      %dma_start3A_286 = arith.constant 0 : i32
      %dma_start3A_287 = tpu.memref_slice %arg10[%dma_start3A_285, %dma_start3A_286] : memref<10112x128xf32, #tpu.memory_space<vmem_shared>> -> memref<10112x128xf32, #tpu.memory_space<vmem_shared>>
      %dma_start3A_288 = tpu.memref_slice %arg13[%dma_start3A_277] : memref<3x!tpu.dma_semaphore, #tpu.memory_space<semaphore_mem>> -> memref<1x!tpu.dma_semaphore, #tpu.memory_space<semaphore_mem>>
      %dma_start3A_289 = tpu.memref_squeeze %dma_start3A_288 : memref<1x!tpu.dma_semaphore, #tpu.memory_space<semaphore_mem>> -> memref<!tpu.dma_semaphore, #tpu.memory_space<semaphore_mem>>
      tpu.enqueue_indirect_dma source(%dma_start3A_281 : memref<80x128xf32, #tpu.memory_space<vmem>>) target(%dma_start3A_287 : memref<10112x128xf32, #tpu.memory_space<vmem_shared>>) offsets(%dma_start3A_284 : memref<80xi32, #tpu.memory_space<vmem>>) semaphore(%dma_start3A_289 : memref<!tpu.dma_semaphore, #tpu.memory_space<semaphore_mem>>) {add = true}
    }
    %scan3A_52 = arith.constant 42 : i32
    %dma_wait3A_53 = arith.constant 1 : i32
    %dma_wait3A_54 = arith.constant 124 : i32
    %dma_wait3A_55 = arith.constant 1 : i32
    %dma_wait3A_56 = arith.constant 0 : i32
    %dma_wait3A_57 = arith.constant 0 : i32
    %dma_wait3A_58 = tpu.memref_slice %arg9[%dma_wait3A_53, %dma_wait3A_56, %dma_wait3A_57] : memref<3x80x128xf32, #tpu.memory_space<vmem>> -> memref<1x80x128xf32, #tpu.memory_space<vmem>>
    %dma_wait3A_59 = tpu.memref_squeeze %dma_wait3A_58 : memref<1x80x128xf32, #tpu.memory_space<vmem>> -> memref<80x128xf32, #tpu.memory_space<vmem>>
    %dma_wait3A_60 = arith.constant 0 : i32
    %dma_wait3A_61 = tpu.memref_slice %arg8[%dma_wait3A_54, %dma_wait3A_60] : memref<126x80xi32, #tpu.memory_space<vmem>> -> memref<1x80xi32, #tpu.memory_space<vmem>>
    %dma_wait3A_62 = tpu.memref_squeeze %dma_wait3A_61 : memref<1x80xi32, #tpu.memory_space<vmem>> -> memref<80xi32, #tpu.memory_space<vmem>>
    %dma_wait3A_63 = arith.constant 0 : i32
    %dma_wait3A_64 = arith.constant 0 : i32
    %dma_wait3A_65 = tpu.memref_slice %arg10[%dma_wait3A_63, %dma_wait3A_64] : memref<10112x128xf32, #tpu.memory_space<vmem_shared>> -> memref<10112x128xf32, #tpu.memory_space<vmem_shared>>
    %dma_wait3A_66 = tpu.memref_slice %arg13[%dma_wait3A_55] : memref<3x!tpu.dma_semaphore, #tpu.memory_space<semaphore_mem>> -> memref<1x!tpu.dma_semaphore, #tpu.memory_space<semaphore_mem>>
    %dma_wait3A_67 = tpu.memref_squeeze %dma_wait3A_66 : memref<1x!tpu.dma_semaphore, #tpu.memory_space<semaphore_mem>> -> memref<!tpu.dma_semaphore, #tpu.memory_space<semaphore_mem>>
    tpu.wait_indirect_dma semaphore(%dma_wait3A_67 : memref<!tpu.dma_semaphore, #tpu.memory_space<semaphore_mem>>) src(%dma_wait3A_59 : memref<80x128xf32, #tpu.memory_space<vmem>>) dst(%dma_wait3A_65 : memref<10112x128xf32, #tpu.memory_space<vmem_shared>>)
    %dma_wait3A_68 = arith.constant 2 : i32
    %dma_wait3A_69 = arith.constant 125 : i32
    %dma_wait3A_70 = arith.constant 2 : i32
    %dma_wait3A_71 = arith.constant 0 : i32
    %dma_wait3A_72 = arith.constant 0 : i32
    %dma_wait3A_73 = tpu.memref_slice %arg9[%dma_wait3A_68, %dma_wait3A_71, %dma_wait3A_72] : memref<3x80x128xf32, #tpu.memory_space<vmem>> -> memref<1x80x128xf32, #tpu.memory_space<vmem>>
    %dma_wait3A_74 = tpu.memref_squeeze %dma_wait3A_73 : memref<1x80x128xf32, #tpu.memory_space<vmem>> -> memref<80x128xf32, #tpu.memory_space<vmem>>
    %dma_wait3A_75 = arith.constant 0 : i32
    %dma_wait3A_76 = tpu.memref_slice %arg8[%dma_wait3A_69, %dma_wait3A_75] : memref<126x80xi32, #tpu.memory_space<vmem>> -> memref<1x80xi32, #tpu.memory_space<vmem>>
    %dma_wait3A_77 = tpu.memref_squeeze %dma_wait3A_76 : memref<1x80xi32, #tpu.memory_space<vmem>> -> memref<80xi32, #tpu.memory_space<vmem>>
    %dma_wait3A_78 = arith.constant 0 : i32
    %dma_wait3A_79 = arith.constant 0 : i32
    %dma_wait3A_80 = tpu.memref_slice %arg10[%dma_wait3A_78, %dma_wait3A_79] : memref<10112x128xf32, #tpu.memory_space<vmem_shared>> -> memref<10112x128xf32, #tpu.memory_space<vmem_shared>>
    %dma_wait3A_81 = tpu.memref_slice %arg13[%dma_wait3A_70] : memref<3x!tpu.dma_semaphore, #tpu.memory_space<semaphore_mem>> -> memref<1x!tpu.dma_semaphore, #tpu.memory_space<semaphore_mem>>
    %dma_wait3A_82 = tpu.memref_squeeze %dma_wait3A_81 : memref<1x!tpu.dma_semaphore, #tpu.memory_space<semaphore_mem>> -> memref<!tpu.dma_semaphore, #tpu.memory_space<semaphore_mem>>
    tpu.wait_indirect_dma semaphore(%dma_wait3A_82 : memref<!tpu.dma_semaphore, #tpu.memory_space<semaphore_mem>>) src(%dma_wait3A_74 : memref<80x128xf32, #tpu.memory_space<vmem>>) dst(%dma_wait3A_80 : memref<10112x128xf32, #tpu.memory_space<vmem_shared>>)
    %barrier3A_83 = arith.constant 0 : index
    tpu.barrier barrier_id(%barrier3A_83)
    %mul3A_84 = arith.constant 632 : i32
    %mul3A_85 = arith.muli %arg1, %mul3A_84 : i32
    %mul3A_86 = arith.constant 632 : i32
    %mul3A_87 = arith.muli %arg1, %mul3A_86 : i32
    "tpu.region"() ({
      %run_scoped3A = tpu.sem_alloc : memref<!tpu.dma_semaphore, #tpu.memory_space<semaphore_mem>>
      %dma_start3A_88 = arith.constant 0 : i32
      %dma_start3A_89 = tpu.memref_slice %arg6[%arg0, %mul3A_87, %dma_start3A_88] : memref<2x10112x128xf32, #tpu.memory_space<hbm>> -> memref<1x632x128xf32, #tpu.memory_space<hbm>>
      %dma_start3A_90 = tpu.memref_squeeze %dma_start3A_89 : memref<1x632x128xf32, #tpu.memory_space<hbm>> -> memref<632x128xf32, #tpu.memory_space<hbm>>
      %dma_start3A_91 = arith.constant 0 : i32
      %dma_start3A_92 = tpu.memref_slice %arg10[%mul3A_85, %dma_start3A_91] : memref<10112x128xf32, #tpu.memory_space<vmem_shared>> -> memref<632x128xf32, #tpu.memory_space<vmem_shared>>
      tpu.enqueue_dma source(%dma_start3A_92 : memref<632x128xf32, #tpu.memory_space<vmem_shared>>) target(%dma_start3A_90 : memref<632x128xf32, #tpu.memory_space<hbm>>) target_semaphore(%run_scoped3A : memref<!tpu.dma_semaphore, #tpu.memory_space<semaphore_mem>>)
      %dma_wait3A_93 = arith.constant 0 : i32
      %dma_wait3A_94 = tpu.memref_slice %arg6[%arg0, %mul3A_87, %dma_wait3A_93] : memref<2x10112x128xf32, #tpu.memory_space<hbm>> -> memref<1x632x128xf32, #tpu.memory_space<hbm>>
      %dma_wait3A_95 = tpu.memref_squeeze %dma_wait3A_94 : memref<1x632x128xf32, #tpu.memory_space<hbm>> -> memref<632x128xf32, #tpu.memory_space<hbm>>
      %dma_wait3A_96 = arith.constant 0 : i32
      %dma_wait3A_97 = tpu.memref_slice %arg10[%mul3A_85, %dma_wait3A_96] : memref<10112x128xf32, #tpu.memory_space<vmem_shared>> -> memref<632x128xf32, #tpu.memory_space<vmem_shared>>
      tpu.wait_dma2 semaphore(%run_scoped3A : memref<!tpu.dma_semaphore, #tpu.memory_space<semaphore_mem>>) src(%dma_wait3A_97 : memref<632x128xf32, #tpu.memory_space<vmem_shared>>) dst(%dma_wait3A_95 : memref<632x128xf32, #tpu.memory_space<hbm>>)
      tpu.yield
    }) : () -> ()
    return
  }
}

module attributes {stable_mosaic.version = 14 : i64} {
  func.func @_tc_first_body(%arg0: i32, %arg1: memref<1000x128xf32, #tpu.memory_space<vmem>>, %arg2: memref<128x128xf32, #tpu.memory_space<vmem>>, %arg3: memref<1000x4xf32, #tpu.memory_space<vmem>>, %arg4: memref<1000x128xf32, #tpu.memory_space<vmem>>) attributes {dimension_semantics = [#tpu.dimension_semantics<arbitrary>], iteration_bounds = array<i64: 10>, scalar_prefetch = 0 : i64, scratch_operands = 0 : i64, tpu.core_type = #tpu.core_type<tc>, window_params = [{transform_indices = @transform_0, window_bounds = array<i64: 1000, 128>}, {pipeline_mode = #tpu.pipeline_mode<synchronous>, transform_indices = @transform_1, window_bounds = array<i64: 128, 128>}, {transform_indices = @transform_2, window_bounds = array<i64: 1000, 4>}, {transform_indices = @transform_3, window_bounds = array<i64: 1000, 128>}]} {
    %get3A = arith.constant 0 : index
    %get3A_0 = arith.constant 0 : index
    %get3A_1 = vector.load %arg3[%get3A, %get3A_0] : memref<1000x4xf32, #tpu.memory_space<vmem>>, vector<1000x4xf32>
    %slice3A = vector.extract_strided_slice %get3A_1 {offsets = [0, 0], sizes = [1000, 1], strides = [1, 1]} : vector<1000x4xf32> to vector<1000x1xf32>
    %squeeze3A = vector.shape_cast %slice3A : vector<1000x1xf32> to vector<1000xf32>
    %slice3A_2 = vector.extract_strided_slice %get3A_1 {offsets = [0, 2], sizes = [1000, 1], strides = [1, 1]} : vector<1000x4xf32> to vector<1000x1xf32>
    %squeeze3A_3 = vector.shape_cast %slice3A_2 : vector<1000x1xf32> to vector<1000xf32>
    %add3A = arith.addf %squeeze3A, %squeeze3A_3 : vector<1000xf32>
    %gt3A = arith.constant 0.000000e+00 : f32
    %gt3A_4 = vector.broadcast %gt3A : f32 to vector<1000xf32>
    %gt3A_5 = arith.cmpf ogt, %add3A, %gt3A_4 : vector<1000xf32>
    %rsqrt3A = math.rsqrt %add3A : vector<1000xf32>
    %jit3A = arith.constant 0.000000e+00 : f32
    %broadcast_in_dim3A = vector.broadcast %jit3A : f32 to vector<1000xf32>
    %select_n3A = arith.select %gt3A_5, %rsqrt3A, %broadcast_in_dim3A : vector<1000xi1>, vector<1000xf32>
    %get3A_6 = arith.constant 0 : index
    %get3A_7 = arith.constant 0 : index
    %get3A_8 = vector.load %arg1[%get3A_6, %get3A_7] : memref<1000x128xf32, #tpu.memory_space<vmem>>, vector<1000x128xf32>
    %broadcast_in_dim3A_9 = vector.shape_cast %select_n3A : vector<1000xf32> to vector<1000x1xf32>
    %mul3A = vector.broadcast %broadcast_in_dim3A_9 : vector<1000x1xf32> to vector<1000x128xf32>
    %mul3A_10 = arith.mulf %get3A_8, %mul3A : vector<1000x128xf32>
    %get3A_11 = arith.constant 0 : index
    %get3A_12 = arith.constant 0 : index
    %get3A_13 = vector.load %arg2[%get3A_11, %get3A_12] : memref<128x128xf32, #tpu.memory_space<vmem>>, vector<128x128xf32>
    %dot_general3A = arith.constant dense<0.000000e+00> : vector<1000x128xf32>
    %dot_general3A_14 = tpu.matmul %mul3A_10, %get3A_13, %dot_general3A {dimension_numbers = #tpu.dot_dimension_numbers<[1], [0], [0], [1], [0, 0, 1, 1], [], []>, transpose_lhs_hint = false} : vector<1000x128xf32>, vector<128x128xf32>, vector<1000x128xf32> -> vector<1000x128xf32>
    %swap3A = arith.constant 0 : index
    %swap3A_15 = arith.constant 0 : index
    %swap3A_16 = vector.load %arg4[%swap3A, %swap3A_15] : memref<1000x128xf32, #tpu.memory_space<vmem>>, vector<1000x128xf32>
    tpu.vector_store %arg4[%swap3A, %swap3A_15], %dot_general3A_14 {strides = array<i32>} : memref<1000x128xf32, #tpu.memory_space<vmem>>, vector<1000x128xf32>,
    return
  }
  func.func @transform_0(%arg0: i32) -> (i32, i32) {
    %c0_i32 = arith.constant 0 : i32
    %c0_i32_0 = arith.constant 0 : i32
    return %arg0, %c0_i32 : i32, i32
  }
  func.func @transform_1(%arg0: i32) -> (i32, i32) {
    %c0_i32 = arith.constant 0 : i32
    %c0_i32_0 = arith.constant 0 : i32
    %c0_i32_1 = arith.constant 0 : i32
    return %c0_i32, %c0_i32_0 : i32, i32
  }
  func.func @transform_2(%arg0: i32) -> (i32, i32) {
    %c0_i32 = arith.constant 0 : i32
    %c0_i32_0 = arith.constant 0 : i32
    return %arg0, %c0_i32 : i32, i32
  }
  func.func @transform_3(%arg0: i32) -> (i32, i32) {
    %c0_i32 = arith.constant 0 : i32
    %c0_i32_0 = arith.constant 0 : i32
    return %arg0, %c0_i32 : i32, i32
  }
}

module attributes {stable_mosaic.version = 14 : i64} {
  func.func @_tc_last_body(%arg0: i32, %arg1: memref<2x1000x128xf32, #tpu.memory_space<vmem>>, %arg2: memref<1000x4xf32, #tpu.memory_space<vmem>>, %arg3: memref<128xf32, #tpu.memory_space<vmem>>, %arg4: memref<1000x128xf32, #tpu.memory_space<vmem>>) attributes {dimension_semantics = [#tpu.dimension_semantics<arbitrary>], iteration_bounds = array<i64: 10>, scalar_prefetch = 0 : i64, scratch_operands = 0 : i64, tpu.core_type = #tpu.core_type<tc>, window_params = [{transform_indices = @transform_0, window_bounds = array<i64: 2, 1000, 128>}, {transform_indices = @transform_1, window_bounds = array<i64: 1000, 4>}, {pipeline_mode = #tpu.pipeline_mode<synchronous>, transform_indices = @transform_2, window_bounds = array<i64: 128>}, {transform_indices = @transform_3, window_bounds = array<i64: 1000, 128>}]} {
    %get3A = arith.constant 0 : index
    %get3A_0 = arith.constant 0 : index
    %get3A_1 = vector.load %arg2[%get3A, %get3A_0] : memref<1000x4xf32, #tpu.memory_space<vmem>>, vector<1000x4xf32>
    %slice3A = vector.extract_strided_slice %get3A_1 {offsets = [0, 1], sizes = [1000, 1], strides = [1, 1]} : vector<1000x4xf32> to vector<1000x1xf32>
    %squeeze3A = vector.shape_cast %slice3A : vector<1000x1xf32> to vector<1000xf32>
    %slice3A_2 = vector.extract_strided_slice %get3A_1 {offsets = [0, 3], sizes = [1000, 1], strides = [1, 1]} : vector<1000x4xf32> to vector<1000x1xf32>
    %squeeze3A_3 = vector.shape_cast %slice3A_2 : vector<1000x1xf32> to vector<1000xf32>
    %add3A = arith.addf %squeeze3A, %squeeze3A_3 : vector<1000xf32>
    %gt3A = arith.constant 0.000000e+00 : f32
    %gt3A_4 = vector.broadcast %gt3A : f32 to vector<1000xf32>
    %gt3A_5 = arith.cmpf ogt, %add3A, %gt3A_4 : vector<1000xf32>
    %rsqrt3A = math.rsqrt %add3A : vector<1000xf32>
    %jit3A = arith.constant 0.000000e+00 : f32
    %broadcast_in_dim3A = vector.broadcast %jit3A : f32 to vector<1000xf32>
    %select_n3A = arith.select %gt3A_5, %rsqrt3A, %broadcast_in_dim3A : vector<1000xi1>, vector<1000xf32>
    %get3A_6 = arith.constant 0 : index
    %get3A_7 = arith.constant 0 : index
    %get3A_8 = arith.constant 0 : index
    %get3A_9 = vector.load %arg1[%get3A_6, %get3A_7, %get3A_8] : memref<2x1000x128xf32, #tpu.memory_space<vmem>>, vector<1x1000x128xf32>
    %get3A_10 = vector.shape_cast %get3A_9 : vector<1x1000x128xf32> to vector<1000x128xf32>
    %get3A_11 = arith.constant 1 : index
    %get3A_12 = arith.constant 0 : index
    %get3A_13 = arith.constant 0 : index
    %get3A_14 = vector.load %arg1[%get3A_11, %get3A_12, %get3A_13] : memref<2x1000x128xf32, #tpu.memory_space<vmem>>, vector<1x1000x128xf32>
    %get3A_15 = vector.shape_cast %get3A_14 : vector<1x1000x128xf32> to vector<1000x128xf32>
    %add3A_16 = arith.addf %get3A_10, %get3A_15 : vector<1000x128xf32>
    %broadcast_in_dim3A_17 = vector.shape_cast %select_n3A : vector<1000xf32> to vector<1000x1xf32>
    %mul3A = vector.broadcast %broadcast_in_dim3A_17 : vector<1000x1xf32> to vector<1000x128xf32>
    %mul3A_18 = arith.mulf %add3A_16, %mul3A : vector<1000x128xf32>
    %get3A_19 = arith.constant 0 : index
    %get3A_20 = vector.load %arg3[%get3A_19] : memref<128xf32, #tpu.memory_space<vmem>>, vector<128xf32>
    %broadcast_in_dim3A_21 = vector.shape_cast %get3A_20 : vector<128xf32> to vector<1x128xf32>
    %add3A_22 = vector.broadcast %broadcast_in_dim3A_21 : vector<1x128xf32> to vector<1000x128xf32>
    %add3A_23 = arith.addf %mul3A_18, %add3A_22 : vector<1000x128xf32>
    %swap3A = arith.constant 0 : index
    %swap3A_24 = arith.constant 0 : index
    %swap3A_25 = vector.load %arg4[%swap3A, %swap3A_24] : memref<1000x128xf32, #tpu.memory_space<vmem>>, vector<1000x128xf32>
    tpu.vector_store %arg4[%swap3A, %swap3A_24], %add3A_23 {strides = array<i32>} : memref<1000x128xf32, #tpu.memory_space<vmem>>, vector<1000x128xf32>,
    return
  }
  func.func @transform_0(%arg0: i32) -> (i32, i32, i32) {
    %c0_i32 = arith.constant 0 : i32
    %c0_i32_0 = arith.constant 0 : i32
    %c0_i32_1 = arith.constant 0 : i32
    return %c0_i32, %arg0, %c0_i32_0 : i32, i32, i32
  }
  func.func @transform_1(%arg0: i32) -> (i32, i32) {
    %c0_i32 = arith.constant 0 : i32
    %c0_i32_0 = arith.constant 0 : i32
    return %arg0, %c0_i32 : i32, i32
  }
  func.func @transform_2(%arg0: i32) -> i32 {
    %c0_i32 = arith.constant 0 : i32
    %c0_i32_0 = arith.constant 0 : i32
    return %c0_i32 : i32
  }
  func.func @transform_3(%arg0: i32) -> (i32, i32) {
    %c0_i32 = arith.constant 0 : i32
    %c0_i32_0 = arith.constant 0 : i32
    return %arg0, %c0_i32 : i32, i32
  }
}

module attributes {stable_mosaic.version = 14 : i64} {
  func.func @_tc_mid_body(%arg0: i32, %arg1: memref<2x1000x128xf32, #tpu.memory_space<vmem>>, %arg2: memref<1000x4xf32, #tpu.memory_space<vmem>>, %arg3: memref<128xf32, #tpu.memory_space<vmem>>, %arg4: memref<128x128xf32, #tpu.memory_space<vmem>>, %arg5: memref<1000x128xf32, #tpu.memory_space<vmem>>) attributes {dimension_semantics = [#tpu.dimension_semantics<arbitrary>], iteration_bounds = array<i64: 10>, scalar_prefetch = 0 : i64, scratch_operands = 0 : i64, tpu.core_type = #tpu.core_type<tc>, window_params = [{transform_indices = @transform_0, window_bounds = array<i64: 2, 1000, 128>}, {transform_indices = @transform_1, window_bounds = array<i64: 1000, 4>}, {pipeline_mode = #tpu.pipeline_mode<synchronous>, transform_indices = @transform_2, window_bounds = array<i64: 128>}, {pipeline_mode = #tpu.pipeline_mode<synchronous>, transform_indices = @transform_3, window_bounds = array<i64: 128, 128>}, {transform_indices = @transform_4, window_bounds = array<i64: 1000, 128>}]} {
    %get3A = arith.constant 0 : index
    %get3A_0 = arith.constant 0 : index
    %get3A_1 = vector.load %arg2[%get3A, %get3A_0] : memref<1000x4xf32, #tpu.memory_space<vmem>>, vector<1000x4xf32>
    %slice3A = vector.extract_strided_slice %get3A_1 {offsets = [0, 0], sizes = [1000, 1], strides = [1, 1]} : vector<1000x4xf32> to vector<1000x1xf32>
    %squeeze3A = vector.shape_cast %slice3A : vector<1000x1xf32> to vector<1000xf32>
    %slice3A_2 = vector.extract_strided_slice %get3A_1 {offsets = [0, 2], sizes = [1000, 1], strides = [1, 1]} : vector<1000x4xf32> to vector<1000x1xf32>
    %squeeze3A_3 = vector.shape_cast %slice3A_2 : vector<1000x1xf32> to vector<1000xf32>
    %add3A = arith.addf %squeeze3A, %squeeze3A_3 : vector<1000xf32>
    %slice3A_4 = vector.extract_strided_slice %get3A_1 {offsets = [0, 1], sizes = [1000, 1], strides = [1, 1]} : vector<1000x4xf32> to vector<1000x1xf32>
    %squeeze3A_5 = vector.shape_cast %slice3A_4 : vector<1000x1xf32> to vector<1000xf32>
    %slice3A_6 = vector.extract_strided_slice %get3A_1 {offsets = [0, 3], sizes = [1000, 1], strides = [1, 1]} : vector<1000x4xf32> to vector<1000x1xf32>
    %squeeze3A_7 = vector.shape_cast %slice3A_6 : vector<1000x1xf32> to vector<1000xf32>
    %add3A_8 = arith.addf %squeeze3A_5, %squeeze3A_7 : vector<1000xf32>
    %gt3A = arith.constant 0.000000e+00 : f32
    %gt3A_9 = vector.broadcast %gt3A : f32 to vector<1000xf32>
    %gt3A_10 = arith.cmpf ogt, %add3A, %gt3A_9 : vector<1000xf32>
    %rsqrt3A = math.rsqrt %add3A : vector<1000xf32>
    %jit3A = arith.constant 0.000000e+00 : f32
    %broadcast_in_dim3A = vector.broadcast %jit3A : f32 to vector<1000xf32>
    %select_n3A = arith.select %gt3A_10, %rsqrt3A, %broadcast_in_dim3A : vector<1000xi1>, vector<1000xf32>
    %gt3A_11 = arith.constant 0.000000e+00 : f32
    %gt3A_12 = vector.broadcast %gt3A_11 : f32 to vector<1000xf32>
    %gt3A_13 = arith.cmpf ogt, %add3A_8, %gt3A_12 : vector<1000xf32>
    %rsqrt3A_14 = math.rsqrt %add3A_8 : vector<1000xf32>
    %jit3A_15 = arith.constant 0.000000e+00 : f32
    %broadcast_in_dim3A_16 = vector.broadcast %jit3A_15 : f32 to vector<1000xf32>
    %select_n3A_17 = arith.select %gt3A_13, %rsqrt3A_14, %broadcast_in_dim3A_16 : vector<1000xi1>, vector<1000xf32>
    %get3A_18 = arith.constant 0 : index
    %get3A_19 = arith.constant 0 : index
    %get3A_20 = arith.constant 0 : index
    %get3A_21 = vector.load %arg1[%get3A_18, %get3A_19, %get3A_20] : memref<2x1000x128xf32, #tpu.memory_space<vmem>>, vector<1x1000x128xf32>
    %get3A_22 = vector.shape_cast %get3A_21 : vector<1x1000x128xf32> to vector<1000x128xf32>
    %get3A_23 = arith.constant 1 : index
    %get3A_24 = arith.constant 0 : index
    %get3A_25 = arith.constant 0 : index
    %get3A_26 = vector.load %arg1[%get3A_23, %get3A_24, %get3A_25] : memref<2x1000x128xf32, #tpu.memory_space<vmem>>, vector<1x1000x128xf32>
    %get3A_27 = vector.shape_cast %get3A_26 : vector<1x1000x128xf32> to vector<1000x128xf32>
    %add3A_28 = arith.addf %get3A_22, %get3A_27 : vector<1000x128xf32>
    %broadcast_in_dim3A_29 = vector.shape_cast %select_n3A_17 : vector<1000xf32> to vector<1000x1xf32>
    %mul3A = vector.broadcast %broadcast_in_dim3A_29 : vector<1000x1xf32> to vector<1000x128xf32>
    %mul3A_30 = arith.mulf %add3A_28, %mul3A : vector<1000x128xf32>
    %get3A_31 = arith.constant 0 : index
    %get3A_32 = vector.load %arg3[%get3A_31] : memref<128xf32, #tpu.memory_space<vmem>>, vector<128xf32>
    %broadcast_in_dim3A_33 = vector.shape_cast %get3A_32 : vector<128xf32> to vector<1x128xf32>
    %add3A_34 = vector.broadcast %broadcast_in_dim3A_33 : vector<1x128xf32> to vector<1000x128xf32>
    %add3A_35 = arith.addf %mul3A_30, %add3A_34 : vector<1000x128xf32>
    %max3A = arith.constant 0.000000e+00 : f32
    %max3A_36 = vector.broadcast %max3A : f32 to vector<1000x128xf32>
    %max3A_37 = arith.maximumf %add3A_35, %max3A_36 : vector<1000x128xf32>
    %broadcast_in_dim3A_38 = vector.shape_cast %select_n3A : vector<1000xf32> to vector<1000x1xf32>
    %mul3A_39 = vector.broadcast %broadcast_in_dim3A_38 : vector<1000x1xf32> to vector<1000x128xf32>
    %mul3A_40 = arith.mulf %max3A_37, %mul3A_39 : vector<1000x128xf32>
    %get3A_41 = arith.constant 0 : index
    %get3A_42 = arith.constant 0 : index
    %get3A_43 = vector.load %arg4[%get3A_41, %get3A_42] : memref<128x128xf32, #tpu.memory_space<vmem>>, vector<128x128xf32>
    %dot_general3A = arith.constant dense<0.000000e+00> : vector<1000x128xf32>
    %dot_general3A_44 = tpu.matmul %mul3A_40, %get3A_43, %dot_general3A {dimension_numbers = #tpu.dot_dimension_numbers<[1], [0], [0], [1], [0, 0, 1, 1], [], []>, transpose_lhs_hint = false} : vector<1000x128xf32>, vector<128x128xf32>, vector<1000x128xf32> -> vector<1000x128xf32>
    %swap3A = arith.constant 0 : index
    %swap3A_45 = arith.constant 0 : index
    %swap3A_46 = vector.load %arg5[%swap3A, %swap3A_45] : memref<1000x128xf32, #tpu.memory_space<vmem>>, vector<1000x128xf32>
    tpu.vector_store %arg5[%swap3A, %swap3A_45], %dot_general3A_44 {strides = array<i32>} : memref<1000x128xf32, #tpu.memory_space<vmem>>, vector<1000x128xf32>,
    return
  }
  func.func @transform_0(%arg0: i32) -> (i32, i32, i32) {
    %c0_i32 = arith.constant 0 : i32
    %c0_i32_0 = arith.constant 0 : i32
    %c0_i32_1 = arith.constant 0 : i32
    return %c0_i32, %arg0, %c0_i32_0 : i32, i32, i32
  }
  func.func @transform_1(%arg0: i32) -> (i32, i32) {
    %c0_i32 = arith.constant 0 : i32
    %c0_i32_0 = arith.constant 0 : i32
    return %arg0, %c0_i32 : i32, i32
  }
  func.func @transform_2(%arg0: i32) -> i32 {
    %c0_i32 = arith.constant 0 : i32
    %c0_i32_0 = arith.constant 0 : i32
    return %c0_i32 : i32
  }
  func.func @transform_3(%arg0: i32) -> (i32, i32) {
    %c0_i32 = arith.constant 0 : i32
    %c0_i32_0 = arith.constant 0 : i32
    %c0_i32_1 = arith.constant 0 : i32
    return %c0_i32, %c0_i32_0 : i32, i32
  }
  func.func @transform_4(%arg0: i32) -> (i32, i32) {
    %c0_i32 = arith.constant 0 : i32
    %c0_i32_0 = arith.constant 0 : i32
    return %arg0, %c0_i32 : i32, i32
  }
}

</mosaic_0001>

<sc_bundles>
// kernel: kernel.11.cloned.1.call-start
scs
__scs_entry_jumppad:
0x0: {  	(pc) =	sbr.rel $0x88, $3  }
0x1: {  	(tag) =	ssettag $0x0;
	lr =	simm.s32 $0x1  }
0x2: {  	[smem:$0x3F9B] =	sst lr;
	_ =	strace $0xD0000000  }
0x3: {  	_ = 	snop  }
0x4: {  	_ = 	snop  }
0x5: {  	_ = 	snop  }
0x6: {  	_ = 	snop  }
0x7: {  	_ = 	snop  }
__scs_overlays_trampoline_lowered:
0x8: {  	[smem:$0x3FAA] =	sst s0  }
0x9: {  	[smem:$0x3FAB] =	sst s1  }
0xa: {  	[smem:$0x3FAC] =	sst s2  }
0xb: {  	[smem:$0x3FAD] =	sst s3  }
0xc: {  	[smem:$0x3FAE] =	sst s4  }
0xd: {  	[smem:$0x3FAF] =	sst s5  }
0xe: {  	[smem:$0x3FB0] =	sst s6  }
0xf: {  	[smem:$0x3FB1] =	sst s7  }
0x10: {  	[smem:$0x3FB2] =	sst s8  }
0x11: {  	[smem:$0x3FB3] =	sst s9;
	s0 =	simm.s32 @!p0 $0x0  }
0x12: {  	s1 =	sld [smem:$0x3F99];
	s0 =	simm.s32 @p0 $0x1  }
0x13: {  	[smem:$0x3FB4] =	sst s0;
	s0 =	simm.s32 @!p1 $0x0  }
0x14: {  	s2 =	sld [smem:$0x3F98];
	s0 =	simm.s32 @p1 $0x1  }
0x15: {  	[smem:$0x3FB5] =	sst s0;
	s0 =	simm.s32 @!p2 $0x0  }
0x16: {  	s3 =	sld [smem:$0x3FDB];
	s0 =	simm.s32 @p2 $0x1  }
0x17: {  	s4 =	simm.s32 $0x1BF5;
	[smem:$0x3FB7] =	sst s0  }
0x18: {  	s0 =	sld [smem:$0x3F9A];
	_ =	swait.ge [sflag:s4], $0x0  }
0x19: {  	s7 =	sld [smem:$0x3F9B]  }
0x1a: {  	s8 =	sadd.s32 $0xFFFFE003, lr  }
0x1b: {  	s9 =	sadd.s32 $0xFFFFFEF7, lr;
	s5 =	simm.s32 $0xFFFFFFFF;
	p2 =	slt.u32 s8, $0xFFFFF086  }
0x1c: {  	p1 =	slt.u32 s9, $0xF7A;
	s5 =	simm.s32 @!p2 $0x0  }
0x1d: {  	s5 =	simm.s32 @p1 $0x1;
	p0 =	seq.s32 s7, s2  }
0x1e: {  	s7 =	smul.u32 @!p0 $0xF7A, s2;
	p2 =	seq.s32 @!p0 s5, $0x0  }
0x1f: {  	s9 =	smul.u32 $0xF7A, s1;
	s8 =	simm.s32 @!p0 $0x1BF5;
	p2 =	por !p2, p0  }
0x20: {  	[sflag:s8] =	ssyncset.s32 @!p0 $0xFFFFF086;
	s6 =	sadd.s32 @!p0 s3, s7;
	s7 =	simm.s32 @!p0 $0x108  }
0x21: {  	s3 =	sadd.s32 s3, s9;
	s6 =	sadd.s32 @!p0 $0x88, s6;
	s7 =	simm.s32 @p2 $0x1082  }
0x22: {  	[simem:s7], [sflag:s8] =	dma.local @!p0 [hbm:s6], $0xF7A  }
0x23: {  	s9 =	sor.u32 $0xD0000000, s2;
	s6 =	simm.s32 $0x108;
	_ =	swait.ge @!p0 [sflag:s8], $0x0  }
0x24: {  	s3 =	sadd.s32 $0x88, s3;
	s6 =	simm.s32 @!p1 $0x1082;
	[sflag:s4] =	ssyncset.s32 $0xFFFFF086  }
0x25: {  	[simem:s6], [sflag:s4] =	dma.local [hbm:s3], $0xF7A  }
0x26: {  	[smem:$0x3F9B] =	sst s1;
	(tag) =	ssettag s2;
	_ =	strace s9  }
0x27: {  	s1 =	sld [smem:$0x3FAB]  }
0x28: {  	s2 =	sld [smem:$0x3FAC]  }
0x29: {  	s4 =	sld [smem:$0x3FAE]  }
0x2a: {  	p0 =	seq.s32 s5, $0x0;
	s5 =	sld [smem:$0x3FAF]  }
0x2b: {  	s6 =	sld [smem:$0x3FB0]  }
0x2c: {  	s7 =	sld [smem:$0x3FB1]  }
0x2d: {  	s3 =	simm.s32 $0x108;
	s8 =	sld [smem:$0x3FB2]  }
0x2e: {  	s3 =	simm.s32 @!p0 $0x1082;
	s9 =	sld [smem:$0x3FB3]  }
0x2f: {  	lr =	sadd.s32 s0, s3;
	s0 =	sld [smem:$0x3FAA]  }
0x30: {  	s3 =	sld [smem:$0x3FAD]  }
0x31: {  	[smem:$0x3FB6] =	sst s10  }
0x32: {  	s10 =	sld [smem:$0x3FB4];
	_ =	sdelay $0x3  }
0x33: {  	p0 =	seq.s32 s10, $0x1;
	s10 =	sld [smem:$0x3FB6];
	_ =	sdelay $0x3  }
0x34: {  	[smem:$0x3FB6] =	sst s10  }
0x35: {  	s10 =	sld [smem:$0x3FB5];
	_ =	sdelay $0x3  }
0x36: {  	p1 =	seq.s32 s10, $0x1;
	s10 =	sld [smem:$0x3FB6];
	_ =	sdelay $0x3  }
0x37: {  	[smem:$0x3FB6] =	sst s10  }
0x38: {  	s10 =	sld [smem:$0x3FB7]  }
0x39: {  	_ = 	snop;
	(pc) =	sbr.ind lr, $3  }
0x3a: {  	_ = 	snop  }
0x3b: {  	_ = 	snop  }
0x3c: {  	p2 =	seq.s32 s10, $0x1;
	s10 =	sld [smem:$0x3FB6]  }
0x3d: {  	_ =	shalt  }
0x3e: {  	_ =	shalt  }
0x3f: {  	_ =	shalt  }
0x40: {  	_ =	shalt  }
0x41: {  	_ =	shalt  }
0x42: {  	_ =	shalt  }
0x43: {  	_ =	shalt  }
0x44: {  	_ =	shalt  }
0x45: {  	_ =	shalt  }
0x46: {  	_ =	shalt  }
0x47: {  	_ =	shalt  }
0x48: {  	_ =	shalt  }
0x49: {  	_ =	shalt  }
0x4a: {  	_ =	shalt  }
0x4b: {  	_ =	shalt  }
0x4c: {  	_ =	shalt  }
0x4d: {  	_ =	shalt  }
0x4e: {  	_ =	shalt  }
0x4f: {  	_ =	shalt  }
0x50: {  	_ =	shalt  }
0x51: {  	_ =	shalt  }
0x52: {  	_ =	shalt  }
0x53: {  	_ =	shalt  }
0x54: {  	_ =	shalt  }
0x55: {  	_ =	shalt  }
0x56: {  	_ =	shalt  }
0x57: {  	_ =	shalt  }
0x58: {  	_ =	shalt  }
0x59: {  	_ =	shalt  }
0x5a: {  	_ =	shalt  }
0x5b: {  	_ =	shalt  }
0x5c: {  	_ =	shalt  }
0x5d: {  	_ =	shalt  }
0x5e: {  	_ =	shalt  }
0x5f: {  	_ =	shalt  }
0x60: {  	_ =	shalt  }
0x61: {  	_ =	shalt  }
0x62: {  	_ =	shalt  }
0x63: {  	_ =	shalt  }
0x64: {  	_ =	shalt  }
0x65: {  	_ =	shalt  }
0x66: {  	_ =	shalt  }
0x67: {  	_ =	shalt  }
0x68: {  	_ =	shalt  }
0x69: {  	_ =	shalt  }
0x6a: {  	_ =	shalt  }
0x6b: {  	_ =	shalt  }
0x6c: {  	_ =	shalt  }
0x6d: {  	_ =	shalt  }
0x6e: {  	_ =	shalt  }
0x6f: {  	_ =	shalt  }
0x70: {  	_ =	shalt  }
0x71: {  	_ =	shalt  }
0x72: {  	_ =	shalt  }
0x73: {  	_ =	shalt  }
0x74: {  	_ =	shalt  }
0x75: {  	_ =	shalt  }
0x76: {  	_ =	shalt  }
0x77: {  	_ =	shalt  }
0x78: {  	_ =	shalt  }
0x79: {  	_ =	shalt  }
0x7a: {  	_ =	shalt  }
0x7b: {  	_ =	shalt  }
0x7c: {  	_ =	shalt  }
0x7d: {  	_ =	shalt  }
0x7e: {  	_ =	shalt  }
0x7f: {  	_ =	shalt  }
0x80: {  	_ =	shalt  }
0x81: {  	_ =	shalt  }
0x82: {  	_ =	shalt  }
0x83: {  	_ =	shalt  }
0x84: {  	_ =	shalt  }
0x85: {  	_ =	shalt  }
0x86: {  	_ =	shalt  }
0x87: {  	_ =	shalt  }
.Lfunc_end0:
.L_simem_size_0:
called_computation.1_lowered:
.L_overlay_start_0:
0x88: {  	s2 =	sld [smem:$0x3FD9]  }
0x89: {  	s3 =	sld [smem:$0x3FFE];
	_ =	sdelay $0x1  }
0x8a: {  	s1 =	srdreg.scid  }
0x8b: {  	s0 =	sand.u32 $0x1, s1  }
0x8c: {  	s17 =	sshll.u32 s0, $0xA;
	s2 =	sadd.s32 s3, s2  }
0x8d: {  	s2 =	sadd.s32 s2, s17  }
0x8e: {  	[smem:$0x3FC2] =	sst s2  }
0x8f: {  	_ = 	snop  }
0x90: {  	s2 =	sld [smem:$0x3FD0];
	(tm) =	ssettm $0x1  }
0x91: {  	s18 =	sld [smem:$0x3FFB];
	_ =	sdelay $0x3  }
0x92: {  	_ =	strace s18  }
0x93: {  	s3 =	sld [smem:$0x3FFC];
	_ =	sdelay $0x3  }
0x94: {  	_ =	strace s3  }
0x95: {  	s3 =	sld [smem:$0x3FFD];
	_ =	sdelay $0x3  }
0x96: {  	_ =	strace s3  }
0x97: {  	_ =	strace $0x8FFFFFFF  }
0x98: {  	s19 =	sld [smem:$0x3FDB];
	_ =	sdelay $0x1  }
0x99: {  	s4 =	simm.s32 $_scs_section_size  }
0x9a: {  	s5 =	simm.s32 $_size__tile_overlayer_lowered;
	s6 =	simm.s32 $_tile_overlayer_lowered  }
0x9b: {  	s22 =	simm.s32 $0x1BFF;
	s21 =	sshll.u32 s6, $0x1;
	s3 =	sadd.s32 s4, s19  }
0x9c: {  	s7 =	simm.s32 $0x0;
	s20 =	sshll.u32 s5, $0x1;
	s5 =	sadd.s32 s21, s3  }
0x9d: {  	[timem:s7], [sflag:s22] =	dma.local [hbm:s5], s20  }
0x9e: {  	_ =	swait.ge [sflag:s22], s20  }
0x9f: {  	s4 =	ssub.s32 $0x0, s20;
	[sflag:s22] =	ssyncset.done $0x0  }
0xa0: {  	[sflag:s22] =	ssyncadd.s32 s4;
	_ =	sdelay $0x1  }
0xa1: {  	s23 =	simm.s32 $0x1B8B  }
0xa2: {  	_ =	swait.ge [sflag:s23], $0x1  }
0xa3: {  	[sflag:s23] =	ssyncset.done $0x0  }
0xa4: {  	s25 =	simm.s32 $0x1B8E;
	s24 =	sld [smem:$0x3FFE];
	[sflag:s23] =	ssyncadd.s32 $0xFFFFFFFF  }
0xa5: {  	s26 =	simm.s32 $execute0_lowered;
	[smem:$0x3FD2] =	sst s25  }
0xa6: {  	s5 =	sshll.u32 s26, $0x1;
	_ =	strace $0x80000049;
	[dreg:$0x1] =	wrdreg $0xFFFFFFFF  }
0xa7: {  	s28 =	simm.s32 $_size_execute0_lowered;
	s3 =	sadd.s32 s3, s5;
	[dreg:$0x0] =	wrdreg $0x0  }
0xa8: {  	s5 =	sshll.u32 s28, $0x1;
	[dreg:$0x2] =	wrdreg s3  }
0xa9: {  	[dreg:$0x3] =	wrdreg s5  }
0xaa: {  	[dreg:$0x4] =	wrdreg $0xC0  }
0xab: {  	_ =	task [dreg:s7], $0x5FFFF  }
0xac: {  	[dreg:$0x1] =	wrdreg $0xFFFFFFFF  }
0xad: {  	[dreg:$0x0] =	wrdreg $0x60  }
0xae: {  	[dreg:$0x2] =	wrdreg s2  }
0xaf: {  	[dreg:$0x3] =	wrdreg s24  }
0xb0: {  	[dreg:$0x4] =	wrdreg $0xB9000  }
0xb1: {  	[dreg:$0x5] =	wrdreg $0x9  }
0xb2: {  	_ =	task.clear_ibuf [dreg:s7], $0x6FFFF;
	_ =	strace $0x90000049  }
0xb3: {  	s29 =	simm.s32 $0x9;
	_ =	strace $0x8000004B  }
0xb4: {  	_ =	swait.ge [sflag:s29], $0x1  }
0xb5: {  	[sflag:s29] =	ssyncadd.s32 $0xFFFFFFFF  }
0xb6: {  	_ =	strace $0x9000004B  }
0xb7: {  	_ =	sfence  }
0xb8: {  	s30 =	sld [smem:$0x0];
	_ =	sdelay $0x2  }
0xb9: {  	s31 =	sshll.u32 s1, $0xD;
	s1 =	sshrl.u32 s1, $0x2  }
0xba: {  	s3 =	sand.u32 $0x4000, s31;
	s1 =	sadd.s32 s1, s30  }
0xbb: {  	s0 =	sor.u32 s3, s0;
	s1 =	sshll.u32 s1, $0x11  }
0xbc: {  	s0 =	sor.u32 s1, s0  }
0xbd: {  	s0 =	sadd.s32 $0x8F2B, s0  }
0xbe: {  	[sflag:s0] =	ssyncadd.remote.s32 $0x1  }
0xbf: {  	_ =	sfence.sel $0xFFFF  }
0xc0: {  	[dreg:$0x0] =	wrdreg $0xFFFFFFFF;
	(pc) =	sbr.abs _section_cstart, $3  }
0xc1: {  	[dreg:$0x1] =	wrdreg $0xFFFFFFFF  }
0xc2: {  	_ =	task.clear_ibuf [dreg:s7], $0x2FFFF;
	_ =	strace $0x9FFFFFFF  }
0xc3: {  	(tm) =	ssettm $0x7FFFFFFF  }
tec
execute0_lowered:
.L_overlay_start_1:
0x0: {  	(tag) =	ssettag $0x1  }
0x1: {  	s1 =	rddreg [dreg:$0x0]  }
0x2: {  	s0 =	rddreg [dreg:$0x1]  }
0x3: {  	s3 =	rddreg [dreg:$0x2]  }
0x4: {  	s2 =	srdreg.scid;
	s11 =	stileid.u32  }
0x5: {  	s4 =	simm.s32 $0x0;
	s28 =	simm.s32 $0x6900;
	s29 =	simm.s32 $0x4  }
0x6: {  	s30 =	simm.s32 $0x3;
	s31 =	simm.s32 $0x9100;
	s7 =	smul.u32 $0x13C00, s11  }
0x7: {  	s2 =	sand.u32 $0x1, s2;
	s5 =	sshll.u32 s11, $0x1;
	s14 =	smul.u32 $0x4F000, s11  }
0x8: {  	[smem:$0x7FF] =	sst s4;
	s8 =	sadd.s32 $0x13200, s0;
	s17 =	smul.u32 $0x4EC0, s11  }
0x9: {  	s10 =	sadd.s32 $0x1D000, s0;
	s26 =	sshll.u32 s11, $0x6;
	s6 =	smul.u32 $0x13C000, s2  }
0xa: {  	s5 =	sor.u32 s2, s5;
	_ =	strace $0x8000004A;
	[dreg:$0x4] =	wrdreg s10  }
0xb: {  	s12 =	ssub.s32 $0x2, s2;
	s2 =	smul.u32 $0x2760, s2;
	s9 =	sshll.u32 s5, $0xB  }
0xc: {  	s5 =	smul.u32 $0x2760, s5;
	s13 =	sshrl.u32 s12, $0x1;
	s16 =	sshrl.u32 s14, $0x2  }
0xd: {  	s9 =	sadd.s32 s9, s0;
	s6 =	sadd.s32 s7, s6;
	s23 =	sadd.s32 s2, s17  }
0xe: {  	s6 =	sshrl.u32 s6, $0x3;
	s15 =	sadd.s32 $0x1E00, s9;
	s5 =	sshrl.u32 s5, $0x3  }
0xf: {  	s9 =	sadd.s32 s16, s3;
	s25 =	sadd.s32 $0x190, s23;
	s7 =	sadd.s32 s8, s5  }
0x10: {  	s0 =	sadd.s32 s6, s0;
	[dreg:$0x5] =	wrdreg s15;
	s18 =	sadd.s32 $0xA, s7  }
0x11: {  	s6 =	ssub.s32 s12, s13;
	s0 =	sadd.s32 $0x1F800, s0;
	[dreg:$0x6] =	wrdreg s18  }
0x12: {  	s5 =	sadd.s32 $0x230, s23;
	s19 =	smax.u32 s6, $0x1;
	[dreg:$0x7] =	wrdreg s0  }
0x13: {  	s2 =	sshrl.u32 s25, $0x3;
	s20 =	sadd.s32 $0x14, s7;
	[dreg:$0x8] =	wrdreg s19  }
0x14: {  	s25 =	simm.s32 $0xA0;
	s21 =	sadd.s32 $0x1E, s7;
	[dreg:$0x9] =	wrdreg s20  }
0x15: {  	s22 =	sadd.s32 $0x28, s7;
	s24 =	sadd.s32 $0x4E2, s7;
	[dreg:$0xa] =	wrdreg s21  }
0x16: {  	s5 =	sshrl.u32 s5, $0x3;
	s15 =	sadd.s32 s2, s8;
	[dreg:$0xb] =	wrdreg s22  }
0x17: {  	s2 =	simm.s32 $0x7;
	s6 =	simm.s32 $0x8;
	[dreg:$0xc] =	wrdreg s24  }
0x18: {  	s0 =	sadd.s32 $0x1E0, s23;
	s16 =	sadd.s32 s5, s8;
	s19 =	simm.s32 $0xA  }
0x19: {  	s20 =	sor.u32 $0x1C0A, s26;
	s21 =	sshrl.u32 s9, $0x3;
	s22 =	simm.s32 $0x50  }
0x1a: {  	s23 =	simm.s32 $0x1;
	s24 =	simm.s32 $0x4100;
	s26 =	simm.s32 $0x2  }
0x1b: {  	s5 =	simm.s32 $0x6;
	s9 =	simm.s32 $0x0;
	s0 =	sshrl.u32 s0, $0x3  }
0x1c: {  	s17 =	sadd.s32 s0, s8;
	s0 =	simm.s32 $0x5;
	s8 =	simm.s32 $0x9  }
.LBB2_1:
0x1d: {  	s10 =	rddreg [dreg:$0x5];
	s11 =	simm.s32 $0x100  }
0x1e: {  	[tilespmem:s11], [sflag:$0xA] =	stream.linear.gather [hbm4b:s10+s4], $0x3F00, $0x38;
	[tilespmem:$0x1F500] =	vst v63  }
0x1f: {  	_ =	swait.ge [sflag:s19], $0x3F00  }
0x20: {  	[sflag:s19] =	ssyncset.done $0x0  }
0x21: {  	s12 =	rddreg [dreg:$0x4];
	[sflag:s19] =	ssyncadd.s32 $0xFFFFC100  }
0x22: {  	[spmem:s21], [sflag:s20] =	dma.local [hbm:s12], $0x2780  }
0x23: {  	_ =	swait.ge [sflag:s19], $0x2780  }
0x24: {  	[sflag:s19] =	ssyncset.done $0x0  }
0x25: {  	[sflag:s19] =	ssyncadd.s32 $0xFFFFD880  }
0x26: {  	[bflag:$0x0] =	sbarrier.arrive $0xFFFF  }
0x27: {  	[tilespmem:s4], [sflag:$0x1] =	stream.linear.gather [hbm4b:s7+s4], $0x50, $0x38;
	[tilespmem:$0x1F500] =	vst v63  }
0x28: {  	s13 =	rddreg [dreg:$0x6]  }
0x29: {  	[tilespmem:s22], [sflag:$0x2] =	stream.linear.gather [hbm4b:s13+s4], $0x50, $0x38;
	[tilespmem:$0x1F500] =	vst v63  }
0x2a: {  	_ =	swait.ge [sflag:s23], $0x50  }
0x2b: {  	[sflag:s23] =	ssyncset.done $0x0  }
0x2c: {  	[sflag:s23] =	ssyncadd.s32 $0xFFFFFFB0  }
0x2d: {  	[tilespmem:s24], [sflag:$0x4] =	stream.indirect.gather [hbm4b:s1+s22], $0x80, s4, s22, $0xb8;
	[tilespmem:$0x1F500] =	vst v63  }
0x2e: {  	s14 =	rddreg [dreg:$0x9]  }
0x2f: {  	[tilespmem:s25], [sflag:$0x3] =	stream.linear.gather [hbm4b:s14+s4], $0x50, $0x38;
	[tilespmem:$0x1F500] =	vst v63  }
0x30: {  	_ =	swait.ge [sflag:s26], $0x50  }
0x31: {  	[sflag:s26] =	ssyncset.done $0x0  }
0x32: {  	[sflag:s26] =	ssyncadd.s32 $0xFFFFFFB0  }
0x33: {  	[tilespmem:s28], [sflag:$0x5] =	stream.indirect.gather [hbm4b:s1+s22], $0x80, s22, s22, $0xb8;
	[tilespmem:$0x1F500] =	vst v63  }
0x34: {  	_ =	swait.ge [sflag:s29], $0x2800  }
0x35: {  	[sflag:s29] =	ssyncset.done $0x0  }
0x36: {  	[sflag:s29] =	ssyncadd.s32 $0xFFFFD800  }
0x37: {  	[spmem:s3] =	stream.indirect.scatter.add.f32 [tilespmem:s24], [sflag:$0x7], $0x80, s11, s22, $0xb8;
	[tilespmem:$0x1F500] =	vst v63  }
0x38: {  	s18 =	rddreg [dreg:$0xa]  }
0x39: {  	[tilespmem:s4], [sflag:$0x1] =	stream.linear.gather [hbm4b:s18+s4], $0x50, $0x38;
	[tilespmem:$0x1F500] =	vst v63  }
0x3a: {  	_ =	swait.ge [sflag:s30], $0x50  }
0x3b: {  	[sflag:s30] =	ssyncset.done $0x0  }
0x3c: {  	[sflag:s30] =	ssyncadd.s32 $0xFFFFFFB0  }
0x3d: {  	[tilespmem:s31], [sflag:$0x6] =	stream.indirect.gather [hbm4b:s1+s22], $0x80, s25, s22, $0xb8;
	[tilespmem:$0x1F500] =	vst v63  }
0x3e: {  	_ =	swait.ge [sflag:s0], $0x2800  }
0x3f: {  	[sflag:s0] =	ssyncset.done $0x0  }
0x40: {  	s11 =	simm.s32 $0x180;
	[sflag:s0] =	ssyncadd.s32 $0xFFFFD800  }
0x41: {  	[spmem:s3] =	stream.indirect.scatter.add.f32 [tilespmem:s28], [sflag:$0x8], $0x80, s11, s22, $0xb8;
	[tilespmem:$0x1F500] =	vst v63  }
0x42: {  	_ =	swait.ge [sflag:s2], $0x2800  }
0x43: {  	[sflag:s2] =	ssyncset.done $0x0  }
0x44: {  	s12 =	rddreg [dreg:$0xb];
	[sflag:s2] =	ssyncadd.s32 $0xFFFFD800  }
0x45: {  	[tilespmem:s22], [sflag:$0x2] =	stream.linear.gather [hbm4b:s12+s4], $0x50, $0x38;
	[tilespmem:$0x1F500] =	vst v63  }
0x46: {  	_ =	swait.ge [sflag:s23], $0x50  }
0x47: {  	[sflag:s23] =	ssyncset.done $0x0  }
0x48: {  	[sflag:s23] =	ssyncadd.s32 $0xFFFFFFB0  }
0x49: {  	[tilespmem:s24], [sflag:$0x4] =	stream.indirect.gather [hbm4b:s1+s22], $0x80, s4, s22, $0xb8;
	[tilespmem:$0x1F500] =	vst v63  }
0x4a: {  	_ =	swait.ge [sflag:s5], $0x2800  }
0x4b: {  	[sflag:s5] =	ssyncset.done $0x0  }
0x4c: {  	s13 =	simm.s32 $0x200;
	[sflag:s5] =	ssyncadd.s32 $0xFFFFD800  }
0x4d: {  	[spmem:s3] =	stream.indirect.scatter.add.f32 [tilespmem:s31], [sflag:$0x9], $0x80, s13, s22, $0xb8;
	[tilespmem:$0x1F500] =	vst v63  }
0x4e: {  	_ =	swait.ge [sflag:s6], $0x2800  }
0x4f: {  	[sflag:s6] =	ssyncset.done $0x0  }
0x50: {  	[sflag:s6] =	ssyncadd.s32 $0xFFFFD800  }
0x51: {  	[tilespmem:s25], [sflag:$0x3] =	stream.linear.gather [hbm4b:s15+s4], $0x50, $0x38;
	[tilespmem:$0x1F500] =	vst v63  }
0x52: {  	_ =	swait.ge [sflag:s26], $0x50  }
0x53: {  	[sflag:s26] =	ssyncset.done $0x0  }
0x54: {  	[sflag:s26] =	ssyncadd.s32 $0xFFFFFFB0  }
0x55: {  	[tilespmem:s28], [sflag:$0x5] =	stream.indirect.gather [hbm4b:s1+s22], $0x80, s22, s22, $0xb8;
	[tilespmem:$0x1F500] =	vst v63  }
0x56: {  	_ =	swait.ge [sflag:s29], $0x2800  }
0x57: {  	[sflag:s29] =	ssyncset.done $0x0  }
0x58: {  	s14 =	simm.s32 $0x280;
	[sflag:s29] =	ssyncadd.s32 $0xFFFFD800  }
0x59: {  	[spmem:s3] =	stream.indirect.scatter.add.f32 [tilespmem:s24], [sflag:$0x7], $0x80, s14, s22, $0xb8;
	[tilespmem:$0x1F500] =	vst v63  }
0x5a: {  	_ =	swait.ge [sflag:s8], $0x2800  }
0x5b: {  	[sflag:s8] =	ssyncset.done $0x0  }
0x5c: {  	[sflag:s8] =	ssyncadd.s32 $0xFFFFD800  }
0x5d: {  	[tilespmem:s4], [sflag:$0x1] =	stream.linear.gather [hbm4b:s17+s4], $0x50, $0x38;
	[tilespmem:$0x1F500] =	vst v63  }
0x5e: {  	_ =	swait.ge [sflag:s30], $0x50  }
0x5f: {  	[sflag:s30] =	ssyncset.done $0x0  }
0x60: {  	[sflag:s30] =	ssyncadd.s32 $0xFFFFFFB0  }
0x61: {  	[tilespmem:s31], [sflag:$0x6] =	stream.indirect.gather [hbm4b:s1+s22], $0x80, s25, s22, $0xb8;
	[tilespmem:$0x1F500] =	vst v63  }
0x62: {  	_ =	swait.ge [sflag:s0], $0x2800  }
0x63: {  	[sflag:s0] =	ssyncset.done $0x0  }
0x64: {  	s18 =	simm.s32 $0x300;
	[sflag:s0] =	ssyncadd.s32 $0xFFFFD800  }
0x65: {  	[spmem:s3] =	stream.indirect.scatter.add.f32 [tilespmem:s28], [sflag:$0x8], $0x80, s18, s22, $0xb8;
	[tilespmem:$0x1F500] =	vst v63  }
0x66: {  	_ =	swait.ge [sflag:s2], $0x2800  }
0x67: {  	[sflag:s2] =	ssyncset.done $0x0  }
0x68: {  	[sflag:s2] =	ssyncadd.s32 $0xFFFFD800  }
0x69: {  	[tilespmem:s22], [sflag:$0x2] =	stream.linear.gather [hbm4b:s16+s4], $0x50, $0x38;
	[tilespmem:$0x1F500] =	vst v63  }
0x6a: {  	_ =	swait.ge [sflag:s23], $0x50  }
0x6b: {  	[sflag:s23] =	ssyncset.done $0x0  }
0x6c: {  	[sflag:s23] =	ssyncadd.s32 $0xFFFFFFB0  }
0x6d: {  	[tilespmem:s24], [sflag:$0x4] =	stream.indirect.gather [hbm4b:s1+s22], $0x80, s4, s22, $0xb8;
	[tilespmem:$0x1F500] =	vst v63  }
0x6e: {  	s10 =	simm.s32 $0x600;
	_ =	swait.ge [sflag:s5], $0x2800  }
0x6f: {  	s11 =	sadd.s32 $0x1E, s16;
	s12 =	sadd.s32 $0x1E, s17;
	[sflag:s5] =	ssyncset.done $0x0  }
0x70: {  	s13 =	sadd.s32 $0x1E, s15;
	s14 =	simm.s32 $0x380;
	[sflag:s5] =	ssyncadd.s32 $0xFFFFD800  }
.LBB2_2:
0x71: {  	[spmem:s3] =	stream.indirect.scatter.add.f32 [tilespmem:s31], [sflag:$0x9], $0x80, s14, s22, $0xb8;
	[tilespmem:$0x1F500] =	vst v63  }
0x72: {  	s14 =	smov.u32 s10;
	s10 =	sadd.s32 $0x600, s10;
	_ =	swait.ge [sflag:s6], $0x2800  }
0x73: {  	p0 =	sne.s32 s10, $0xF000;
	[sflag:s6] =	ssyncset.done $0x0  }
0x74: {  	[sflag:s6] =	ssyncadd.s32 $0xFFFFD800  }
0x75: {  	[tilespmem:s25], [sflag:$0x3] =	stream.linear.gather [hbm4b:s13+s4], $0x50, $0x38;
	[tilespmem:$0x1F500] =	vst v63  }
0x76: {  	_ =	swait.ge [sflag:s26], $0x50  }
0x77: {  	[sflag:s26] =	ssyncset.done $0x0  }
0x78: {  	[sflag:s26] =	ssyncadd.s32 $0xFFFFFFB0  }
0x79: {  	[tilespmem:s28], [sflag:$0x5] =	stream.indirect.gather [hbm4b:s1+s22], $0x80, s22, s22, $0xb8;
	[tilespmem:$0x1F500] =	vst v63  }
0x7a: {  	_ =	swait.ge [sflag:s29], $0x2800  }
0x7b: {  	s14 =	sshra.s32 s14, $0x2;
	[sflag:s29] =	ssyncset.done $0x0  }
0x7c: {  	s18 =	sadd.s32 $0x280, s14;
	[sflag:s29] =	ssyncadd.s32 $0xFFFFD800  }
0x7d: {  	[spmem:s3] =	stream.indirect.scatter.add.f32 [tilespmem:s24], [sflag:$0x7], $0x80, s18, s22, $0xb8;
	[tilespmem:$0x1F500] =	vst v63  }
0x7e: {  	_ =	swait.ge [sflag:s8], $0x2800  }
0x7f: {  	[sflag:s8] =	ssyncset.done $0x0  }
0x80: {  	[sflag:s8] =	ssyncadd.s32 $0xFFFFD800  }
0x81: {  	[tilespmem:s4], [sflag:$0x1] =	stream.linear.gather [hbm4b:s12+s4], $0x50, $0x38;
	[tilespmem:$0x1F500] =	vst v63  }
0x82: {  	_ =	swait.ge [sflag:s30], $0x50  }
0x83: {  	[sflag:s30] =	ssyncset.done $0x0  }
0x84: {  	[sflag:s30] =	ssyncadd.s32 $0xFFFFFFB0  }
0x85: {  	[tilespmem:s31], [sflag:$0x6] =	stream.indirect.gather [hbm4b:s1+s22], $0x80, s25, s22, $0xb8;
	[tilespmem:$0x1F500] =	vst v63  }
0x86: {  	_ =	swait.ge [sflag:s0], $0x2800  }
0x87: {  	[sflag:s0] =	ssyncset.done $0x0  }
0x88: {  	s18 =	sadd.s32 $0x300, s14;
	[sflag:s0] =	ssyncadd.s32 $0xFFFFD800  }
0x89: {  	[spmem:s3] =	stream.indirect.scatter.add.f32 [tilespmem:s28], [sflag:$0x8], $0x80, s18, s22, $0xb8;
	[tilespmem:$0x1F500] =	vst v63  }
0x8a: {  	_ =	swait.ge [sflag:s2], $0x2800  }
0x8b: {  	[sflag:s2] =	ssyncset.done $0x0  }
0x8c: {  	[sflag:s2] =	ssyncadd.s32 $0xFFFFD800  }
0x8d: {  	[tilespmem:s22], [sflag:$0x2] =	stream.linear.gather [hbm4b:s11+s4], $0x50, $0x38;
	[tilespmem:$0x1F500] =	vst v63  }
0x8e: {  	_ =	swait.ge [sflag:s23], $0x50  }
0x8f: {  	[sflag:s23] =	ssyncset.done $0x0  }
.Ltmp0:
0x90: {  	[sflag:s23] =	ssyncadd.s32 $0xFFFFFFB0;
	(pc) =	sbr.rel @p0 .LBB2_2-.Ltmp0, $4  }
0x91: {  	[tilespmem:s24], [sflag:$0x4] =	stream.indirect.gather [hbm4b:s1+s22], $0x80, s4, s22, $0xb8;
	[tilespmem:$0x1F500] =	vst v63  }
0x92: {  	_ =	swait.ge [sflag:s5], $0x2800  }
0x93: {  	s12 =	sadd.s32 $0x1E, s12;
	s11 =	sadd.s32 $0x1E, s11;
	[sflag:s5] =	ssyncset.done $0x0  }
0x94: {  	s13 =	sadd.s32 $0x1E, s13;
	s14 =	sadd.s32 $0x380, s14;
	[sflag:s5] =	ssyncadd.s32 $0xFFFFD800  }
0x95: {  	[spmem:s3] =	stream.indirect.scatter.add.f32 [tilespmem:s31], [sflag:$0x9], $0x80, s14, s22, $0xb8;
	[tilespmem:$0x1F500] =	vst v63  }
0x96: {  	_ =	swait.ge [sflag:s6], $0x2800  }
0x97: {  	[sflag:s6] =	ssyncset.done $0x0  }
0x98: {  	s11 =	rddreg [dreg:$0xc];
	[sflag:s6] =	ssyncadd.s32 $0xFFFFD800  }
0x99: {  	[tilespmem:s25], [sflag:$0x3] =	stream.linear.gather [hbm4b:s11+s4], $0x50, $0x38;
	[tilespmem:$0x1F500] =	vst v63  }
0x9a: {  	_ =	swait.ge [sflag:s26], $0x50  }
0x9b: {  	[sflag:s26] =	ssyncset.done $0x0  }
0x9c: {  	[sflag:s26] =	ssyncadd.s32 $0xFFFFFFB0  }
0x9d: {  	[tilespmem:s28], [sflag:$0x5] =	stream.indirect.gather [hbm4b:s1+s22], $0x80, s22, s22, $0xb8;
	[tilespmem:$0x1F500] =	vst v63  }
0x9e: {  	_ =	swait.ge [sflag:s29], $0x2800  }
0x9f: {  	s10 =	sshra.s32 s10, $0x2;
	[sflag:s29] =	ssyncset.done $0x0  }
0xa0: {  	s12 =	sadd.s32 $0x280, s10;
	[sflag:s29] =	ssyncadd.s32 $0xFFFFD800  }
0xa1: {  	[spmem:s3] =	stream.indirect.scatter.add.f32 [tilespmem:s24], [sflag:$0x7], $0x80, s12, s22, $0xb8;
	[tilespmem:$0x1F500] =	vst v63  }
0xa2: {  	_ =	swait.ge [sflag:s8], $0x2800  }
0xa3: {  	[sflag:s8] =	ssyncset.done $0x0  }
0xa4: {  	[sflag:s8] =	ssyncadd.s32 $0xFFFFD800  }
0xa5: {  	_ =	swait.ge [sflag:s30], $0x50  }
0xa6: {  	[sflag:s30] =	ssyncset.done $0x0  }
0xa7: {  	[sflag:s30] =	ssyncadd.s32 $0xFFFFFFB0  }
0xa8: {  	[tilespmem:s31], [sflag:$0x6] =	stream.indirect.gather [hbm4b:s1+s22], $0x80, s25, s22, $0xb8;
	[tilespmem:$0x1F500] =	vst v63  }
0xa9: {  	_ =	swait.ge [sflag:s0], $0x2800  }
0xaa: {  	[sflag:s0] =	ssyncset.done $0x0  }
0xab: {  	s10 =	sadd.s32 $0x300, s10;
	[sflag:s0] =	ssyncadd.s32 $0xFFFFD800  }
0xac: {  	[spmem:s3] =	stream.indirect.scatter.add.f32 [tilespmem:s28], [sflag:$0x8], $0x80, s10, s22, $0xb8;
	[tilespmem:$0x1F500] =	vst v63  }
0xad: {  	_ =	swait.ge [sflag:s2], $0x2800  }
0xae: {  	[sflag:s2] =	ssyncset.done $0x0  }
0xaf: {  	[sflag:s2] =	ssyncadd.s32 $0xFFFFD800  }
0xb0: {  	_ =	swait.ge [sflag:s5], $0x2800  }
0xb1: {  	[sflag:s5] =	ssyncset.done $0x0  }
0xb2: {  	s13 =	simm.s32 $0x3F80;
	[sflag:s5] =	ssyncadd.s32 $0xFFFFD800  }
0xb3: {  	[spmem:s3] =	stream.indirect.scatter.add.f32 [tilespmem:s31], [sflag:$0x9], $0x80, s13, s22, $0xb8;
	[tilespmem:$0x1F500] =	vst v63  }
0xb4: {  	_ =	swait.ge [sflag:s6], $0x2800  }
0xb5: {  	[sflag:s6] =	ssyncset.done $0x0  }
0xb6: {  	[sflag:s6] =	ssyncadd.s32 $0xFFFFD800  }
0xb7: {  	_ =	swait.ge [sflag:s8], $0x2800  }
0xb8: {  	[sflag:s8] =	ssyncset.done $0x0  }
0xb9: {  	[sflag:s8] =	ssyncadd.s32 $0xFFFFD800  }
0xba: {  	[bflag:$0x0] =	sbarrier.arrive $0xFFFF  }
0xbb: {  	s14 =	rddreg [dreg:$0x7]  }
0xbc: {  	[hbm:s14], [sflag:s20] =	dma.local [spmem:s21], $0x2780  }
0xbd: {  	_ =	swait.ge [sflag:s19], $0x2780  }
0xbe: {  	s9 =	sadd.s32 $0x1, s9;
	s18 =	rddreg [dreg:$0x8]  }
0xbf: {  	p0 =	sne.s32 s9, s18  }
.Ltmp1:
0xc0: {  	_ = 	snop;
	(pc) =	sbr.rel @p0 .LBB2_1-.Ltmp1, $3  }
0xc1: {  	_ =	sdelay $0x1  }
0xc2: {  	[sflag:s19] =	ssyncset.done $0x0  }
0xc3: {  	[sflag:s19] =	ssyncadd.s32 $0xFFFFD880  }
0xc4: {  	_ =	sfence.sel $0x180000  }
0xc5: {  	[bflag:$0x0] =	sbarrier.arrive $0xFFFF  }
0xc6: {  	_ =	strace $0x9000004A  }
0xc7: {  	s0 =	stileid.u32;
	[bflag:$0x2] =	sbarrier.arrive $0xFFFF  }
0xc8: {  	p0 =	sne.s32 s0, $0x0;
	s0 =	rddreg [dreg:$0x3]  }
0xc9: {  	s0 =	sadd.s32 @!p0 $0x100000, s0  }
0xca: {  	[sflag:s0] =	ssyncadd.tile.s32 @!p0 $0x1;
	_ =	shalt  }
.Lfunc_end2:
_tile_overlayer_lowered:
.L_overlay_start_2:
0xcb: {  	(tag) =	ssettag $0x2  }
0xcc: {  	s0 =	rddreg [dreg:$0x0];
	s2 =	stileid.u32  }
0xcd: {  	s1 =	rddreg [dreg:$0x1];
	p0 =	sne.s32 s2, $0x0  }
0xce: {  	s3 =	rddreg [dreg:$0x2];
	[bflag:$0x3] =	sbarrier.arrive $0xFFFF;
	s2 =	simm.s32 @!p0 $0x1C0A  }
0xcf: {  	[timem:s3], [sflag:s2] =	dma.local @!p0 [hbm:s0], s1  }
0xd0: {  	s0 =	simm.s32 @!p0 $0xA  }
0xd1: {  	_ =	swait.ge @!p0 [sflag:s0], s1  }
0xd2: {  	s1 =	ssub.s32 @!p0 $0x0, s1;
	[sflag:s0] =	ssyncset.done @!p0 $0x0  }
0xd3: {  	[sflag:s0] =	ssyncadd.s32 @!p0 s1  }
0xd4: {  	[bflag:$0x3] =	sbarrier.arrive $0xFFFF  }
0xd5: {  	_ =	shalt  }

// kernel: kernel.14.cloned.1.call-start
scs
__scs_entry_jumppad:
0x0: {  	(pc) =	sbr.rel $0x88, $3  }
0x1: {  	(tag) =	ssettag $0x0;
	lr =	simm.s32 $0x1  }
0x2: {  	[smem:$0x3F9B] =	sst lr;
	_ =	strace $0xD0000000  }
0x3: {  	_ = 	snop  }
0x4: {  	_ = 	snop  }
0x5: {  	_ = 	snop  }
0x6: {  	_ = 	snop  }
0x7: {  	_ = 	snop  }
__scs_overlays_trampoline_lowered:
0x8: {  	[smem:$0x3FAA] =	sst s0  }
0x9: {  	[smem:$0x3FAB] =	sst s1  }
0xa: {  	[smem:$0x3FAC] =	sst s2  }
0xb: {  	[smem:$0x3FAD] =	sst s3  }
0xc: {  	[smem:$0x3FAE] =	sst s4  }
0xd: {  	[smem:$0x3FAF] =	sst s5  }
0xe: {  	[smem:$0x3FB0] =	sst s6  }
0xf: {  	[smem:$0x3FB1] =	sst s7  }
0x10: {  	[smem:$0x3FB2] =	sst s8  }
0x11: {  	[smem:$0x3FB3] =	sst s9;
	s0 =	simm.s32 @!p0 $0x0  }
0x12: {  	s1 =	sld [smem:$0x3F99];
	s0 =	simm.s32 @p0 $0x1  }
0x13: {  	[smem:$0x3FB4] =	sst s0;
	s0 =	simm.s32 @!p1 $0x0  }
0x14: {  	s2 =	sld [smem:$0x3F98];
	s0 =	simm.s32 @p1 $0x1  }
0x15: {  	[smem:$0x3FB5] =	sst s0;
	s0 =	simm.s32 @!p2 $0x0  }
0x16: {  	s3 =	sld [smem:$0x3FDB];
	s0 =	simm.s32 @p2 $0x1  }
0x17: {  	s4 =	simm.s32 $0x1BF5;
	[smem:$0x3FB7] =	sst s0  }
0x18: {  	s0 =	sld [smem:$0x3F9A];
	_ =	swait.ge [sflag:s4], $0x0  }
0x19: {  	s7 =	sld [smem:$0x3F9B]  }
0x1a: {  	s8 =	sadd.s32 $0xFFFFE003, lr  }
0x1b: {  	s9 =	sadd.s32 $0xFFFFFEF7, lr;
	s5 =	simm.s32 $0xFFFFFFFF;
	p2 =	slt.u32 s8, $0xFFFFF086  }
0x1c: {  	p1 =	slt.u32 s9, $0xF7A;
	s5 =	simm.s32 @!p2 $0x0  }
0x1d: {  	s5 =	simm.s32 @p1 $0x1;
	p0 =	seq.s32 s7, s2  }
0x1e: {  	s7 =	smul.u32 @!p0 $0xF7A, s2;
	p2 =	seq.s32 @!p0 s5, $0x0  }
0x1f: {  	s9 =	smul.u32 $0xF7A, s1;
	s8 =	simm.s32 @!p0 $0x1BF5;
	p2 =	por !p2, p0  }
0x20: {  	[sflag:s8] =	ssyncset.s32 @!p0 $0xFFFFF086;
	s6 =	sadd.s32 @!p0 s3, s7;
	s7 =	simm.s32 @!p0 $0x108  }
0x21: {  	s3 =	sadd.s32 s3, s9;
	s6 =	sadd.s32 @!p0 $0x88, s6;
	s7 =	simm.s32 @p2 $0x1082  }
0x22: {  	[simem:s7], [sflag:s8] =	dma.local @!p0 [hbm:s6], $0xF7A  }
0x23: {  	s9 =	sor.u32 $0xD0000000, s2;
	s6 =	simm.s32 $0x108;
	_ =	swait.ge @!p0 [sflag:s8], $0x0  }
0x24: {  	s3 =	sadd.s32 $0x88, s3;
	s6 =	simm.s32 @!p1 $0x1082;
	[sflag:s4] =	ssyncset.s32 $0xFFFFF086  }
0x25: {  	[simem:s6], [sflag:s4] =	dma.local [hbm:s3], $0xF7A  }
0x26: {  	[smem:$0x3F9B] =	sst s1;
	(tag) =	ssettag s2;
	_ =	strace s9  }
0x27: {  	s1 =	sld [smem:$0x3FAB]  }
0x28: {  	s2 =	sld [smem:$0x3FAC]  }
0x29: {  	s4 =	sld [smem:$0x3FAE]  }
0x2a: {  	p0 =	seq.s32 s5, $0x0;
	s5 =	sld [smem:$0x3FAF]  }
0x2b: {  	s6 =	sld [smem:$0x3FB0]  }
0x2c: {  	s7 =	sld [smem:$0x3FB1]  }
0x2d: {  	s3 =	simm.s32 $0x108;
	s8 =	sld [smem:$0x3FB2]  }
0x2e: {  	s3 =	simm.s32 @!p0 $0x1082;
	s9 =	sld [smem:$0x3FB3]  }
0x2f: {  	lr =	sadd.s32 s0, s3;
	s0 =	sld [smem:$0x3FAA]  }
0x30: {  	s3 =	sld [smem:$0x3FAD]  }
0x31: {  	[smem:$0x3FB6] =	sst s10  }
0x32: {  	s10 =	sld [smem:$0x3FB4];
	_ =	sdelay $0x3  }
0x33: {  	p0 =	seq.s32 s10, $0x1;
	s10 =	sld [smem:$0x3FB6];
	_ =	sdelay $0x3  }
0x34: {  	[smem:$0x3FB6] =	sst s10  }
0x35: {  	s10 =	sld [smem:$0x3FB5];
	_ =	sdelay $0x3  }
0x36: {  	p1 =	seq.s32 s10, $0x1;
	s10 =	sld [smem:$0x3FB6];
	_ =	sdelay $0x3  }
0x37: {  	[smem:$0x3FB6] =	sst s10  }
0x38: {  	s10 =	sld [smem:$0x3FB7]  }
0x39: {  	_ = 	snop;
	(pc) =	sbr.ind lr, $3  }
0x3a: {  	_ = 	snop  }
0x3b: {  	_ = 	snop  }
0x3c: {  	p2 =	seq.s32 s10, $0x1;
	s10 =	sld [smem:$0x3FB6]  }
0x3d: {  	_ =	shalt  }
0x3e: {  	_ =	shalt  }
0x3f: {  	_ =	shalt  }
0x40: {  	_ =	shalt  }
0x41: {  	_ =	shalt  }
0x42: {  	_ =	shalt  }
0x43: {  	_ =	shalt  }
0x44: {  	_ =	shalt  }
0x45: {  	_ =	shalt  }
0x46: {  	_ =	shalt  }
0x47: {  	_ =	shalt  }
0x48: {  	_ =	shalt  }
0x49: {  	_ =	shalt  }
0x4a: {  	_ =	shalt  }
0x4b: {  	_ =	shalt  }
0x4c: {  	_ =	shalt  }
0x4d: {  	_ =	shalt  }
0x4e: {  	_ =	shalt  }
0x4f: {  	_ =	shalt  }
0x50: {  	_ =	shalt  }
0x51: {  	_ =	shalt  }
0x52: {  	_ =	shalt  }
0x53: {  	_ =	shalt  }
0x54: {  	_ =	shalt  }
0x55: {  	_ =	shalt  }
0x56: {  	_ =	shalt  }
0x57: {  	_ =	shalt  }
0x58: {  	_ =	shalt  }
0x59: {  	_ =	shalt  }
0x5a: {  	_ =	shalt  }
0x5b: {  	_ =	shalt  }
0x5c: {  	_ =	shalt  }
0x5d: {  	_ =	shalt  }
0x5e: {  	_ =	shalt  }
0x5f: {  	_ =	shalt  }
0x60: {  	_ =	shalt  }
0x61: {  	_ =	shalt  }
0x62: {  	_ =	shalt  }
0x63: {  	_ =	shalt  }
0x64: {  	_ =	shalt  }
0x65: {  	_ =	shalt  }
0x66: {  	_ =	shalt  }
0x67: {  	_ =	shalt  }
0x68: {  	_ =	shalt  }
0x69: {  	_ =	shalt  }
0x6a: {  	_ =	shalt  }
0x6b: {  	_ =	shalt  }
0x6c: {  	_ =	shalt  }
0x6d: {  	_ =	shalt  }
0x6e: {  	_ =	shalt  }
0x6f: {  	_ =	shalt  }
0x70: {  	_ =	shalt  }
0x71: {  	_ =	shalt  }
0x72: {  	_ =	shalt  }
0x73: {  	_ =	shalt  }
0x74: {  	_ =	shalt  }
0x75: {  	_ =	shalt  }
0x76: {  	_ =	shalt  }
0x77: {  	_ =	shalt  }
0x78: {  	_ =	shalt  }
0x79: {  	_ =	shalt  }
0x7a: {  	_ =	shalt  }
0x7b: {  	_ =	shalt  }
0x7c: {  	_ =	shalt  }
0x7d: {  	_ =	shalt  }
0x7e: {  	_ =	shalt  }
0x7f: {  	_ =	shalt  }
0x80: {  	_ =	shalt  }
0x81: {  	_ =	shalt  }
0x82: {  	_ =	shalt  }
0x83: {  	_ =	shalt  }
0x84: {  	_ =	shalt  }
0x85: {  	_ =	shalt  }
0x86: {  	_ =	shalt  }
0x87: {  	_ =	shalt  }
.Lfunc_end0:
.L_simem_size_0:
called_computation.2_lowered:
.L_overlay_start_0:
0x88: {  	s2 =	sld [smem:$0x3FD9]  }
0x89: {  	s3 =	sld [smem:$0x3FFE];
	_ =	sdelay $0x1  }
0x8a: {  	s1 =	srdreg.scid  }
0x8b: {  	s0 =	sand.u32 $0x1, s1  }
0x8c: {  	s17 =	sshll.u32 s0, $0xA;
	s2 =	sadd.s32 s3, s2  }
0x8d: {  	s2 =	sadd.s32 s2, s17  }
0x8e: {  	[smem:$0x3FC2] =	sst s2  }
0x8f: {  	_ = 	snop  }
0x90: {  	s2 =	sld [smem:$0x3FD0];
	(tm) =	ssettm $0x1  }
0x91: {  	s18 =	sld [smem:$0x3FFB];
	_ =	sdelay $0x3  }
0x92: {  	_ =	strace s18  }
0x93: {  	s3 =	sld [smem:$0x3FFC];
	_ =	sdelay $0x3  }
0x94: {  	_ =	strace s3  }
0x95: {  	s3 =	sld [smem:$0x3FFD];
	_ =	sdelay $0x3  }
0x96: {  	_ =	strace s3  }
0x97: {  	_ =	strace $0x8FFFFFFF  }
0x98: {  	s19 =	sld [smem:$0x3FDB];
	_ =	sdelay $0x1  }
0x99: {  	s4 =	simm.s32 $_scs_section_size  }
0x9a: {  	s5 =	simm.s32 $_size__tile_overlayer_lowered;
	s6 =	simm.s32 $_tile_overlayer_lowered  }
0x9b: {  	s22 =	simm.s32 $0x1BFF;
	s21 =	sshll.u32 s6, $0x1;
	s3 =	sadd.s32 s4, s19  }
0x9c: {  	s7 =	simm.s32 $0x0;
	s20 =	sshll.u32 s5, $0x1;
	s5 =	sadd.s32 s21, s3  }
0x9d: {  	[timem:s7], [sflag:s22] =	dma.local [hbm:s5], s20  }
0x9e: {  	_ =	swait.ge [sflag:s22], s20  }
0x9f: {  	s4 =	ssub.s32 $0x0, s20;
	[sflag:s22] =	ssyncset.done $0x0  }
0xa0: {  	[sflag:s22] =	ssyncadd.s32 s4;
	_ =	sdelay $0x1  }
0xa1: {  	s23 =	simm.s32 $0x1B8B  }
0xa2: {  	_ =	swait.ge [sflag:s23], $0x1  }
0xa3: {  	[sflag:s23] =	ssyncset.done $0x0  }
0xa4: {  	s25 =	simm.s32 $0x1B8E;
	s24 =	sld [smem:$0x3FFE];
	[sflag:s23] =	ssyncadd.s32 $0xFFFFFFFF  }
0xa5: {  	s26 =	simm.s32 $execute0_lowered;
	[smem:$0x3FD2] =	sst s25  }
0xa6: {  	s5 =	sshll.u32 s26, $0x1;
	_ =	strace $0x8000004C;
	[dreg:$0x1] =	wrdreg $0xFFFFFFFF  }
0xa7: {  	s28 =	simm.s32 $_size_execute0_lowered;
	s3 =	sadd.s32 s3, s5;
	[dreg:$0x0] =	wrdreg $0x0  }
0xa8: {  	s5 =	sshll.u32 s28, $0x1;
	[dreg:$0x2] =	wrdreg s3  }
0xa9: {  	[dreg:$0x3] =	wrdreg s5  }
0xaa: {  	[dreg:$0x4] =	wrdreg $0xC0  }
0xab: {  	_ =	task [dreg:s7], $0x5FFFF  }
0xac: {  	[dreg:$0x1] =	wrdreg $0xFFFFFFFF  }
0xad: {  	[dreg:$0x0] =	wrdreg $0x60  }
0xae: {  	[dreg:$0x2] =	wrdreg s2  }
0xaf: {  	[dreg:$0x3] =	wrdreg s24  }
0xb0: {  	[dreg:$0x4] =	wrdreg $0xB9000  }
0xb1: {  	[dreg:$0x5] =	wrdreg $0x9  }
0xb2: {  	_ =	task.clear_ibuf [dreg:s7], $0x6FFFF;
	_ =	strace $0x9000004C  }
0xb3: {  	s29 =	simm.s32 $0x9;
	_ =	strace $0x8000004E  }
0xb4: {  	_ =	swait.ge [sflag:s29], $0x1  }
0xb5: {  	[sflag:s29] =	ssyncadd.s32 $0xFFFFFFFF  }
0xb6: {  	_ =	strace $0x9000004E  }
0xb7: {  	_ =	sfence  }
0xb8: {  	s30 =	sld [smem:$0x0];
	_ =	sdelay $0x2  }
0xb9: {  	s31 =	sshll.u32 s1, $0xD;
	s1 =	sshrl.u32 s1, $0x2  }
0xba: {  	s3 =	sand.u32 $0x4000, s31;
	s1 =	sadd.s32 s1, s30  }
0xbb: {  	s0 =	sor.u32 s3, s0;
	s1 =	sshll.u32 s1, $0x11  }
0xbc: {  	s0 =	sor.u32 s1, s0  }
0xbd: {  	s0 =	sadd.s32 $0x8F2B, s0  }
0xbe: {  	[sflag:s0] =	ssyncadd.remote.s32 $0x1  }
0xbf: {  	_ =	sfence.sel $0xFFFF  }
0xc0: {  	[dreg:$0x0] =	wrdreg $0xFFFFFFFF;
	(pc) =	sbr.abs _section_cstart, $3  }
0xc1: {  	[dreg:$0x1] =	wrdreg $0xFFFFFFFF  }
0xc2: {  	_ =	task.clear_ibuf [dreg:s7], $0x2FFFF;
	_ =	strace $0x9FFFFFFF  }
0xc3: {  	(tm) =	ssettm $0x7FFFFFFF  }
tec
execute0_lowered:
.L_overlay_start_1:
0x0: {  	(tag) =	ssettag $0x1  }
0x1: {  	s1 =	rddreg [dreg:$0x0]  }
0x2: {  	s0 =	rddreg [dreg:$0x1]  }
0x3: {  	s3 =	rddreg [dreg:$0x2]  }
0x4: {  	s2 =	srdreg.scid;
	s11 =	stileid.u32  }
0x5: {  	s4 =	simm.s32 $0x0;
	s28 =	simm.s32 $0x6900;
	s29 =	simm.s32 $0x4  }
0x6: {  	s30 =	simm.s32 $0x3;
	s31 =	simm.s32 $0x9100;
	s7 =	smul.u32 $0x13C00, s11  }
0x7: {  	s2 =	sand.u32 $0x1, s2;
	s5 =	sshll.u32 s11, $0x1;
	s14 =	smul.u32 $0x4F000, s11  }
0x8: {  	[smem:$0x7FF] =	sst s4;
	s8 =	sadd.s32 $0x13200, s0;
	s17 =	smul.u32 $0x4EC0, s11  }
0x9: {  	s10 =	sadd.s32 $0x1D000, s0;
	s26 =	sshll.u32 s11, $0x6;
	s6 =	smul.u32 $0x13C000, s2  }
0xa: {  	s5 =	sor.u32 s2, s5;
	_ =	strace $0x8000004D;
	[dreg:$0x4] =	wrdreg s10  }
0xb: {  	s12 =	ssub.s32 $0x2, s2;
	s2 =	smul.u32 $0x2760, s2;
	s9 =	sshll.u32 s5, $0xB  }
0xc: {  	s5 =	smul.u32 $0x2760, s5;
	s13 =	sshrl.u32 s12, $0x1;
	s16 =	sshrl.u32 s14, $0x2  }
0xd: {  	s9 =	sadd.s32 s9, s0;
	s6 =	sadd.s32 s7, s6;
	s23 =	sadd.s32 s2, s17  }
0xe: {  	s6 =	sshrl.u32 s6, $0x3;
	s15 =	sadd.s32 $0x1E00, s9;
	s5 =	sshrl.u32 s5, $0x3  }
0xf: {  	s9 =	sadd.s32 s16, s3;
	s25 =	sadd.s32 $0x190, s23;
	s7 =	sadd.s32 s8, s5  }
0x10: {  	s0 =	sadd.s32 s6, s0;
	[dreg:$0x5] =	wrdreg s15;
	s18 =	sadd.s32 $0xA, s7  }
0x11: {  	s6 =	ssub.s32 s12, s13;
	s0 =	sadd.s32 $0x1F800, s0;
	[dreg:$0x6] =	wrdreg s18  }
0x12: {  	s5 =	sadd.s32 $0x230, s23;
	s19 =	smax.u32 s6, $0x1;
	[dreg:$0x7] =	wrdreg s0  }
0x13: {  	s2 =	sshrl.u32 s25, $0x3;
	s20 =	sadd.s32 $0x14, s7;
	[dreg:$0x8] =	wrdreg s19  }
0x14: {  	s25 =	simm.s32 $0xA0;
	s21 =	sadd.s32 $0x1E, s7;
	[dreg:$0x9] =	wrdreg s20  }
0x15: {  	s22 =	sadd.s32 $0x28, s7;
	s24 =	sadd.s32 $0x4E2, s7;
	[dreg:$0xa] =	wrdreg s21  }
0x16: {  	s5 =	sshrl.u32 s5, $0x3;
	s15 =	sadd.s32 s2, s8;
	[dreg:$0xb] =	wrdreg s22  }
0x17: {  	s2 =	simm.s32 $0x7;
	s6 =	simm.s32 $0x8;
	[dreg:$0xc] =	wrdreg s24  }
0x18: {  	s0 =	sadd.s32 $0x1E0, s23;
	s16 =	sadd.s32 s5, s8;
	s19 =	simm.s32 $0xA  }
0x19: {  	s20 =	sor.u32 $0x1C0A, s26;
	s21 =	sshrl.u32 s9, $0x3;
	s22 =	simm.s32 $0x50  }
0x1a: {  	s23 =	simm.s32 $0x1;
	s24 =	simm.s32 $0x4100;
	s26 =	simm.s32 $0x2  }
0x1b: {  	s5 =	simm.s32 $0x6;
	s9 =	simm.s32 $0x0;
	s0 =	sshrl.u32 s0, $0x3  }
0x1c: {  	s17 =	sadd.s32 s0, s8;
	s0 =	simm.s32 $0x5;
	s8 =	simm.s32 $0x9  }
.LBB2_1:
0x1d: {  	s10 =	rddreg [dreg:$0x5];
	s11 =	simm.s32 $0x100  }
0x1e: {  	[tilespmem:s11], [sflag:$0xA] =	stream.linear.gather [hbm4b:s10+s4], $0x3F00, $0x38;
	[tilespmem:$0x1F500] =	vst v63  }
0x1f: {  	_ =	swait.ge [sflag:s19], $0x3F00  }
0x20: {  	[sflag:s19] =	ssyncset.done $0x0  }
0x21: {  	s12 =	rddreg [dreg:$0x4];
	[sflag:s19] =	ssyncadd.s32 $0xFFFFC100  }
0x22: {  	[spmem:s21], [sflag:s20] =	dma.local [hbm:s12], $0x2780  }
0x23: {  	_ =	swait.ge [sflag:s19], $0x2780  }
0x24: {  	[sflag:s19] =	ssyncset.done $0x0  }
0x25: {  	[sflag:s19] =	ssyncadd.s32 $0xFFFFD880  }
0x26: {  	[bflag:$0x0] =	sbarrier.arrive $0xFFFF  }
0x27: {  	[tilespmem:s4], [sflag:$0x1] =	stream.linear.gather [hbm4b:s7+s4], $0x50, $0x38;
	[tilespmem:$0x1F500] =	vst v63  }
0x28: {  	s13 =	rddreg [dreg:$0x6]  }
0x29: {  	[tilespmem:s22], [sflag:$0x2] =	stream.linear.gather [hbm4b:s13+s4], $0x50, $0x38;
	[tilespmem:$0x1F500] =	vst v63  }
0x2a: {  	_ =	swait.ge [sflag:s23], $0x50  }
0x2b: {  	[sflag:s23] =	ssyncset.done $0x0  }
0x2c: {  	[sflag:s23] =	ssyncadd.s32 $0xFFFFFFB0  }
0x2d: {  	[tilespmem:s24], [sflag:$0x4] =	stream.indirect.gather [hbm4b:s1+s22], $0x80, s4, s22, $0xb8;
	[tilespmem:$0x1F500] =	vst v63  }
0x2e: {  	s14 =	rddreg [dreg:$0x9]  }
0x2f: {  	[tilespmem:s25], [sflag:$0x3] =	stream.linear.gather [hbm4b:s14+s4], $0x50, $0x38;
	[tilespmem:$0x1F500] =	vst v63  }
0x30: {  	_ =	swait.ge [sflag:s26], $0x50  }
0x31: {  	[sflag:s26] =	ssyncset.done $0x0  }
0x32: {  	[sflag:s26] =	ssyncadd.s32 $0xFFFFFFB0  }
0x33: {  	[tilespmem:s28], [sflag:$0x5] =	stream.indirect.gather [hbm4b:s1+s22], $0x80, s22, s22, $0xb8;
	[tilespmem:$0x1F500] =	vst v63  }
0x34: {  	_ =	swait.ge [sflag:s29], $0x2800  }
0x35: {  	[sflag:s29] =	ssyncset.done $0x0  }
0x36: {  	[sflag:s29] =	ssyncadd.s32 $0xFFFFD800  }
0x37: {  	[spmem:s3] =	stream.indirect.scatter.add.f32 [tilespmem:s24], [sflag:$0x7], $0x80, s11, s22, $0xb8;
	[tilespmem:$0x1F500] =	vst v63  }
0x38: {  	s18 =	rddreg [dreg:$0xa]  }
0x39: {  	[tilespmem:s4], [sflag:$0x1] =	stream.linear.gather [hbm4b:s18+s4], $0x50, $0x38;
	[tilespmem:$0x1F500] =	vst v63  }
0x3a: {  	_ =	swait.ge [sflag:s30], $0x50  }
0x3b: {  	[sflag:s30] =	ssyncset.done $0x0  }
0x3c: {  	[sflag:s30] =	ssyncadd.s32 $0xFFFFFFB0  }
0x3d: {  	[tilespmem:s31], [sflag:$0x6] =	stream.indirect.gather [hbm4b:s1+s22], $0x80, s25, s22, $0xb8;
	[tilespmem:$0x1F500] =	vst v63  }
0x3e: {  	_ =	swait.ge [sflag:s0], $0x2800  }
0x3f: {  	[sflag:s0] =	ssyncset.done $0x0  }
0x40: {  	s11 =	simm.s32 $0x180;
	[sflag:s0] =	ssyncadd.s32 $0xFFFFD800  }
0x41: {  	[spmem:s3] =	stream.indirect.scatter.add.f32 [tilespmem:s28], [sflag:$0x8], $0x80, s11, s22, $0xb8;
	[tilespmem:$0x1F500] =	vst v63  }
0x42: {  	_ =	swait.ge [sflag:s2], $0x2800  }
0x43: {  	[sflag:s2] =	ssyncset.done $0x0  }
0x44: {  	s12 =	rddreg [dreg:$0xb];
	[sflag:s2] =	ssyncadd.s32 $0xFFFFD800  }
0x45: {  	[tilespmem:s22], [sflag:$0x2] =	stream.linear.gather [hbm4b:s12+s4], $0x50, $0x38;
	[tilespmem:$0x1F500] =	vst v63  }
0x46: {  	_ =	swait.ge [sflag:s23], $0x50  }
0x47: {  	[sflag:s23] =	ssyncset.done $0x0  }
0x48: {  	[sflag:s23] =	ssyncadd.s32 $0xFFFFFFB0  }
0x49: {  	[tilespmem:s24], [sflag:$0x4] =	stream.indirect.gather [hbm4b:s1+s22], $0x80, s4, s22, $0xb8;
	[tilespmem:$0x1F500] =	vst v63  }
0x4a: {  	_ =	swait.ge [sflag:s5], $0x2800  }
0x4b: {  	[sflag:s5] =	ssyncset.done $0x0  }
0x4c: {  	s13 =	simm.s32 $0x200;
	[sflag:s5] =	ssyncadd.s32 $0xFFFFD800  }
0x4d: {  	[spmem:s3] =	stream.indirect.scatter.add.f32 [tilespmem:s31], [sflag:$0x9], $0x80, s13, s22, $0xb8;
	[tilespmem:$0x1F500] =	vst v63  }
0x4e: {  	_ =	swait.ge [sflag:s6], $0x2800  }
0x4f: {  	[sflag:s6] =	ssyncset.done $0x0  }
0x50: {  	[sflag:s6] =	ssyncadd.s32 $0xFFFFD800  }
0x51: {  	[tilespmem:s25], [sflag:$0x3] =	stream.linear.gather [hbm4b:s15+s4], $0x50, $0x38;
	[tilespmem:$0x1F500] =	vst v63  }
0x52: {  	_ =	swait.ge [sflag:s26], $0x50  }
0x53: {  	[sflag:s26] =	ssyncset.done $0x0  }
0x54: {  	[sflag:s26] =	ssyncadd.s32 $0xFFFFFFB0  }
0x55: {  	[tilespmem:s28], [sflag:$0x5] =	stream.indirect.gather [hbm4b:s1+s22], $0x80, s22, s22, $0xb8;
	[tilespmem:$0x1F500] =	vst v63  }
0x56: {  	_ =	swait.ge [sflag:s29], $0x2800  }
0x57: {  	[sflag:s29] =	ssyncset.done $0x0  }
0x58: {  	s14 =	simm.s32 $0x280;
	[sflag:s29] =	ssyncadd.s32 $0xFFFFD800  }
0x59: {  	[spmem:s3] =	stream.indirect.scatter.add.f32 [tilespmem:s24], [sflag:$0x7], $0x80, s14, s22, $0xb8;
	[tilespmem:$0x1F500] =	vst v63  }
0x5a: {  	_ =	swait.ge [sflag:s8], $0x2800  }
0x5b: {  	[sflag:s8] =	ssyncset.done $0x0  }
0x5c: {  	[sflag:s8] =	ssyncadd.s32 $0xFFFFD800  }
0x5d: {  	[tilespmem:s4], [sflag:$0x1] =	stream.linear.gather [hbm4b:s17+s4], $0x50, $0x38;
	[tilespmem:$0x1F500] =	vst v63  }
0x5e: {  	_ =	swait.ge [sflag:s30], $0x50  }
0x5f: {  	[sflag:s30] =	ssyncset.done $0x0  }
0x60: {  	[sflag:s30] =	ssyncadd.s32 $0xFFFFFFB0  }
0x61: {  	[tilespmem:s31], [sflag:$0x6] =	stream.indirect.gather [hbm4b:s1+s22], $0x80, s25, s22, $0xb8;
	[tilespmem:$0x1F500] =	vst v63  }
0x62: {  	_ =	swait.ge [sflag:s0], $0x2800  }
0x63: {  	[sflag:s0] =	ssyncset.done $0x0  }
0x64: {  	s18 =	simm.s32 $0x300;
	[sflag:s0] =	ssyncadd.s32 $0xFFFFD800  }
0x65: {  	[spmem:s3] =	stream.indirect.scatter.add.f32 [tilespmem:s28], [sflag:$0x8], $0x80, s18, s22, $0xb8;
	[tilespmem:$0x1F500] =	vst v63  }
0x66: {  	_ =	swait.ge [sflag:s2], $0x2800  }
0x67: {  	[sflag:s2] =	ssyncset.done $0x0  }
0x68: {  	[sflag:s2] =	ssyncadd.s32 $0xFFFFD800  }
0x69: {  	[tilespmem:s22], [sflag:$0x2] =	stream.linear.gather [hbm4b:s16+s4], $0x50, $0x38;
	[tilespmem:$0x1F500] =	vst v63  }
0x6a: {  	_ =	swait.ge [sflag:s23], $0x50  }
0x6b: {  	[sflag:s23] =	ssyncset.done $0x0  }
0x6c: {  	[sflag:s23] =	ssyncadd.s32 $0xFFFFFFB0  }
0x6d: {  	[tilespmem:s24], [sflag:$0x4] =	stream.indirect.gather [hbm4b:s1+s22], $0x80, s4, s22, $0xb8;
	[tilespmem:$0x1F500] =	vst v63  }
0x6e: {  	s10 =	simm.s32 $0x600;
	_ =	swait.ge [sflag:s5], $0x2800  }
0x6f: {  	s11 =	sadd.s32 $0x1E, s16;
	s12 =	sadd.s32 $0x1E, s17;
	[sflag:s5] =	ssyncset.done $0x0  }
0x70: {  	s13 =	sadd.s32 $0x1E, s15;
	s14 =	simm.s32 $0x380;
	[sflag:s5] =	ssyncadd.s32 $0xFFFFD800  }
.LBB2_2:
0x71: {  	[spmem:s3] =	stream.indirect.scatter.add.f32 [tilespmem:s31], [sflag:$0x9], $0x80, s14, s22, $0xb8;
	[tilespmem:$0x1F500] =	vst v63  }
0x72: {  	s14 =	smov.u32 s10;
	s10 =	sadd.s32 $0x600, s10;
	_ =	swait.ge [sflag:s6], $0x2800  }
0x73: {  	p0 =	sne.s32 s10, $0xF000;
	[sflag:s6] =	ssyncset.done $0x0  }
0x74: {  	[sflag:s6] =	ssyncadd.s32 $0xFFFFD800  }
0x75: {  	[tilespmem:s25], [sflag:$0x3] =	stream.linear.gather [hbm4b:s13+s4], $0x50, $0x38;
	[tilespmem:$0x1F500] =	vst v63  }
0x76: {  	_ =	swait.ge [sflag:s26], $0x50  }
0x77: {  	[sflag:s26] =	ssyncset.done $0x0  }
0x78: {  	[sflag:s26] =	ssyncadd.s32 $0xFFFFFFB0  }
0x79: {  	[tilespmem:s28], [sflag:$0x5] =	stream.indirect.gather [hbm4b:s1+s22], $0x80, s22, s22, $0xb8;
	[tilespmem:$0x1F500] =	vst v63  }
0x7a: {  	_ =	swait.ge [sflag:s29], $0x2800  }
0x7b: {  	s14 =	sshra.s32 s14, $0x2;
	[sflag:s29] =	ssyncset.done $0x0  }
0x7c: {  	s18 =	sadd.s32 $0x280, s14;
	[sflag:s29] =	ssyncadd.s32 $0xFFFFD800  }
0x7d: {  	[spmem:s3] =	stream.indirect.scatter.add.f32 [tilespmem:s24], [sflag:$0x7], $0x80, s18, s22, $0xb8;
	[tilespmem:$0x1F500] =	vst v63  }
0x7e: {  	_ =	swait.ge [sflag:s8], $0x2800  }
0x7f: {  	[sflag:s8] =	ssyncset.done $0x0  }
0x80: {  	[sflag:s8] =	ssyncadd.s32 $0xFFFFD800  }
0x81: {  	[tilespmem:s4], [sflag:$0x1] =	stream.linear.gather [hbm4b:s12+s4], $0x50, $0x38;
	[tilespmem:$0x1F500] =	vst v63  }
0x82: {  	_ =	swait.ge [sflag:s30], $0x50  }
0x83: {  	[sflag:s30] =	ssyncset.done $0x0  }
0x84: {  	[sflag:s30] =	ssyncadd.s32 $0xFFFFFFB0  }
0x85: {  	[tilespmem:s31], [sflag:$0x6] =	stream.indirect.gather [hbm4b:s1+s22], $0x80, s25, s22, $0xb8;
	[tilespmem:$0x1F500] =	vst v63  }
0x86: {  	_ =	swait.ge [sflag:s0], $0x2800  }
0x87: {  	[sflag:s0] =	ssyncset.done $0x0  }
0x88: {  	s18 =	sadd.s32 $0x300, s14;
	[sflag:s0] =	ssyncadd.s32 $0xFFFFD800  }
0x89: {  	[spmem:s3] =	stream.indirect.scatter.add.f32 [tilespmem:s28], [sflag:$0x8], $0x80, s18, s22, $0xb8;
	[tilespmem:$0x1F500] =	vst v63  }
0x8a: {  	_ =	swait.ge [sflag:s2], $0x2800  }
0x8b: {  	[sflag:s2] =	ssyncset.done $0x0  }
0x8c: {  	[sflag:s2] =	ssyncadd.s32 $0xFFFFD800  }
0x8d: {  	[tilespmem:s22], [sflag:$0x2] =	stream.linear.gather [hbm4b:s11+s4], $0x50, $0x38;
	[tilespmem:$0x1F500] =	vst v63  }
0x8e: {  	_ =	swait.ge [sflag:s23], $0x50  }
0x8f: {  	[sflag:s23] =	ssyncset.done $0x0  }
.Ltmp0:
0x90: {  	[sflag:s23] =	ssyncadd.s32 $0xFFFFFFB0;
	(pc) =	sbr.rel @p0 .LBB2_2-.Ltmp0, $4  }
0x91: {  	[tilespmem:s24], [sflag:$0x4] =	stream.indirect.gather [hbm4b:s1+s22], $0x80, s4, s22, $0xb8;
	[tilespmem:$0x1F500] =	vst v63  }
0x92: {  	_ =	swait.ge [sflag:s5], $0x2800  }
0x93: {  	s12 =	sadd.s32 $0x1E, s12;
	s11 =	sadd.s32 $0x1E, s11;
	[sflag:s5] =	ssyncset.done $0x0  }
0x94: {  	s13 =	sadd.s32 $0x1E, s13;
	s14 =	sadd.s32 $0x380, s14;
	[sflag:s5] =	ssyncadd.s32 $0xFFFFD800  }
0x95: {  	[spmem:s3] =	stream.indirect.scatter.add.f32 [tilespmem:s31], [sflag:$0x9], $0x80, s14, s22, $0xb8;
	[tilespmem:$0x1F500] =	vst v63  }
0x96: {  	_ =	swait.ge [sflag:s6], $0x2800  }
0x97: {  	[sflag:s6] =	ssyncset.done $0x0  }
0x98: {  	s11 =	rddreg [dreg:$0xc];
	[sflag:s6] =	ssyncadd.s32 $0xFFFFD800  }
0x99: {  	[tilespmem:s25], [sflag:$0x3] =	stream.linear.gather [hbm4b:s11+s4], $0x50, $0x38;
	[tilespmem:$0x1F500] =	vst v63  }
0x9a: {  	_ =	swait.ge [sflag:s26], $0x50  }
0x9b: {  	[sflag:s26] =	ssyncset.done $0x0  }
0x9c: {  	[sflag:s26] =	ssyncadd.s32 $0xFFFFFFB0  }
0x9d: {  	[tilespmem:s28], [sflag:$0x5] =	stream.indirect.gather [hbm4b:s1+s22], $0x80, s22, s22, $0xb8;
	[tilespmem:$0x1F500] =	vst v63  }
0x9e: {  	_ =	swait.ge [sflag:s29], $0x2800  }
0x9f: {  	s10 =	sshra.s32 s10, $0x2;
	[sflag:s29] =	ssyncset.done $0x0  }
0xa0: {  	s12 =	sadd.s32 $0x280, s10;
	[sflag:s29] =	ssyncadd.s32 $0xFFFFD800  }
0xa1: {  	[spmem:s3] =	stream.indirect.scatter.add.f32 [tilespmem:s24], [sflag:$0x7], $0x80, s12, s22, $0xb8;
	[tilespmem:$0x1F500] =	vst v63  }
0xa2: {  	_ =	swait.ge [sflag:s8], $0x2800  }
0xa3: {  	[sflag:s8] =	ssyncset.done $0x0  }
0xa4: {  	[sflag:s8] =	ssyncadd.s32 $0xFFFFD800  }
0xa5: {  	_ =	swait.ge [sflag:s30], $0x50  }
0xa6: {  	[sflag:s30] =	ssyncset.done $0x0  }
0xa7: {  	[sflag:s30] =	ssyncadd.s32 $0xFFFFFFB0  }
0xa8: {  	[tilespmem:s31], [sflag:$0x6] =	stream.indirect.gather [hbm4b:s1+s22], $0x80, s25, s22, $0xb8;
	[tilespmem:$0x1F500] =	vst v63  }
0xa9: {  	_ =	swait.ge [sflag:s0], $0x2800  }
0xaa: {  	[sflag:s0] =	ssyncset.done $0x0  }
0xab: {  	s10 =	sadd.s32 $0x300, s10;
	[sflag:s0] =	ssyncadd.s32 $0xFFFFD800  }
0xac: {  	[spmem:s3] =	stream.indirect.scatter.add.f32 [tilespmem:s28], [sflag:$0x8], $0x80, s10, s22, $0xb8;
	[tilespmem:$0x1F500] =	vst v63  }
0xad: {  	_ =	swait.ge [sflag:s2], $0x2800  }
0xae: {  	[sflag:s2] =	ssyncset.done $0x0  }
0xaf: {  	[sflag:s2] =	ssyncadd.s32 $0xFFFFD800  }
0xb0: {  	_ =	swait.ge [sflag:s5], $0x2800  }
0xb1: {  	[sflag:s5] =	ssyncset.done $0x0  }
0xb2: {  	s13 =	simm.s32 $0x3F80;
	[sflag:s5] =	ssyncadd.s32 $0xFFFFD800  }
0xb3: {  	[spmem:s3] =	stream.indirect.scatter.add.f32 [tilespmem:s31], [sflag:$0x9], $0x80, s13, s22, $0xb8;
	[tilespmem:$0x1F500] =	vst v63  }
0xb4: {  	_ =	swait.ge [sflag:s6], $0x2800  }
0xb5: {  	[sflag:s6] =	ssyncset.done $0x0  }
0xb6: {  	[sflag:s6] =	ssyncadd.s32 $0xFFFFD800  }
0xb7: {  	_ =	swait.ge [sflag:s8], $0x2800  }
0xb8: {  	[sflag:s8] =	ssyncset.done $0x0  }
0xb9: {  	[sflag:s8] =	ssyncadd.s32 $0xFFFFD800  }
0xba: {  	[bflag:$0x0] =	sbarrier.arrive $0xFFFF  }
0xbb: {  	s14 =	rddreg [dreg:$0x7]  }
0xbc: {  	[hbm:s14], [sflag:s20] =	dma.local [spmem:s21], $0x2780  }
0xbd: {  	_ =	swait.ge [sflag:s19], $0x2780  }
0xbe: {  	s9 =	sadd.s32 $0x1, s9;
	s18 =	rddreg [dreg:$0x8]  }
0xbf: {  	p0 =	sne.s32 s9, s18  }
.Ltmp1:
0xc0: {  	_ = 	snop;
	(pc) =	sbr.rel @p0 .LBB2_1-.Ltmp1, $3  }
0xc1: {  	_ =	sdelay $0x1  }
0xc2: {  	[sflag:s19] =	ssyncset.done $0x0  }
0xc3: {  	[sflag:s19] =	ssyncadd.s32 $0xFFFFD880  }
0xc4: {  	_ =	sfence.sel $0x180000  }
0xc5: {  	[bflag:$0x0] =	sbarrier.arrive $0xFFFF  }
0xc6: {  	_ =	strace $0x9000004D  }
0xc7: {  	s0 =	stileid.u32;
	[bflag:$0x2] =	sbarrier.arrive $0xFFFF  }
0xc8: {  	p0 =	sne.s32 s0, $0x0;
	s0 =	rddreg [dreg:$0x3]  }
0xc9: {  	s0 =	sadd.s32 @!p0 $0x100000, s0  }
0xca: {  	[sflag:s0] =	ssyncadd.tile.s32 @!p0 $0x1;
	_ =	shalt  }
.Lfunc_end2:
_tile_overlayer_lowered:
.L_overlay_start_2:
0xcb: {  	(tag) =	ssettag $0x2  }
0xcc: {  	s0 =	rddreg [dreg:$0x0];
	s2 =	stileid.u32  }
0xcd: {  	s1 =	rddreg [dreg:$0x1];
	p0 =	sne.s32 s2, $0x0  }
0xce: {  	s3 =	rddreg [dreg:$0x2];
	[bflag:$0x3] =	sbarrier.arrive $0xFFFF;
	s2 =	simm.s32 @!p0 $0x1C0A  }
0xcf: {  	[timem:s3], [sflag:s2] =	dma.local @!p0 [hbm:s0], s1  }
0xd0: {  	s0 =	simm.s32 @!p0 $0xA  }
0xd1: {  	_ =	swait.ge @!p0 [sflag:s0], s1  }
0xd2: {  	s1 =	ssub.s32 @!p0 $0x0, s1;
	[sflag:s0] =	ssyncset.done @!p0 $0x0  }
0xd3: {  	[sflag:s0] =	ssyncadd.s32 @!p0 s1  }
0xd4: {  	[bflag:$0x3] =	sbarrier.arrive $0xFFFF  }
0xd5: {  	_ =	shalt  }

// kernel: kernel.8.cloned.1.call-start
scs
__scs_entry_jumppad:
0x0: {  	(pc) =	sbr.rel $0x88, $3  }
0x1: {  	(tag) =	ssettag $0x0;
	lr =	simm.s32 $0x1  }
0x2: {  	[smem:$0x3F9B] =	sst lr;
	_ =	strace $0xD0000000  }
0x3: {  	_ = 	snop  }
0x4: {  	_ = 	snop  }
0x5: {  	_ = 	snop  }
0x6: {  	_ = 	snop  }
0x7: {  	_ = 	snop  }
__scs_overlays_trampoline_lowered:
0x8: {  	[smem:$0x3FAA] =	sst s0  }
0x9: {  	[smem:$0x3FAB] =	sst s1  }
0xa: {  	[smem:$0x3FAC] =	sst s2  }
0xb: {  	[smem:$0x3FAD] =	sst s3  }
0xc: {  	[smem:$0x3FAE] =	sst s4  }
0xd: {  	[smem:$0x3FAF] =	sst s5  }
0xe: {  	[smem:$0x3FB0] =	sst s6  }
0xf: {  	[smem:$0x3FB1] =	sst s7  }
0x10: {  	[smem:$0x3FB2] =	sst s8  }
0x11: {  	[smem:$0x3FB3] =	sst s9;
	s0 =	simm.s32 @!p0 $0x0  }
0x12: {  	s1 =	sld [smem:$0x3F99];
	s0 =	simm.s32 @p0 $0x1  }
0x13: {  	[smem:$0x3FB4] =	sst s0;
	s0 =	simm.s32 @!p1 $0x0  }
0x14: {  	s2 =	sld [smem:$0x3F98];
	s0 =	simm.s32 @p1 $0x1  }
0x15: {  	[smem:$0x3FB5] =	sst s0;
	s0 =	simm.s32 @!p2 $0x0  }
0x16: {  	s3 =	sld [smem:$0x3FDB];
	s0 =	simm.s32 @p2 $0x1  }
0x17: {  	s4 =	simm.s32 $0x1BF5;
	[smem:$0x3FB7] =	sst s0  }
0x18: {  	s0 =	sld [smem:$0x3F9A];
	_ =	swait.ge [sflag:s4], $0x0  }
0x19: {  	s7 =	sld [smem:$0x3F9B]  }
0x1a: {  	s8 =	sadd.s32 $0xFFFFE003, lr  }
0x1b: {  	s9 =	sadd.s32 $0xFFFFFEF7, lr;
	s5 =	simm.s32 $0xFFFFFFFF;
	p2 =	slt.u32 s8, $0xFFFFF086  }
0x1c: {  	p1 =	slt.u32 s9, $0xF7A;
	s5 =	simm.s32 @!p2 $0x0  }
0x1d: {  	s5 =	simm.s32 @p1 $0x1;
	p0 =	seq.s32 s7, s2  }
0x1e: {  	s7 =	smul.u32 @!p0 $0xF7A, s2;
	p2 =	seq.s32 @!p0 s5, $0x0  }
0x1f: {  	s9 =	smul.u32 $0xF7A, s1;
	s8 =	simm.s32 @!p0 $0x1BF5;
	p2 =	por !p2, p0  }
0x20: {  	[sflag:s8] =	ssyncset.s32 @!p0 $0xFFFFF086;
	s6 =	sadd.s32 @!p0 s3, s7;
	s7 =	simm.s32 @!p0 $0x108  }
0x21: {  	s3 =	sadd.s32 s3, s9;
	s6 =	sadd.s32 @!p0 $0x88, s6;
	s7 =	simm.s32 @p2 $0x1082  }
0x22: {  	[simem:s7], [sflag:s8] =	dma.local @!p0 [hbm:s6], $0xF7A  }
0x23: {  	s9 =	sor.u32 $0xD0000000, s2;
	s6 =	simm.s32 $0x108;
	_ =	swait.ge @!p0 [sflag:s8], $0x0  }
0x24: {  	s3 =	sadd.s32 $0x88, s3;
	s6 =	simm.s32 @!p1 $0x1082;
	[sflag:s4] =	ssyncset.s32 $0xFFFFF086  }
0x25: {  	[simem:s6], [sflag:s4] =	dma.local [hbm:s3], $0xF7A  }
0x26: {  	[smem:$0x3F9B] =	sst s1;
	(tag) =	ssettag s2;
	_ =	strace s9  }
0x27: {  	s1 =	sld [smem:$0x3FAB]  }
0x28: {  	s2 =	sld [smem:$0x3FAC]  }
0x29: {  	s4 =	sld [smem:$0x3FAE]  }
0x2a: {  	p0 =	seq.s32 s5, $0x0;
	s5 =	sld [smem:$0x3FAF]  }
0x2b: {  	s6 =	sld [smem:$0x3FB0]  }
0x2c: {  	s7 =	sld [smem:$0x3FB1]  }
0x2d: {  	s3 =	simm.s32 $0x108;
	s8 =	sld [smem:$0x3FB2]  }
0x2e: {  	s3 =	simm.s32 @!p0 $0x1082;
	s9 =	sld [smem:$0x3FB3]  }
0x2f: {  	lr =	sadd.s32 s0, s3;
	s0 =	sld [smem:$0x3FAA]  }
0x30: {  	s3 =	sld [smem:$0x3FAD]  }
0x31: {  	[smem:$0x3FB6] =	sst s10  }
0x32: {  	s10 =	sld [smem:$0x3FB4];
	_ =	sdelay $0x3  }
0x33: {  	p0 =	seq.s32 s10, $0x1;
	s10 =	sld [smem:$0x3FB6];
	_ =	sdelay $0x3  }
0x34: {  	[smem:$0x3FB6] =	sst s10  }
0x35: {  	s10 =	sld [smem:$0x3FB5];
	_ =	sdelay $0x3  }
0x36: {  	p1 =	seq.s32 s10, $0x1;
	s10 =	sld [smem:$0x3FB6];
	_ =	sdelay $0x3  }
0x37: {  	[smem:$0x3FB6] =	sst s10  }
0x38: {  	s10 =	sld [smem:$0x3FB7]  }
0x39: {  	_ = 	snop;
	(pc) =	sbr.ind lr, $3  }
0x3a: {  	_ = 	snop  }
0x3b: {  	_ = 	snop  }
0x3c: {  	p2 =	seq.s32 s10, $0x1;
	s10 =	sld [smem:$0x3FB6]  }
0x3d: {  	_ =	shalt  }
0x3e: {  	_ =	shalt  }
0x3f: {  	_ =	shalt  }
0x40: {  	_ =	shalt  }
0x41: {  	_ =	shalt  }
0x42: {  	_ =	shalt  }
0x43: {  	_ =	shalt  }
0x44: {  	_ =	shalt  }
0x45: {  	_ =	shalt  }
0x46: {  	_ =	shalt  }
0x47: {  	_ =	shalt  }
0x48: {  	_ =	shalt  }
0x49: {  	_ =	shalt  }
0x4a: {  	_ =	shalt  }
0x4b: {  	_ =	shalt  }
0x4c: {  	_ =	shalt  }
0x4d: {  	_ =	shalt  }
0x4e: {  	_ =	shalt  }
0x4f: {  	_ =	shalt  }
0x50: {  	_ =	shalt  }
0x51: {  	_ =	shalt  }
0x52: {  	_ =	shalt  }
0x53: {  	_ =	shalt  }
0x54: {  	_ =	shalt  }
0x55: {  	_ =	shalt  }
0x56: {  	_ =	shalt  }
0x57: {  	_ =	shalt  }
0x58: {  	_ =	shalt  }
0x59: {  	_ =	shalt  }
0x5a: {  	_ =	shalt  }
0x5b: {  	_ =	shalt  }
0x5c: {  	_ =	shalt  }
0x5d: {  	_ =	shalt  }
0x5e: {  	_ =	shalt  }
0x5f: {  	_ =	shalt  }
0x60: {  	_ =	shalt  }
0x61: {  	_ =	shalt  }
0x62: {  	_ =	shalt  }
0x63: {  	_ =	shalt  }
0x64: {  	_ =	shalt  }
0x65: {  	_ =	shalt  }
0x66: {  	_ =	shalt  }
0x67: {  	_ =	shalt  }
0x68: {  	_ =	shalt  }
0x69: {  	_ =	shalt  }
0x6a: {  	_ =	shalt  }
0x6b: {  	_ =	shalt  }
0x6c: {  	_ =	shalt  }
0x6d: {  	_ =	shalt  }
0x6e: {  	_ =	shalt  }
0x6f: {  	_ =	shalt  }
0x70: {  	_ =	shalt  }
0x71: {  	_ =	shalt  }
0x72: {  	_ =	shalt  }
0x73: {  	_ =	shalt  }
0x74: {  	_ =	shalt  }
0x75: {  	_ =	shalt  }
0x76: {  	_ =	shalt  }
0x77: {  	_ =	shalt  }
0x78: {  	_ =	shalt  }
0x79: {  	_ =	shalt  }
0x7a: {  	_ =	shalt  }
0x7b: {  	_ =	shalt  }
0x7c: {  	_ =	shalt  }
0x7d: {  	_ =	shalt  }
0x7e: {  	_ =	shalt  }
0x7f: {  	_ =	shalt  }
0x80: {  	_ =	shalt  }
0x81: {  	_ =	shalt  }
0x82: {  	_ =	shalt  }
0x83: {  	_ =	shalt  }
0x84: {  	_ =	shalt  }
0x85: {  	_ =	shalt  }
0x86: {  	_ =	shalt  }
0x87: {  	_ =	shalt  }
.Lfunc_end0:
.L_simem_size_0:
called_computation_lowered:
.L_overlay_start_0:
0x88: {  	s2 =	sld [smem:$0x3FD9]  }
0x89: {  	s3 =	sld [smem:$0x3FFE];
	_ =	sdelay $0x1  }
0x8a: {  	s1 =	srdreg.scid  }
0x8b: {  	s0 =	sand.u32 $0x1, s1  }
0x8c: {  	s17 =	sshll.u32 s0, $0xA;
	s2 =	sadd.s32 s3, s2  }
0x8d: {  	s2 =	sadd.s32 s2, s17  }
0x8e: {  	[smem:$0x3FC2] =	sst s2  }
0x8f: {  	_ = 	snop  }
0x90: {  	s2 =	sld [smem:$0x3FD0];
	(tm) =	ssettm $0x1  }
0x91: {  	s18 =	sld [smem:$0x3FFB];
	_ =	sdelay $0x3  }
0x92: {  	_ =	strace s18  }
0x93: {  	s3 =	sld [smem:$0x3FFC];
	_ =	sdelay $0x3  }
0x94: {  	_ =	strace s3  }
0x95: {  	s3 =	sld [smem:$0x3FFD];
	_ =	sdelay $0x3  }
0x96: {  	_ =	strace s3  }
0x97: {  	_ =	strace $0x8FFFFFFF  }
0x98: {  	s19 =	sld [smem:$0x3FDB];
	_ =	sdelay $0x1  }
0x99: {  	s4 =	simm.s32 $_scs_section_size  }
0x9a: {  	s5 =	simm.s32 $_size__tile_overlayer_lowered;
	s6 =	simm.s32 $_tile_overlayer_lowered  }
0x9b: {  	s22 =	simm.s32 $0x1BFF;
	s21 =	sshll.u32 s6, $0x1;
	s3 =	sadd.s32 s4, s19  }
0x9c: {  	s7 =	simm.s32 $0x0;
	s20 =	sshll.u32 s5, $0x1;
	s5 =	sadd.s32 s21, s3  }
0x9d: {  	[timem:s7], [sflag:s22] =	dma.local [hbm:s5], s20  }
0x9e: {  	_ =	swait.ge [sflag:s22], s20  }
0x9f: {  	s4 =	ssub.s32 $0x0, s20;
	[sflag:s22] =	ssyncset.done $0x0  }
0xa0: {  	[sflag:s22] =	ssyncadd.s32 s4;
	_ =	sdelay $0x1  }
0xa1: {  	s23 =	simm.s32 $0x1B8B  }
0xa2: {  	_ =	swait.ge [sflag:s23], $0x1  }
0xa3: {  	[sflag:s23] =	ssyncset.done $0x0  }
0xa4: {  	s25 =	simm.s32 $0x1B8E;
	s24 =	sld [smem:$0x3FFE];
	[sflag:s23] =	ssyncadd.s32 $0xFFFFFFFF  }
0xa5: {  	s26 =	simm.s32 $execute0_lowered;
	[smem:$0x3FD2] =	sst s25  }
0xa6: {  	s5 =	sshll.u32 s26, $0x1;
	_ =	strace $0x80000046;
	[dreg:$0x1] =	wrdreg $0xFFFFFFFF  }
0xa7: {  	s28 =	simm.s32 $_size_execute0_lowered;
	s3 =	sadd.s32 s3, s5;
	[dreg:$0x0] =	wrdreg $0x0  }
0xa8: {  	s5 =	sshll.u32 s28, $0x1;
	[dreg:$0x2] =	wrdreg s3  }
0xa9: {  	[dreg:$0x3] =	wrdreg s5  }
0xaa: {  	[dreg:$0x4] =	wrdreg $0xC0  }
0xab: {  	_ =	task [dreg:s7], $0x5FFFF  }
0xac: {  	[dreg:$0x1] =	wrdreg $0xFFFFFFFF  }
0xad: {  	[dreg:$0x0] =	wrdreg $0x60  }
0xae: {  	[dreg:$0x2] =	wrdreg s2  }
0xaf: {  	[dreg:$0x3] =	wrdreg s24  }
0xb0: {  	[dreg:$0x4] =	wrdreg $0x83000  }
0xb1: {  	[dreg:$0x5] =	wrdreg $0x85780  }
0xb2: {  	[dreg:$0x6] =	wrdreg $0x9  }
0xb3: {  	_ =	task.clear_ibuf [dreg:s7], $0x7FFFF;
	_ =	strace $0x90000046  }
0xb4: {  	s29 =	simm.s32 $0x9;
	_ =	strace $0x80000048  }
0xb5: {  	_ =	swait.ge [sflag:s29], $0x1  }
0xb6: {  	[sflag:s29] =	ssyncadd.s32 $0xFFFFFFFF  }
0xb7: {  	_ =	strace $0x90000048  }
0xb8: {  	_ =	sfence  }
0xb9: {  	s30 =	sld [smem:$0x0];
	_ =	sdelay $0x2  }
0xba: {  	s31 =	sshll.u32 s1, $0xD;
	s1 =	sshrl.u32 s1, $0x2  }
0xbb: {  	s3 =	sand.u32 $0x4000, s31;
	s1 =	sadd.s32 s1, s30  }
0xbc: {  	s0 =	sor.u32 s3, s0;
	s1 =	sshll.u32 s1, $0x11  }
0xbd: {  	s0 =	sor.u32 s1, s0  }
0xbe: {  	s0 =	sadd.s32 $0x8F2B, s0  }
0xbf: {  	[sflag:s0] =	ssyncadd.remote.s32 $0x1  }
0xc0: {  	_ =	sfence.sel $0xFFFF  }
0xc1: {  	[dreg:$0x0] =	wrdreg $0xFFFFFFFF;
	(pc) =	sbr.abs _section_cstart, $3  }
0xc2: {  	[dreg:$0x1] =	wrdreg $0xFFFFFFFF  }
0xc3: {  	_ =	task.clear_ibuf [dreg:s7], $0x2FFFF;
	_ =	strace $0x9FFFFFFF  }
0xc4: {  	(tm) =	ssettm $0x7FFFFFFF  }
0xc5: {  	_ =	shalt  }
tec
execute0_lowered:
.L_overlay_start_1:
0x0: {  	(tag) =	ssettag $0x1  }
0x1: {  	s5 =	rddreg [dreg:$0x0]  }
0x2: {  	s6 =	rddreg [dreg:$0x1]  }
0x3: {  	s2 =	rddreg [dreg:$0x2]  }
0x4: {  	s3 =	rddreg [dreg:$0x3]  }
0x5: {  	s0 =	rddreg [dreg:$0x4];
	s7 =	srdreg.scid  }
0x6: {  	s1 =	stileid.u32;
	s4 =	simm.s32 $0x0;
	s14 =	simm.s32 $0x8080  }
0x7: {  	s15 =	simm.s32 $0x50;
	s16 =	simm.s32 $0x8000;
	s17 =	simm.s32 $0x80  }
0x8: {  	s18 =	simm.s32 $0x4080;
	s19 =	simm.s32 $0x1;
	s20 =	simm.s32 $0x3  }
0x9: {  	s21 =	simm.s32 $0x2;
	s22 =	simm.s32 $0x4;
	s23 =	simm.s32 $0x0  }
0xa: {  	s7 =	sand.u32 $0x1, s7;
	s8 =	smul.u32 $0x278, s1;
	[smem:$0x7FF] =	sst s4  }
0xb: {  	s10 =	sshll.u32 s1, $0xC;
	s9 =	smul.u32 $0x4F00, s7;
	s11 =	sshll.u32 s7, $0xB  }
0xc: {  	_ =	strace $0x80000047;
	s7 =	ssub.s32 $0x2, s7;
	s10 =	sor.u32 s11, s10  }
0xd: {  	s12 =	sshrl.u32 s7, $0x1;
	s9 =	sadd.s32 s8, s9;
	s11 =	sadd.s32 s10, s6  }
0xe: {  	s12 =	ssub.s32 s7, s12;
	s5 =	sadd.s32 s5, s10;
	s9 =	sshrl.u32 s9, $0x3  }
0xf: {  	s7 =	sadd.s32 s8, s2;
	s8 =	sadd.s32 s8, s3;
	s13 =	sadd.s32 s9, s6  }
0x10: {  	s6 =	sadd.s32 $0x1E00, s11;
	s11 =	smax.u32 s12, $0x1;
	s12 =	simm.s32 $0x5  }
0x11: {  	v0 =	vimm.f32 $1.000000000e+00;
	v1 =	vimm.f32 $0.0e+00;
	s9 =	sadd.s32 $0x11E00, s13;
	s10 =	sadd.s32 $0x122F0, s13;
	s13 =	simm.s32 $0x4000  }
.LBB2_1:
0x12: {  	[tilespmem:$0x8000] =	vst v0  }
0x13: {  	[tilespmem:$0x8010] =	vst v0  }
0x14: {  	[tilespmem:$0x8020] =	vst v0  }
0x15: {  	[tilespmem:$0x8030] =	vst v0  }
0x16: {  	[tilespmem:$0x8040] =	vst v0  }
0x17: {  	[tilespmem:$0x8080] =	vst v1  }
0x18: {  	[tilespmem:$0x8090] =	vst v1  }
0x19: {  	[tilespmem:$0x80A0] =	vst v1  }
0x1a: {  	[tilespmem:$0x80B0] =	vst v1  }
0x1b: {  	[tilespmem:$0x80C0] =	vst v1  }
0x1c: {  	[tilespmem:$0x80D0] =	vst v1  }
0x1d: {  	[tilespmem:$0x80E0] =	vst v1  }
0x1e: {  	[tilespmem:$0x80F0] =	vst v1  }
0x1f: {  	[tilespmem:$0x8100] =	vst v1  }
0x20: {  	[tilespmem:$0x8110] =	vst v1  }
0x21: {  	[tilespmem:$0x8120] =	vst v1  }
0x22: {  	[tilespmem:$0x8130] =	vst v1  }
0x23: {  	[tilespmem:$0x8140] =	vst v1  }
0x24: {  	[tilespmem:$0x8150] =	vst v1  }
0x25: {  	[tilespmem:$0x8160] =	vst v1  }
0x26: {  	[tilespmem:$0x8170] =	vst v1  }
0x27: {  	[tilespmem:$0x8180] =	vst v1  }
0x28: {  	[tilespmem:$0x8190] =	vst v1  }
0x29: {  	[tilespmem:$0x81A0] =	vst v1  }
0x2a: {  	[tilespmem:$0x81B0] =	vst v1  }
0x2b: {  	[tilespmem:$0x81C0] =	vst v1  }
0x2c: {  	[tilespmem:$0x81D0] =	vst v1  }
0x2d: {  	[tilespmem:$0x81E0] =	vst v1  }
0x2e: {  	[tilespmem:$0x81F0] =	vst v1  }
0x2f: {  	[tilespmem:$0x8200] =	vst v1  }
0x30: {  	[tilespmem:$0x8210] =	vst v1  }
0x31: {  	[tilespmem:$0x8220] =	vst v1  }
0x32: {  	[tilespmem:$0x8230] =	vst v1  }
0x33: {  	[tilespmem:$0x8240] =	vst v1  }
0x34: {  	[tilespmem:$0x8250] =	vst v1  }
0x35: {  	[tilespmem:$0x8260] =	vst v1  }
0x36: {  	[tilespmem:$0x8270] =	vst v1  }
0x37: {  	[tilespmem:$0x8280] =	vst v1  }
0x38: {  	[tilespmem:$0x8290] =	vst v1  }
0x39: {  	[tilespmem:$0x82A0] =	vst v1  }
0x3a: {  	[tilespmem:$0x82B0] =	vst v1  }
0x3b: {  	[tilespmem:$0x82C0] =	vst v1  }
0x3c: {  	[tilespmem:$0x82D0] =	vst v1  }
0x3d: {  	[tilespmem:$0x82E0] =	vst v1  }
0x3e: {  	[tilespmem:s4], [sflag:$0x5] =	stream.linear.gather [hbm4b:s5+s4], $0x3F00, $0x38;
	[tilespmem:$0x87F0] =	vst v63  }
0x3f: {  	_ =	swait.ge [sflag:s12], $0x3F00  }
0x40: {  	[sflag:s12] =	ssyncset.done $0x0  }
0x41: {  	[sflag:s12] =	ssyncadd.s32 $0xFFFFC100  }
0x42: {  	[tilespmem:s13], [sflag:$0x5] =	stream.linear.gather [hbm4b:s6+s4], $0x3F00, $0x38;
	[tilespmem:$0x87F0] =	vst v63  }
0x43: {  	_ =	swait.ge [sflag:s12], $0x3F00  }
0x44: {  	[sflag:s12] =	ssyncset.done $0x0  }
0x45: {  	[sflag:s12] =	ssyncadd.s32 $0xFFFFC100  }
0x46: {  	[spmem:s7] =	stream.linear.scatter [tilespmem:s14], [sflag:$0x5], $0x278, $0x38;
	[tilespmem:$0x87F0] =	vst v63  }
0x47: {  	_ =	swait.ge [sflag:s12], $0x278  }
0x48: {  	[sflag:s12] =	ssyncset.done $0x0  }
0x49: {  	[sflag:s12] =	ssyncadd.s32 $0xFFFFFD88  }
0x4a: {  	[spmem:s8] =	stream.linear.scatter [tilespmem:s14], [sflag:$0x5], $0x278, $0x38;
	[tilespmem:$0x87F0] =	vst v63  }
0x4b: {  	_ =	swait.ge [sflag:s12], $0x278  }
0x4c: {  	[sflag:s12] =	ssyncset.done $0x0  }
0x4d: {  	[sflag:s12] =	ssyncadd.s32 $0xFFFFFD88  }
0x4e: {  	[bflag:$0x0] =	sbarrier.arrive $0xFFFF  }
0x4f: {  	[spmem:s2] =	stream.indirect.scatter.add.f32 [tilespmem:s16], [sflag:$0x1], $0x1, s4, s15, $0xb8;
	[tilespmem:$0x87F0] =	vst v63  }
0x50: {  	_ = 	snop  }
0x51: {  	[spmem:s3] =	stream.indirect.scatter.add.f32 [tilespmem:s16], [sflag:$0x3], $0x1, s13, s15, $0xb8;
	[tilespmem:$0x87F0] =	vst v63  }
0x52: {  	_ = 	snop  }
0x53: {  	[spmem:s2] =	stream.indirect.scatter.add.f32 [tilespmem:s16], [sflag:$0x2], $0x1, s17, s15, $0xb8;
	[tilespmem:$0x87F0] =	vst v63  }
0x54: {  	_ = 	snop  }
0x55: {  	[spmem:s3] =	stream.indirect.scatter.add.f32 [tilespmem:s16], [sflag:$0x4], $0x1, s18, s15, $0xb8;
	[tilespmem:$0x87F0] =	vst v63  }
0x56: {  	_ =	swait.ge [sflag:s19], $0x50  }
0x57: {  	[sflag:s19] =	ssyncset.done $0x0  }
0x58: {  	[sflag:s19] =	ssyncadd.s32 $0xFFFFFFB0  }
0x59: {  	_ =	swait.ge [sflag:s20], $0x50  }
0x5a: {  	[sflag:s20] =	ssyncset.done $0x0  }
0x5b: {  	s24 =	simm.s32 $0x100;
	[sflag:s20] =	ssyncadd.s32 $0xFFFFFFB0  }
0x5c: {  	[spmem:s2] =	stream.indirect.scatter.add.f32 [tilespmem:s16], [sflag:$0x1], $0x1, s24, s15, $0xb8;
	[tilespmem:$0x87F0] =	vst v63  }
0x5d: {  	s30 =	simm.s32 $0x4100  }
0x5e: {  	[spmem:s3] =	stream.indirect.scatter.add.f32 [tilespmem:s16], [sflag:$0x3], $0x1, s30, s15, $0xb8;
	[tilespmem:$0x87F0] =	vst v63  }
0x5f: {  	_ =	swait.ge [sflag:s21], $0x50  }
0x60: {  	[sflag:s21] =	ssyncset.done $0x0  }
0x61: {  	[sflag:s21] =	ssyncadd.s32 $0xFFFFFFB0  }
0x62: {  	_ =	swait.ge [sflag:s22], $0x50  }
0x63: {  	s31 =	simm.s32 $0x180;
	[sflag:s22] =	ssyncset.done $0x0  }
0x64: {  	s25 =	simm.s32 $0x4180;
	s24 =	simm.s32 $0xFFFF0C00;
	[sflag:s22] =	ssyncadd.s32 $0xFFFFFFB0  }
0x65: {  	[spmem:s2] =	stream.indirect.scatter.add.f32 [tilespmem:s16], [sflag:$0x2], $0x1, s31, s15, $0xb8;
	[tilespmem:$0x87F0] =	vst v63  }
.LBB2_2:
0x66: {  	[spmem:s3] =	stream.indirect.scatter.add.f32 [tilespmem:s16], [sflag:$0x4], $0x1, s25, s15, $0xb8;
	[tilespmem:$0x87F0] =	vst v63  }
0x67: {  	s25 =	smov.u32 s24  }
0x68: {  	p0 =	sne.s32 s24, $0xFFFFFC00;
	s24 =	sadd.s32 $0x400, s24;
	_ =	swait.ge [sflag:s19], $0x50  }
0x69: {  	[sflag:s19] =	ssyncset.done $0x0  }
0x6a: {  	[sflag:s19] =	ssyncadd.s32 $0xFFFFFFB0  }
0x6b: {  	_ =	swait.ge [sflag:s20], $0x50  }
0x6c: {  	s25 =	sshra.s32 s25, $0x2;
	[sflag:s20] =	ssyncset.done $0x0  }
0x6d: {  	s26 =	sadd.s32 $0x3F00, s25;
	[sflag:s20] =	ssyncadd.s32 $0xFFFFFFB0  }
0x6e: {  	[spmem:s2] =	stream.indirect.scatter.add.f32 [tilespmem:s16], [sflag:$0x1], $0x1, s26, s15, $0xb8;
	[tilespmem:$0x87F0] =	vst v63  }
0x6f: {  	s26 =	sadd.s32 $0x7F00, s25  }
0x70: {  	[spmem:s3] =	stream.indirect.scatter.add.f32 [tilespmem:s16], [sflag:$0x3], $0x1, s26, s15, $0xb8;
	[tilespmem:$0x87F0] =	vst v63  }
0x71: {  	_ =	swait.ge [sflag:s21], $0x50  }
0x72: {  	[sflag:s21] =	ssyncset.done $0x0  }
0x73: {  	[sflag:s21] =	ssyncadd.s32 $0xFFFFFFB0  }
.Ltmp0:
0x74: {  	_ =	swait.ge [sflag:s22], $0x50;
	(pc) =	sbr.rel @p0 .LBB2_2-.Ltmp0, $4  }
0x75: {  	[sflag:s22] =	ssyncset.done $0x0  }
0x76: {  	s26 =	sadd.s32 $0x3F80, s25;
	[sflag:s22] =	ssyncadd.s32 $0xFFFFFFB0  }
0x77: {  	[spmem:s2] =	stream.indirect.scatter.add.f32 [tilespmem:s16], [sflag:$0x2], $0x1, s26, s15, $0xb8;
	[tilespmem:$0x87F0] =	vst v63  }
0x78: {  	s25 =	sadd.s32 $0x7F80, s25  }
0x79: {  	[spmem:s3] =	stream.indirect.scatter.add.f32 [tilespmem:s16], [sflag:$0x4], $0x1, s25, s15, $0xb8;
	[tilespmem:$0x87F0] =	vst v63  }
0x7a: {  	_ =	swait.ge [sflag:s19], $0x50  }
0x7b: {  	[sflag:s19] =	ssyncset.done $0x0  }
0x7c: {  	[sflag:s19] =	ssyncadd.s32 $0xFFFFFFB0  }
0x7d: {  	_ =	swait.ge [sflag:s20], $0x50  }
0x7e: {  	[sflag:s20] =	ssyncset.done $0x0  }
0x7f: {  	[sflag:s20] =	ssyncadd.s32 $0xFFFFFFB0  }
0x80: {  	_ =	swait.ge [sflag:s21], $0x50  }
0x81: {  	[sflag:s21] =	ssyncset.done $0x0  }
0x82: {  	[sflag:s21] =	ssyncadd.s32 $0xFFFFFFB0  }
0x83: {  	_ =	swait.ge [sflag:s22], $0x50  }
0x84: {  	[sflag:s22] =	ssyncset.done $0x0  }
0x85: {  	[sflag:s22] =	ssyncadd.s32 $0xFFFFFFB0  }
0x86: {  	[bflag:$0x0] =	sbarrier.arrive $0xFFFF  }
0x87: {  	[tilespmem:s14], [sflag:$0x5] =	stream.linear.gather [spmem:s7], $0x278, $0x38;
	[tilespmem:$0x87F0] =	vst v63  }
0x88: {  	_ =	swait.ge [sflag:s12], $0x278  }
0x89: {  	[sflag:s12] =	ssyncset.done $0x0  }
0x8a: {  	[sflag:s12] =	ssyncadd.s32 $0xFFFFFD88  }
0x8b: {  	[hbm4b:s9+s4] =	stream.linear.scatter [tilespmem:s14], [sflag:$0x5], $0x278, $0x38;
	[tilespmem:$0x87F0] =	vst v63  }
0x8c: {  	_ =	swait.ge [sflag:s12], $0x278  }
0x8d: {  	[sflag:s12] =	ssyncset.done $0x0  }
0x8e: {  	[sflag:s12] =	ssyncadd.s32 $0xFFFFFD88  }
0x8f: {  	[tilespmem:s14], [sflag:$0x5] =	stream.linear.gather [spmem:s8], $0x278, $0x38;
	[tilespmem:$0x87F0] =	vst v63  }
0x90: {  	s23 =	sadd.s32 $0x1, s23;
	_ =	swait.ge [sflag:s12], $0x278  }
0x91: {  	p0 =	sne.s32 s23, s11;
	[sflag:s12] =	ssyncset.done $0x0  }
.Ltmp1:
0x92: {  	[sflag:s12] =	ssyncadd.s32 $0xFFFFFD88;
	(pc) =	sbr.rel @p0 .LBB2_1-.Ltmp1, $4  }
0x93: {  	[hbm4b:s10+s4] =	stream.linear.scatter [tilespmem:s14], [sflag:$0x5], $0x278, $0x38;
	[tilespmem:$0x87F0] =	vst v63  }
0x94: {  	_ =	swait.ge [sflag:s12], $0x278  }
0x95: {  	[sflag:s12] =	ssyncset.done $0x0  }
0x96: {  	[sflag:s12] =	ssyncadd.s32 $0xFFFFFD88  }
0x97: {  	_ =	sfence.sel $0x180000  }
0x98: {  	[bflag:$0x0] =	sbarrier.arrive $0xFFFF  }
0x99: {  	p0 =	sne.s32 s1, $0x0;
	_ =	strace $0x90000047  }
0x9a: {  	s0 =	sadd.s32 @!p0 $0x100000, s0;
	[bflag:$0x2] =	sbarrier.arrive $0xFFFF  }
0x9b: {  	[sflag:s0] =	ssyncadd.tile.s32 @!p0 $0x1;
	_ =	shalt  }
.Lfunc_end2:
_tile_overlayer_lowered:
.L_overlay_start_2:
0x9c: {  	(tag) =	ssettag $0x2  }
0x9d: {  	s0 =	rddreg [dreg:$0x0];
	s2 =	stileid.u32  }
0x9e: {  	s1 =	rddreg [dreg:$0x1];
	p0 =	sne.s32 s2, $0x0  }
0x9f: {  	s3 =	rddreg [dreg:$0x2];
	[bflag:$0x3] =	sbarrier.arrive $0xFFFF;
	s2 =	simm.s32 @!p0 $0x1C05  }
0xa0: {  	[timem:s3], [sflag:s2] =	dma.local @!p0 [hbm:s0], s1  }
0xa1: {  	s0 =	simm.s32 @!p0 $0x5  }
0xa2: {  	_ =	swait.ge @!p0 [sflag:s0], s1  }
0xa3: {  	s1 =	ssub.s32 @!p0 $0x0, s1;
	[sflag:s0] =	ssyncset.done @!p0 $0x0  }
0xa4: {  	[sflag:s0] =	ssyncadd.s32 @!p0 s1  }
0xa5: {  	[bflag:$0x3] =	sbarrier.arrive $0xFFFF  }
0xa6: {  	_ =	shalt  }

</sc_bundles>
